<compile_context>
chip_gen: v7x
topology: tpu7x:2x2x1
jax: 0.10.2.dev20260603
libtpu: 0.0.44.dev20260713+nightly
codegen_flags: <defaults>
</compile_context>

<pallas_src>
import jax
import jax.numpy as jnp
from jax import lax
from jax.experimental import pallas as pl
from jax.experimental.pallas import tpu as pltpu
from jax.experimental.pallas import tpu_sc as plsc

L = 16
NUM_CORES = 2
NUM_SUBCORES = 16
NW = NUM_CORES * NUM_SUBCORES


def kernel(tile_coords, locs, source_params, slen, ptile_slen, edge_padding):
    B, MS, _ = locs.shape
    NPT = tile_coords.shape[0]
    NSP = source_params.shape[2]
    ROWS = B * NPT
    RPW = ROWS // NW
    CHUNKS = MS // L

    f32 = jnp.float32
    i32 = jnp.int32

    ep = jnp.asarray(edge_padding, f32)
    ps = jnp.asarray(ptile_slen, f32)
    tc = tile_coords.astype(f32)
    ax = tc[:, 0] + (ep - 0.5)
    bx = tc[:, 0] + (ps - ep - 0.5)
    ay = tc[:, 1] + (ep - 0.5)
    by = tc[:, 1] + (ps - ep - 0.5)
    bounds = jnp.stack([ax, bx, ay, by], axis=1).reshape(-1)

    params = jnp.zeros((L,), f32)
    params = params.at[0].set(jnp.asarray(slen, f32) - 1.0)
    params = params.at[1].set(ps - 2.0 * ep)

    locs_t = jnp.transpose(locs, (0, 2, 1))
    sp_t = jnp.transpose(source_params, (0, 2, 1))

    mesh = plsc.VectorSubcoreMesh(
        core_axis_name="c", subcore_axis_name="s",
        num_cores=NUM_CORES, num_subcores=NUM_SUBCORES)

    out_type = (
        jax.ShapeDtypeStruct((ROWS, 2 * MS), f32),
        jax.ShapeDtypeStruct((ROWS, NSP * MS), f32),
        jax.ShapeDtypeStruct((ROWS,), i32),
        jax.ShapeDtypeStruct((ROWS, MS), i32),
    )

    @pl.kernel(
        out_type=out_type,
        mesh=mesh,
        compiler_params=pltpu.CompilerParams(needs_layout_passes=False),
        scratch_types=[
            pltpu.VMEM((MS,), f32),
            pltpu.VMEM((MS,), f32),
            pltpu.VMEM((NSP, MS), f32),
            pltpu.VMEM((RPW * 4 + L,), f32),
            pltpu.VMEM((L,), f32),
            pltpu.VMEM((2 * MS,), f32),
            pltpu.VMEM((2 * MS,), f32),
            pltpu.VMEM((NSP * MS,), f32),
            pltpu.VMEM((NSP * MS,), f32),
            pltpu.VMEM((MS,), i32),
            pltpu.VMEM((MS,), i32),
            pltpu.VMEM((RPW,), i32),
            pltpu.SemaphoreType.DMA,
            pltpu.SemaphoreType.DMA,
        ],
    )
    def sc_encode(locs_hbm, sp_hbm, bounds_hbm, params_hbm,
                  out_xy, out_sp, out_n, out_ison,
                  lux_v, luy_v, spv, bounds_v, params_v,
                  rowxyA, rowxyB, rowspA, rowspB, rowisonA, rowisonB,
                  nbuf, semA, semB):
        wid = lax.axis_index("s") * NUM_CORES + lax.axis_index("c")
        base_row = wid * RPW
        b = base_row // NPT
        p0 = lax.rem(base_row, NPT)

        pltpu.sync_copy(locs_hbm.at[b, 0], lux_v)
        pltpu.sync_copy(locs_hbm.at[b, 1], luy_v)
        pltpu.sync_copy(sp_hbm.at[b], spv)
        pltpu.sync_copy(bounds_hbm.at[pl.ds(p0 * 4, RPW * 4)],
                        bounds_v.at[pl.ds(0, RPW * 4)])
        pltpu.sync_copy(params_hbm, params_v)

        pv = params_v[...]
        slenm1 = pv[0]
        denom = pv[1]
        zf = jnp.zeros((L,), f32)
        zi = jnp.zeros((L,), i32)
        onesi = jnp.ones((L,), i32)

        def presc(t, carry):
            lux_v[pl.ds(t * L, L)] = lux_v[pl.ds(t * L, L)] * slenm1
            luy_v[pl.ds(t * L, L)] = luy_v[pl.ds(t * L, L)] * slenm1
            return carry
        lax.fori_loop(0, CHUNKS, presc, 0)

        for rxy, rsp, ris in ((rowxyA, rowspA, rowisonA),
                              (rowxyB, rowspB, rowisonB)):
            def zsp(t, carry, rsp=rsp):
                rsp[pl.ds(t * L, L)] = zf
                return carry
            lax.fori_loop(0, (NSP * MS) // L, zsp, 0)

            def zxy(t, carry, rxy=rxy):
                rxy[pl.ds(t * L, L)] = zf
                return carry
            lax.fori_loop(0, (2 * MS) // L, zxy, 0)

            def zison(t, carry, ris=ris):
                ris[pl.ds(t * L, L)] = zi
                return carry
            lax.fori_loop(0, MS // L, zison, 0)

        def do_row(i, rxy, rsp, ris, sem, n_prev, t):
            @pl.when(t > 0)
            def _():
                pltpu.make_async_copy(rxy, out_xy.at[0], sem).wait()
                pltpu.make_async_copy(rsp, out_sp.at[0], sem).wait()
                pltpu.make_async_copy(ris, out_ison.at[0], sem).wait()

                def zx(u, carry):
                    rxy[pl.ds(u * L, L)] = zf
                    return carry
                lax.fori_loop(0, (2 * n_prev + L - 1) // L, zx, 0)

                def zs(u, carry):
                    rsp[pl.ds(u * L, L)] = zf
                    return carry
                lax.fori_loop(0, (NSP * n_prev + L - 1) // L, zs, 0)

                def zo(u, carry):
                    ris[pl.ds(u * L, L)] = zi
                    return carry
                lax.fori_loop(0, (n_prev + L - 1) // L, zo, 0)

            bv = bounds_v[pl.ds(i * 4, L)]
            axr = bv[0]
            bxr = bv[1]
            ayr = bv[2]
            byr = bv[3]

            def chunk_body(c, n):
                vx = lux_v[pl.ds(c * L, L)]
                vy = luy_v[pl.ds(c * L, L)]
                m = ((vx > axr) & (vx < bxr) & (vx != 0.0)
                     & (vy > ayr) & (vy < byr) & (vy != 0.0))
                cnt = plsc.all_reduce_population_count(m)[0]

                @pl.when(cnt > 0)
                def _():
                    mi = jnp.where(m, onesi, zi)
                    pos = n + plsc.cumsum(mi) - 1
                    tx = (vx - axr) / denom
                    ty = (vy - ayr) / denom
                    plsc.store_scatter(rxy, [pos * 2], tx, mask=m)
                    plsc.store_scatter(rxy, [pos * 2 + 1], ty, mask=m)
                    for f in range(NSP):
                        vf = spv[f, pl.ds(c * L, L)]
                        plsc.store_scatter(rsp, [pos * NSP + f], vf, mask=m)
                    plsc.store_scatter(ris, [pos], onesi, mask=m)

                return n + cnt

            n = lax.fori_loop(0, CHUNKS, chunk_body, jnp.asarray(0, i32),
                              unroll=4)
            plsc.store_scatter(nbuf, [jnp.full((L,), i, i32)],
                               jnp.full((L,), n, i32),
                               mask=lax.iota(i32, L) == 0)

            r = base_row + i
            pltpu.async_copy(rxy, out_xy.at[r], sem)
            pltpu.async_copy(rsp, out_sp.at[r], sem)
            pltpu.async_copy(ris, out_ison.at[r], sem)
            return n

        def pair_body(t, carry):
            nA, nB = carry
            nA = do_row(2 * t, rowxyA, rowspA, rowisonA, semA, nA, t)
            nB = do_row(2 * t + 1, rowxyB, rowspB, rowisonB, semB, nB, t)
            return (nA, nB)

        lax.fori_loop(0, RPW // 2, pair_body,
                      (jnp.asarray(0, i32), jnp.asarray(0, i32)))

        pltpu.make_async_copy(rowxyA, out_xy.at[0], semA).wait()
        pltpu.make_async_copy(rowspA, out_sp.at[0], semA).wait()
        pltpu.make_async_copy(rowisonA, out_ison.at[0], semA).wait()
        pltpu.make_async_copy(rowxyB, out_xy.at[0], semB).wait()
        pltpu.make_async_copy(rowspB, out_sp.at[0], semB).wait()
        pltpu.make_async_copy(rowisonB, out_ison.at[0], semB).wait()

        pltpu.sync_copy(nbuf, out_n.at[pl.ds(base_row, RPW)])

    out_xy, out_sp, out_n, out_ison = sc_encode(locs_t, sp_t, bounds, params)
    new_locs = out_xy.reshape(ROWS, MS, 2)
    new_sp = out_sp.reshape(ROWS, MS, NSP)
    return new_locs, new_sp, out_n, out_ison

# --- scband reference (transcript-rebuilt; emitter-appended) ---
"""Pipeline reference for scband-source-encoder-52355651338901 (READ-ONLY COPY).

The authoritative reference and input builder live on the scoring server;
editing this copy changes nothing except your own understanding.
"""

import jax
import jax.numpy as jnp
import numpy as np

B = 4
MAX_SOURCES = 2000
N_SOURCE_PARAMS = 4
SLEN = 100
PTILE_SLEN = 8
STEP = 4
EDGE_PADDING = 0


def get_ptile_coords(image_xlen, image_ylen, ptile_slen, step):
    nx_ptiles = (image_xlen - ptile_slen) // step + 1
    ny_ptiles = (image_ylen - ptile_slen) // step + 1
    n_ptiles = nx_ptiles * ny_ptiles
    i = np.arange(n_ptiles)
    coords = np.stack([i // ny_ptiles * step, i % ny_ptiles * step], axis=1)
    return jnp.asarray(coords, dtype=jnp.int32)


def setup_inputs(seed: int = 0):
    key = jax.random.key(seed)
    k1, k2 = jax.random.split(key)
    locs = jax.random.uniform(k1, (B, MAX_SOURCES, 2), dtype=jnp.float32)
    source_params = jax.random.uniform(k2, (B, MAX_SOURCES, N_SOURCE_PARAMS), dtype=jnp.float32)
    tile_coords = get_ptile_coords(SLEN, SLEN, PTILE_SLEN, STEP)
    return {"tile_coords": tile_coords, "locs": locs, "source_params": source_params,
            "slen": SLEN, "ptile_slen": PTILE_SLEN, "edge_padding": EDGE_PADDING}


def _bring_to_front(is_on, is_on_full, source_params, locs):
    # stable argsort pushes 'on' entries to the front per row (jax argsort is stable)
    order = jnp.argsort(jnp.logical_not(is_on).astype(jnp.int32), axis=1)
    indx = order * is_on_full.astype(order.dtype)
    mask = is_on_full[:, :, None].astype(jnp.float32)
    new_sp = jnp.take_along_axis(source_params, jnp.broadcast_to(indx[:, :, None], source_params.shape), axis=1) * mask
    new_locs = jnp.take_along_axis(locs, jnp.broadcast_to(indx[:, :, None], locs.shape), axis=1) * mask
    return new_sp, new_locs


def reference(tile_coords, locs, source_params, slen, ptile_slen, edge_padding):
    n_ptiles = tile_coords.shape[0]
    fullimage_batchsize = locs.shape[0]
    max_sources = locs.shape[1]
    subimage_batchsize = n_ptiles * fullimage_batchsize
    n_source_params = source_params.shape[2]

    tc = tile_coords[None, :, None, :].astype(jnp.float32)  # (1, n_ptiles, 1, 2)
    locs_s = locs * (slen - 1)
    lu = locs_s[:, None, :, :]  # (B, 1, max_sources, 2)
    w = (lu > tc + edge_padding - 0.5) & (lu < tc - 0.5 + ptile_slen - edge_padding) & (lu != 0)
    which = (w[..., 0] & w[..., 1]).astype(jnp.float32)  # (B, n_ptiles, max_sources)

    tile_locs = (which[..., None] * lu - (tc + edge_padding - 0.5)).reshape(
        subimage_batchsize, max_sources, 2) / (ptile_slen - 2 * edge_padding)
    tile_locs = jax.nn.relu(tile_locs)
    tile_source_params = (which[..., None] * source_params[:, None, :, :]).reshape(
        subimage_batchsize, max_sources, n_source_params)

    is_on = which.reshape(subimage_batchsize, max_sources) > 0
    n_sources = is_on.sum(axis=1).astype(jnp.int32)
    is_on_full = jnp.arange(max_sources)[None, :] < n_sources[:, None]

    new_sp, new_locs = _bring_to_front(is_on, is_on_full, tile_source_params, tile_locs)
    return new_locs, new_sp, n_sources, is_on_full.astype(jnp.int32)

if __name__ == "__main__":
    import jax
    _d = setup_inputs()
    print(jax.jit(kernel)(*tuple(_d.values())))

</pallas_src>

<mosaic_0001>
#map = affine_map<(d0, d1) -> (0, 0, 0)>
#map1 = affine_map<(d0, d1) -> (0)>
#map2 = affine_map<(d0, d1) -> (0, 0)>
module attributes {stable_mosaic.version = 14 : i64} {
  func.func @sc_encode(%arg0: i32, %arg1: i32, %arg2: memref<4x2x2000xf32, #tpu.memory_space<hbm>>, %arg3: memref<4x4x2000xf32, #tpu.memory_space<hbm>>, %arg4: memref<2304xf32, #tpu.memory_space<hbm>>, %arg5: memref<16xf32, #tpu.memory_space<hbm>>, %arg6: memref<2304x4000xf32, #tpu.memory_space<hbm>>, %arg7: memref<2304x8000xf32, #tpu.memory_space<hbm>>, %arg8: memref<2304xi32, #tpu.memory_space<hbm>>, %arg9: memref<2304x2000xi32, #tpu.memory_space<hbm>>, %arg10: memref<2000xf32, #tpu.memory_space<vmem>>, %arg11: memref<2000xf32, #tpu.memory_space<vmem>>, %arg12: memref<4x2000xf32, #tpu.memory_space<vmem>>, %arg13: memref<304xf32, #tpu.memory_space<vmem>>, %arg14: memref<16xf32, #tpu.memory_space<vmem>>, %arg15: memref<4000xf32, #tpu.memory_space<vmem>>, %arg16: memref<4000xf32, #tpu.memory_space<vmem>>, %arg17: memref<8000xf32, #tpu.memory_space<vmem>>, %arg18: memref<8000xf32, #tpu.memory_space<vmem>>, %arg19: memref<2000xi32, #tpu.memory_space<vmem>>, %arg20: memref<2000xi32, #tpu.memory_space<vmem>>, %arg21: memref<72xi32, #tpu.memory_space<vmem>>, %arg22: memref<!tpu.dma_semaphore, #tpu.memory_space<semaphore_mem>>, %arg23: memref<!tpu.dma_semaphore, #tpu.memory_space<semaphore_mem>>) attributes {dimension_semantics = [#tpu.dimension_semantics<core_parallel>, #tpu.dimension_semantics<subcore_parallel>], iteration_bounds = array<i64: 2, 16>, scalar_prefetch = 0 : i64, scratch_operands = 14 : i64, tpu.core_type = #tpu.core_type<sc_vector_subcore>, window_params = [{transform_indices = #map}, {transform_indices = #map}, {transform_indices = #map1}, {transform_indices = #map1}, {transform_indices = #map2}, {transform_indices = #map2}, {transform_indices = #map1}, {transform_indices = #map2}]} {
    %mul3A = arith.constant 2 : i32
    %mul3A_0 = arith.muli %arg1, %mul3A : i32
    %add3A = arith.addi %mul3A_0, %arg0 : i32
    %mul3A_1 = arith.constant 72 : i32
    %mul3A_2 = arith.muli %add3A, %mul3A_1 : i32
    %jit3A = arith.constant 576 : i32
    %div3A = arith.divsi %mul3A_2, %jit3A : i32
    %sign3A = arith.constant 0 : i32
    %sign3A_3 = arith.cmpi sgt, %mul3A_2, %sign3A : i32
    %sign3A_4 = arith.extui %sign3A_3 : i1 to i32
    %sign3A_5 = arith.constant 0 : i32
    %sign3A_6 = arith.cmpi slt, %mul3A_2, %sign3A_5 : i32
    %sign3A_7 = arith.extui %sign3A_6 : i1 to i32
    %sign3A_8 = arith.subi %sign3A_4, %sign3A_7 : i32
    %sign3A_9 = arith.constant 0 : i32
    %sign3A_10 = arith.cmpi sgt, %jit3A, %sign3A_9 : i32
    %sign3A_11 = arith.extui %sign3A_10 : i1 to i32
    %sign3A_12 = arith.constant 0 : i32
    %sign3A_13 = arith.cmpi slt, %jit3A, %sign3A_12 : i32
    %sign3A_14 = arith.extui %sign3A_13 : i1 to i32
    %sign3A_15 = arith.subi %sign3A_11, %sign3A_14 : i32
    %ne3A = arith.cmpi ne, %sign3A_8, %sign3A_15 : i32
    %rem3A = arith.remsi %mul3A_2, %jit3A : i32
    %ne3A_16 = arith.constant 0 : i32
    %ne3A_17 = arith.cmpi ne, %rem3A, %ne3A_16 : i32
    %and3A = arith.andi %ne3A, %ne3A_17 : i1
    %sub3A = arith.constant 1 : i32
    %sub3A_18 = arith.subi %div3A, %sub3A : i32
    %select_n3A = arith.select %and3A, %sub3A_18, %div3A : i32
    %rem3A_19 = arith.constant 576 : i32
    %rem3A_20 = arith.remsi %mul3A_2, %rem3A_19 : i32
    %run_scoped3A = arith.constant 0 : i32
    "tpu.region"() ({
      %run_scoped3A_122 = tpu.sem_alloc : memref<!tpu.dma_semaphore, #tpu.memory_space<semaphore_mem>>
      %dma_start3A = arith.constant 0 : i32
      %dma_start3A_123 = tpu.memref_slice %arg2[%select_n3A, %run_scoped3A, %dma_start3A] : memref<4x2x2000xf32, #tpu.memory_space<hbm>> -> memref<1x1x2000xf32, #tpu.memory_space<hbm>>
      %dma_start3A_124 = tpu.memref_squeeze %dma_start3A_123 : memref<1x1x2000xf32, #tpu.memory_space<hbm>> -> memref<2000xf32, #tpu.memory_space<hbm>>
      %dma_start3A_125 = arith.constant 0 : i32
      %dma_start3A_126 = tpu.memref_slice %arg2[%select_n3A, %run_scoped3A, %dma_start3A_125] : memref<4x2x2000xf32, #tpu.memory_space<hbm>> -> memref<1x1x2000xf32, #tpu.memory_space<hbm>>
      %dma_start3A_127 = tpu.memref_squeeze %dma_start3A_126 : memref<1x1x2000xf32, #tpu.memory_space<hbm>> -> memref<2000xf32, #tpu.memory_space<hbm>>
      tpu.enqueue_dma source(%dma_start3A_127 : memref<2000xf32, #tpu.memory_space<hbm>>) target(%arg10 : memref<2000xf32, #tpu.memory_space<vmem>>) target_semaphore(%run_scoped3A_122 : memref<!tpu.dma_semaphore, #tpu.memory_space<semaphore_mem>>)
      %dma_wait3A_128 = arith.constant 0 : i32
      %dma_wait3A_129 = tpu.memref_slice %arg2[%select_n3A, %run_scoped3A, %dma_wait3A_128] : memref<4x2x2000xf32, #tpu.memory_space<hbm>> -> memref<1x1x2000xf32, #tpu.memory_space<hbm>>
      %dma_wait3A_130 = tpu.memref_squeeze %dma_wait3A_129 : memref<1x1x2000xf32, #tpu.memory_space<hbm>> -> memref<2000xf32, #tpu.memory_space<hbm>>
      %dma_wait3A_131 = arith.constant 0 : i32
      %dma_wait3A_132 = tpu.memref_slice %arg2[%select_n3A, %run_scoped3A, %dma_wait3A_131] : memref<4x2x2000xf32, #tpu.memory_space<hbm>> -> memref<1x1x2000xf32, #tpu.memory_space<hbm>>
      %dma_wait3A_133 = tpu.memref_squeeze %dma_wait3A_132 : memref<1x1x2000xf32, #tpu.memory_space<hbm>> -> memref<2000xf32, #tpu.memory_space<hbm>>
      tpu.wait_dma2 semaphore(%run_scoped3A_122 : memref<!tpu.dma_semaphore, #tpu.memory_space<semaphore_mem>>) src(%dma_wait3A_133 : memref<2000xf32, #tpu.memory_space<hbm>>) dst(%arg10 : memref<2000xf32, #tpu.memory_space<vmem>>)
      tpu.yield
    }) : () -> ()
    %run_scoped3A_21 = arith.constant 1 : i32
    "tpu.region"() ({
      %run_scoped3A_122 = tpu.sem_alloc : memref<!tpu.dma_semaphore, #tpu.memory_space<semaphore_mem>>
      %dma_start3A = arith.constant 0 : i32
      %dma_start3A_123 = tpu.memref_slice %arg2[%select_n3A, %run_scoped3A_21, %dma_start3A] : memref<4x2x2000xf32, #tpu.memory_space<hbm>> -> memref<1x1x2000xf32, #tpu.memory_space<hbm>>
      %dma_start3A_124 = tpu.memref_squeeze %dma_start3A_123 : memref<1x1x2000xf32, #tpu.memory_space<hbm>> -> memref<2000xf32, #tpu.memory_space<hbm>>
      %dma_start3A_125 = arith.constant 0 : i32
      %dma_start3A_126 = tpu.memref_slice %arg2[%select_n3A, %run_scoped3A_21, %dma_start3A_125] : memref<4x2x2000xf32, #tpu.memory_space<hbm>> -> memref<1x1x2000xf32, #tpu.memory_space<hbm>>
      %dma_start3A_127 = tpu.memref_squeeze %dma_start3A_126 : memref<1x1x2000xf32, #tpu.memory_space<hbm>> -> memref<2000xf32, #tpu.memory_space<hbm>>
      tpu.enqueue_dma source(%dma_start3A_127 : memref<2000xf32, #tpu.memory_space<hbm>>) target(%arg11 : memref<2000xf32, #tpu.memory_space<vmem>>) target_semaphore(%run_scoped3A_122 : memref<!tpu.dma_semaphore, #tpu.memory_space<semaphore_mem>>)
      %dma_wait3A_128 = arith.constant 0 : i32
      %dma_wait3A_129 = tpu.memref_slice %arg2[%select_n3A, %run_scoped3A_21, %dma_wait3A_128] : memref<4x2x2000xf32, #tpu.memory_space<hbm>> -> memref<1x1x2000xf32, #tpu.memory_space<hbm>>
      %dma_wait3A_130 = tpu.memref_squeeze %dma_wait3A_129 : memref<1x1x2000xf32, #tpu.memory_space<hbm>> -> memref<2000xf32, #tpu.memory_space<hbm>>
      %dma_wait3A_131 = arith.constant 0 : i32
      %dma_wait3A_132 = tpu.memref_slice %arg2[%select_n3A, %run_scoped3A_21, %dma_wait3A_131] : memref<4x2x2000xf32, #tpu.memory_space<hbm>> -> memref<1x1x2000xf32, #tpu.memory_space<hbm>>
      %dma_wait3A_133 = tpu.memref_squeeze %dma_wait3A_132 : memref<1x1x2000xf32, #tpu.memory_space<hbm>> -> memref<2000xf32, #tpu.memory_space<hbm>>
      tpu.wait_dma2 semaphore(%run_scoped3A_122 : memref<!tpu.dma_semaphore, #tpu.memory_space<semaphore_mem>>) src(%dma_wait3A_133 : memref<2000xf32, #tpu.memory_space<hbm>>) dst(%arg11 : memref<2000xf32, #tpu.memory_space<vmem>>)
      tpu.yield
    }) : () -> ()
    "tpu.region"() ({
      %run_scoped3A_122 = tpu.sem_alloc : memref<!tpu.dma_semaphore, #tpu.memory_space<semaphore_mem>>
      %dma_start3A = arith.constant 0 : i32
      %dma_start3A_123 = arith.constant 0 : i32
      %dma_start3A_124 = tpu.memref_slice %arg3[%select_n3A, %dma_start3A, %dma_start3A_123] : memref<4x4x2000xf32, #tpu.memory_space<hbm>> -> memref<1x4x2000xf32, #tpu.memory_space<hbm>>
      %dma_start3A_125 = tpu.memref_squeeze %dma_start3A_124 : memref<1x4x2000xf32, #tpu.memory_space<hbm>> -> memref<4x2000xf32, #tpu.memory_space<hbm>>
      %dma_start3A_126 = arith.constant 0 : i32
      %dma_start3A_127 = arith.constant 0 : i32
      %dma_start3A_128 = tpu.memref_slice %arg3[%select_n3A, %dma_start3A_126, %dma_start3A_127] : memref<4x4x2000xf32, #tpu.memory_space<hbm>> -> memref<1x4x2000xf32, #tpu.memory_space<hbm>>
      %dma_start3A_129 = tpu.memref_squeeze %dma_start3A_128 : memref<1x4x2000xf32, #tpu.memory_space<hbm>> -> memref<4x2000xf32, #tpu.memory_space<hbm>>
      tpu.enqueue_dma source(%dma_start3A_129 : memref<4x2000xf32, #tpu.memory_space<hbm>>) target(%arg12 : memref<4x2000xf32, #tpu.memory_space<vmem>>) target_semaphore(%run_scoped3A_122 : memref<!tpu.dma_semaphore, #tpu.memory_space<semaphore_mem>>)
      %dma_wait3A_130 = arith.constant 0 : i32
      %dma_wait3A_131 = arith.constant 0 : i32
      %dma_wait3A_132 = tpu.memref_slice %arg3[%select_n3A, %dma_wait3A_130, %dma_wait3A_131] : memref<4x4x2000xf32, #tpu.memory_space<hbm>> -> memref<1x4x2000xf32, #tpu.memory_space<hbm>>
      %dma_wait3A_133 = tpu.memref_squeeze %dma_wait3A_132 : memref<1x4x2000xf32, #tpu.memory_space<hbm>> -> memref<4x2000xf32, #tpu.memory_space<hbm>>
      %dma_wait3A_134 = arith.constant 0 : i32
      %dma_wait3A_135 = arith.constant 0 : i32
      %dma_wait3A_136 = tpu.memref_slice %arg3[%select_n3A, %dma_wait3A_134, %dma_wait3A_135] : memref<4x4x2000xf32, #tpu.memory_space<hbm>> -> memref<1x4x2000xf32, #tpu.memory_space<hbm>>
      %dma_wait3A_137 = tpu.memref_squeeze %dma_wait3A_136 : memref<1x4x2000xf32, #tpu.memory_space<hbm>> -> memref<4x2000xf32, #tpu.memory_space<hbm>>
      tpu.wait_dma2 semaphore(%run_scoped3A_122 : memref<!tpu.dma_semaphore, #tpu.memory_space<semaphore_mem>>) src(%dma_wait3A_137 : memref<4x2000xf32, #tpu.memory_space<hbm>>) dst(%arg12 : memref<4x2000xf32, #tpu.memory_space<vmem>>)
      tpu.yield
    }) : () -> ()
    %mul3A_22 = arith.constant 4 : i32
    %mul3A_23 = arith.muli %rem3A_20, %mul3A_22 : i32
    "tpu.region"() ({
      %run_scoped3A_122 = tpu.sem_alloc : memref<!tpu.dma_semaphore, #tpu.memory_space<semaphore_mem>>
      %dma_start3A = arith.constant 0 : i32
      %dma_start3A_123 = tpu.memref_slice %arg13[%dma_start3A] : memref<304xf32, #tpu.memory_space<vmem>> -> memref<288xf32, #tpu.memory_space<vmem>>
      %dma_start3A_124 = tpu.memref_slice %arg4[%mul3A_23] : memref<2304xf32, #tpu.memory_space<hbm>> -> memref<288xf32, #tpu.memory_space<hbm>>
      %dma_start3A_125 = arith.constant 0 : i32
      %dma_start3A_126 = tpu.memref_slice %arg13[%dma_start3A_125] : memref<304xf32, #tpu.memory_space<vmem>> -> memref<288xf32, #tpu.memory_space<vmem>>
      %dma_start3A_127 = tpu.memref_slice %arg4[%mul3A_23] : memref<2304xf32, #tpu.memory_space<hbm>> -> memref<288xf32, #tpu.memory_space<hbm>>
      tpu.enqueue_dma source(%dma_start3A_127 : memref<288xf32, #tpu.memory_space<hbm>>) target(%dma_start3A_126 : memref<288xf32, #tpu.memory_space<vmem>>) target_semaphore(%run_scoped3A_122 : memref<!tpu.dma_semaphore, #tpu.memory_space<semaphore_mem>>)
      %dma_wait3A_128 = arith.constant 0 : i32
      %dma_wait3A_129 = tpu.memref_slice %arg13[%dma_wait3A_128] : memref<304xf32, #tpu.memory_space<vmem>> -> memref<288xf32, #tpu.memory_space<vmem>>
      %dma_wait3A_130 = tpu.memref_slice %arg4[%mul3A_23] : memref<2304xf32, #tpu.memory_space<hbm>> -> memref<288xf32, #tpu.memory_space<hbm>>
      %dma_wait3A_131 = arith.constant 0 : i32
      %dma_wait3A_132 = tpu.memref_slice %arg13[%dma_wait3A_131] : memref<304xf32, #tpu.memory_space<vmem>> -> memref<288xf32, #tpu.memory_space<vmem>>
      %dma_wait3A_133 = tpu.memref_slice %arg4[%mul3A_23] : memref<2304xf32, #tpu.memory_space<hbm>> -> memref<288xf32, #tpu.memory_space<hbm>>
      tpu.wait_dma2 semaphore(%run_scoped3A_122 : memref<!tpu.dma_semaphore, #tpu.memory_space<semaphore_mem>>) src(%dma_wait3A_133 : memref<288xf32, #tpu.memory_space<hbm>>) dst(%dma_wait3A_132 : memref<288xf32, #tpu.memory_space<vmem>>)
      tpu.yield
    }) : () -> ()
    "tpu.region"() ({
      %run_scoped3A_122 = tpu.sem_alloc : memref<!tpu.dma_semaphore, #tpu.memory_space<semaphore_mem>>
      tpu.enqueue_dma source(%arg5 : memref<16xf32, #tpu.memory_space<hbm>>) target(%arg14 : memref<16xf32, #tpu.memory_space<vmem>>) target_semaphore(%run_scoped3A_122 : memref<!tpu.dma_semaphore, #tpu.memory_space<semaphore_mem>>)
      tpu.wait_dma2 semaphore(%run_scoped3A_122 : memref<!tpu.dma_semaphore, #tpu.memory_space<semaphore_mem>>) src(%arg5 : memref<16xf32, #tpu.memory_space<hbm>>) dst(%arg14 : memref<16xf32, #tpu.memory_space<vmem>>)
      tpu.yield
    }) : () -> ()
    %get3A = arith.constant 0 : index
    %get3A_24 = tpu.vector_load %arg14[%get3A] {strides = array<i32>} : memref<16xf32, #tpu.memory_space<vmem>>, vector<16xf32>,
    %slice3A = vector.extract_strided_slice %get3A_24 {offsets = [0], sizes = [1], strides = [1]} : vector<16xf32> to vector<1xf32>
    %squeeze3A = vector.extract %slice3A[0] : f32 from vector<1xf32>
    %slice3A_25 = vector.extract_strided_slice %get3A_24 {offsets = [1], sizes = [1], strides = [1]} : vector<16xf32> to vector<1xf32>
    %squeeze3A_26 = vector.extract %slice3A_25[0] : f32 from vector<1xf32>
    %broadcast_in_dim3A = arith.constant 0.000000e+00 : f32
    %broadcast_in_dim3A_27 = vector.broadcast %broadcast_in_dim3A : f32 to vector<16xf32>
    %broadcast_in_dim3A_28 = arith.constant 0 : i32
    %broadcast_in_dim3A_29 = vector.broadcast %broadcast_in_dim3A_28 : i32 to vector<16xi32>
    %broadcast_in_dim3A_30 = arith.constant 1 : i32
    %broadcast_in_dim3A_31 = vector.broadcast %broadcast_in_dim3A_30 : i32 to vector<16xi32>
    %scan3A = arith.constant 0 : i32
    %scan3A_32 = arith.constant 0 : i32
    %scan3A_33 = arith.constant 125 : i32
    %scan3A_34 = arith.addi %scan3A_32, %scan3A_33 : i32
    %scan3A_35 = arith.constant 1 : i32
    scf.for %scan3A_122 = %scan3A_32 to %scan3A_34 step %scan3A_35  : i32 {
      %mul3A_123 = arith.constant 16 : i32
      %mul3A_124 = arith.muli %scan3A_122, %mul3A_123 : i32
      %get3A_125 = arith.index_cast %mul3A_124 : i32 to index
      %get3A_126 = tpu.vector_load %arg10[%get3A_125] {strides = array<i32>} : memref<2000xf32, #tpu.memory_space<vmem>>, vector<16xf32>,
      %mul3A_127 = vector.broadcast %squeeze3A : f32 to vector<16xf32>
      %mul3A_128 = arith.mulf %get3A_126, %mul3A_127 : vector<16xf32>
      %mul3A_129 = arith.constant 16 : i32
      %mul3A_130 = arith.muli %scan3A_122, %mul3A_129 : i32
      %swap3A = arith.index_cast %mul3A_130 : i32 to index
      %swap3A_131 = tpu.vector_load %arg10[%swap3A] {strides = array<i32>} : memref<2000xf32, #tpu.memory_space<vmem>>, vector<16xf32>,
      tpu.vector_store %arg10[%swap3A], %mul3A_128 {strides = array<i32>} : memref<2000xf32, #tpu.memory_space<vmem>>, vector<16xf32>,
      %mul3A_132 = arith.constant 16 : i32
      %mul3A_133 = arith.muli %scan3A_122, %mul3A_132 : i32
      %get3A_134 = arith.index_cast %mul3A_133 : i32 to index
      %get3A_135 = tpu.vector_load %arg11[%get3A_134] {strides = array<i32>} : memref<2000xf32, #tpu.memory_space<vmem>>, vector<16xf32>,
      %mul3A_136 = vector.broadcast %squeeze3A : f32 to vector<16xf32>
      %mul3A_137 = arith.mulf %get3A_135, %mul3A_136 : vector<16xf32>
      %mul3A_138 = arith.constant 16 : i32
      %mul3A_139 = arith.muli %scan3A_122, %mul3A_138 : i32
      %swap3A_140 = arith.index_cast %mul3A_139 : i32 to index
      %swap3A_141 = tpu.vector_load %arg11[%swap3A_140] {strides = array<i32>} : memref<2000xf32, #tpu.memory_space<vmem>>, vector<16xf32>,
      tpu.vector_store %arg11[%swap3A_140], %mul3A_137 {strides = array<i32>} : memref<2000xf32, #tpu.memory_space<vmem>>, vector<16xf32>,
    }
    %scan3A_36 = arith.constant 125 : i32
    %scan3A_37 = arith.constant 0 : i32
    %scan3A_38 = arith.constant 0 : i32
    %scan3A_39 = arith.constant 500 : i32
    %scan3A_40 = arith.addi %scan3A_38, %scan3A_39 : i32
    %scan3A_41 = arith.constant 1 : i32
    scf.for %scan3A_122 = %scan3A_38 to %scan3A_40 step %scan3A_41  : i32 {
      %mul3A_123 = arith.constant 16 : i32
      %mul3A_124 = arith.muli %scan3A_122, %mul3A_123 : i32
      %swap3A = arith.index_cast %mul3A_124 : i32 to index
      %swap3A_125 = tpu.vector_load %arg17[%swap3A] {strides = array<i32>} : memref<8000xf32, #tpu.memory_space<vmem>>, vector<16xf32>,
      tpu.vector_store %arg17[%swap3A], %broadcast_in_dim3A_27 {strides = array<i32>} : memref<8000xf32, #tpu.memory_space<vmem>>, vector<16xf32>,
    }
    %scan3A_42 = arith.constant 500 : i32
    %scan3A_43 = arith.constant 0 : i32
    %scan3A_44 = arith.constant 0 : i32
    %scan3A_45 = arith.constant 250 : i32
    %scan3A_46 = arith.addi %scan3A_44, %scan3A_45 : i32
    %scan3A_47 = arith.constant 1 : i32
    scf.for %scan3A_122 = %scan3A_44 to %scan3A_46 step %scan3A_47  : i32 {
      %mul3A_123 = arith.constant 16 : i32
      %mul3A_124 = arith.muli %scan3A_122, %mul3A_123 : i32
      %swap3A = arith.index_cast %mul3A_124 : i32 to index
      %swap3A_125 = tpu.vector_load %arg15[%swap3A] {strides = array<i32>} : memref<4000xf32, #tpu.memory_space<vmem>>, vector<16xf32>,
      tpu.vector_store %arg15[%swap3A], %broadcast_in_dim3A_27 {strides = array<i32>} : memref<4000xf32, #tpu.memory_space<vmem>>, vector<16xf32>,
    }
    %scan3A_48 = arith.constant 250 : i32
    %scan3A_49 = arith.constant 0 : i32
    %scan3A_50 = arith.constant 0 : i32
    %scan3A_51 = arith.constant 125 : i32
    %scan3A_52 = arith.addi %scan3A_50, %scan3A_51 : i32
    %scan3A_53 = arith.constant 1 : i32
    scf.for %scan3A_122 = %scan3A_50 to %scan3A_52 step %scan3A_53  : i32 {
      %mul3A_123 = arith.constant 16 : i32
      %mul3A_124 = arith.muli %scan3A_122, %mul3A_123 : i32
      %swap3A = arith.index_cast %mul3A_124 : i32 to index
      %swap3A_125 = tpu.vector_load %arg19[%swap3A] {strides = array<i32>} : memref<2000xi32, #tpu.memory_space<vmem>>, vector<16xi32>,
      tpu.vector_store %arg19[%swap3A], %broadcast_in_dim3A_29 {strides = array<i32>} : memref<2000xi32, #tpu.memory_space<vmem>>, vector<16xi32>,
    }
    %scan3A_54 = arith.constant 125 : i32
    %scan3A_55 = arith.constant 0 : i32
    %scan3A_56 = arith.constant 0 : i32
    %scan3A_57 = arith.constant 500 : i32
    %scan3A_58 = arith.addi %scan3A_56, %scan3A_57 : i32
    %scan3A_59 = arith.constant 1 : i32
    scf.for %scan3A_122 = %scan3A_56 to %scan3A_58 step %scan3A_59  : i32 {
      %mul3A_123 = arith.constant 16 : i32
      %mul3A_124 = arith.muli %scan3A_122, %mul3A_123 : i32
      %swap3A = arith.index_cast %mul3A_124 : i32 to index
      %swap3A_125 = tpu.vector_load %arg18[%swap3A] {strides = array<i32>} : memref<8000xf32, #tpu.memory_space<vmem>>, vector<16xf32>,
      tpu.vector_store %arg18[%swap3A], %broadcast_in_dim3A_27 {strides = array<i32>} : memref<8000xf32, #tpu.memory_space<vmem>>, vector<16xf32>,
    }
    %scan3A_60 = arith.constant 500 : i32
    %scan3A_61 = arith.constant 0 : i32
    %scan3A_62 = arith.constant 0 : i32
    %scan3A_63 = arith.constant 250 : i32
    %scan3A_64 = arith.addi %scan3A_62, %scan3A_63 : i32
    %scan3A_65 = arith.constant 1 : i32
    scf.for %scan3A_122 = %scan3A_62 to %scan3A_64 step %scan3A_65  : i32 {
      %mul3A_123 = arith.constant 16 : i32
      %mul3A_124 = arith.muli %scan3A_122, %mul3A_123 : i32
      %swap3A = arith.index_cast %mul3A_124 : i32 to index
      %swap3A_125 = tpu.vector_load %arg16[%swap3A] {strides = array<i32>} : memref<4000xf32, #tpu.memory_space<vmem>>, vector<16xf32>,
      tpu.vector_store %arg16[%swap3A], %broadcast_in_dim3A_27 {strides = array<i32>} : memref<4000xf32, #tpu.memory_space<vmem>>, vector<16xf32>,
    }
    %scan3A_66 = arith.constant 250 : i32
    %scan3A_67 = arith.constant 0 : i32
    %scan3A_68 = arith.constant 0 : i32
    %scan3A_69 = arith.constant 125 : i32
    %scan3A_70 = arith.addi %scan3A_68, %scan3A_69 : i32
    %scan3A_71 = arith.constant 1 : i32
    scf.for %scan3A_122 = %scan3A_68 to %scan3A_70 step %scan3A_71  : i32 {
      %mul3A_123 = arith.constant 16 : i32
      %mul3A_124 = arith.muli %scan3A_122, %mul3A_123 : i32
      %swap3A = arith.index_cast %mul3A_124 : i32 to index
      %swap3A_125 = tpu.vector_load %arg20[%swap3A] {strides = array<i32>} : memref<2000xi32, #tpu.memory_space<vmem>>, vector<16xi32>,
      tpu.vector_store %arg20[%swap3A], %broadcast_in_dim3A_29 {strides = array<i32>} : memref<2000xi32, #tpu.memory_space<vmem>>, vector<16xi32>,
    }
    %scan3A_72 = arith.constant 125 : i32
    %scan3A_73 = arith.constant 0 : i32
    %scan3A_74 = arith.constant 0 : i32
    %scan3A_75 = arith.constant 0 : i32
    %scan3A_76 = arith.constant 36 : i32
    %scan3A_77 = arith.addi %scan3A_75, %scan3A_76 : i32
    %scan3A_78 = arith.constant 1 : i32
    %scan3A_79:2 = scf.for %scan3A_122 = %scan3A_75 to %scan3A_77 step %scan3A_78 iter_args(%scan3A_123 = %scan3A_73, %scan3A_124 = %scan3A_74) -> (i32, i32)  : i32 {
      %mul3A_125 = arith.constant 2 : i32
      %mul3A_126 = arith.muli %mul3A_125, %scan3A_122 : i32
      %gt3A = arith.constant 0 : i32
      %gt3A_127 = arith.cmpi sgt, %scan3A_122, %gt3A : i32
      %convert_element_type3A = arith.extui %gt3A_127 : i1 to i32
      %cond3A = arith.constant 0 : i32
      %cond3A_128 = arith.cmpi ne, %convert_element_type3A, %cond3A : i32
      scf.if %cond3A_128 {
        %dma_wait3A_297 = arith.constant 0 : i32
        %dma_wait3A_298 = arith.constant 0 : i32
        %dma_wait3A_299 = tpu.memref_slice %arg6[%dma_wait3A_297, %dma_wait3A_298] : memref<2304x4000xf32, #tpu.memory_space<hbm>> -> memref<1x4000xf32, #tpu.memory_space<hbm>>
        %dma_wait3A_300 = tpu.memref_squeeze %dma_wait3A_299 : memref<1x4000xf32, #tpu.memory_space<hbm>> -> memref<4000xf32, #tpu.memory_space<hbm>>
        %dma_wait3A_301 = arith.constant 0 : i32
        %dma_wait3A_302 = tpu.memref_slice %arg6[%dma_wait3A_297, %dma_wait3A_301] : memref<2304x4000xf32, #tpu.memory_space<hbm>> -> memref<1x4000xf32, #tpu.memory_space<hbm>>
        %dma_wait3A_303 = tpu.memref_squeeze %dma_wait3A_302 : memref<1x4000xf32, #tpu.memory_space<hbm>> -> memref<4000xf32, #tpu.memory_space<hbm>>
        tpu.wait_dma2 semaphore(%arg22 : memref<!tpu.dma_semaphore, #tpu.memory_space<semaphore_mem>>) src(%arg15 : memref<4000xf32, #tpu.memory_space<vmem>>) dst(%dma_wait3A_303 : memref<4000xf32, #tpu.memory_space<hbm>>)
        %dma_wait3A_304 = arith.constant 0 : i32
        %dma_wait3A_305 = arith.constant 0 : i32
        %dma_wait3A_306 = tpu.memref_slice %arg7[%dma_wait3A_304, %dma_wait3A_305] : memref<2304x8000xf32, #tpu.memory_space<hbm>> -> memref<1x8000xf32, #tpu.memory_space<hbm>>
        %dma_wait3A_307 = tpu.memref_squeeze %dma_wait3A_306 : memref<1x8000xf32, #tpu.memory_space<hbm>> -> memref<8000xf32, #tpu.memory_space<hbm>>
        %dma_wait3A_308 = arith.constant 0 : i32
        %dma_wait3A_309 = tpu.memref_slice %arg7[%dma_wait3A_304, %dma_wait3A_308] : memref<2304x8000xf32, #tpu.memory_space<hbm>> -> memref<1x8000xf32, #tpu.memory_space<hbm>>
        %dma_wait3A_310 = tpu.memref_squeeze %dma_wait3A_309 : memref<1x8000xf32, #tpu.memory_space<hbm>> -> memref<8000xf32, #tpu.memory_space<hbm>>
        tpu.wait_dma2 semaphore(%arg22 : memref<!tpu.dma_semaphore, #tpu.memory_space<semaphore_mem>>) src(%arg17 : memref<8000xf32, #tpu.memory_space<vmem>>) dst(%dma_wait3A_310 : memref<8000xf32, #tpu.memory_space<hbm>>)
        %dma_wait3A_311 = arith.constant 0 : i32
        %dma_wait3A_312 = arith.constant 0 : i32
        %dma_wait3A_313 = tpu.memref_slice %arg9[%dma_wait3A_311, %dma_wait3A_312] : memref<2304x2000xi32, #tpu.memory_space<hbm>> -> memref<1x2000xi32, #tpu.memory_space<hbm>>
        %dma_wait3A_314 = tpu.memref_squeeze %dma_wait3A_313 : memref<1x2000xi32, #tpu.memory_space<hbm>> -> memref<2000xi32, #tpu.memory_space<hbm>>
        %dma_wait3A_315 = arith.constant 0 : i32
        %dma_wait3A_316 = tpu.memref_slice %arg9[%dma_wait3A_311, %dma_wait3A_315] : memref<2304x2000xi32, #tpu.memory_space<hbm>> -> memref<1x2000xi32, #tpu.memory_space<hbm>>
        %dma_wait3A_317 = tpu.memref_squeeze %dma_wait3A_316 : memref<1x2000xi32, #tpu.memory_space<hbm>> -> memref<2000xi32, #tpu.memory_space<hbm>>
        tpu.wait_dma2 semaphore(%arg22 : memref<!tpu.dma_semaphore, #tpu.memory_space<semaphore_mem>>) src(%arg19 : memref<2000xi32, #tpu.memory_space<vmem>>) dst(%dma_wait3A_317 : memref<2000xi32, #tpu.memory_space<hbm>>)
        %mul3A_318 = arith.constant 2 : i32
        %mul3A_319 = arith.muli %mul3A_318, %scan3A_123 : i32
        %add3A_320 = arith.constant 16 : i32
        %add3A_321 = arith.addi %mul3A_319, %add3A_320 : i32
        %sub3A_322 = arith.constant 1 : i32
        %sub3A_323 = arith.subi %add3A_321, %sub3A_322 : i32
        %jit3A_324 = arith.constant 16 : i32
        %div3A_325 = arith.divsi %sub3A_323, %jit3A_324 : i32
        %sign3A_326 = arith.constant 0 : i32
        %sign3A_327 = arith.cmpi sgt, %sub3A_323, %sign3A_326 : i32
        %sign3A_328 = arith.extui %sign3A_327 : i1 to i32
        %sign3A_329 = arith.constant 0 : i32
        %sign3A_330 = arith.cmpi slt, %sub3A_323, %sign3A_329 : i32
        %sign3A_331 = arith.extui %sign3A_330 : i1 to i32
        %sign3A_332 = arith.subi %sign3A_328, %sign3A_331 : i32
        %sign3A_333 = arith.constant 0 : i32
        %sign3A_334 = arith.cmpi sgt, %jit3A_324, %sign3A_333 : i32
        %sign3A_335 = arith.extui %sign3A_334 : i1 to i32
        %sign3A_336 = arith.constant 0 : i32
        %sign3A_337 = arith.cmpi slt, %jit3A_324, %sign3A_336 : i32
        %sign3A_338 = arith.extui %sign3A_337 : i1 to i32
        %sign3A_339 = arith.subi %sign3A_335, %sign3A_338 : i32
        %ne3A_340 = arith.cmpi ne, %sign3A_332, %sign3A_339 : i32
        %rem3A_341 = arith.remsi %sub3A_323, %jit3A_324 : i32
        %ne3A_342 = arith.constant 0 : i32
        %ne3A_343 = arith.cmpi ne, %rem3A_341, %ne3A_342 : i32
        %and3A_344 = arith.andi %ne3A_340, %ne3A_343 : i1
        %sub3A_345 = arith.constant 1 : i32
        %sub3A_346 = arith.subi %div3A_325, %sub3A_345 : i32
        %select_n3A_347 = arith.select %and3A_344, %sub3A_346, %div3A_325 : i32
        %while3A = arith.constant 0 : i32
        %while3A_348 = arith.constant 0 : i32
        %while3A_349 = arith.subi %select_n3A_347, %while3A_348 : i32
        %while3A_350 = arith.addi %while3A_348, %while3A_349 : i32
        %while3A_351 = arith.constant 1 : i32
        %while3A_352 = arith.divsi %while3A_349, %while3A_351 : i32
        %while3A_353 = arith.muli %while3A_352, %while3A_351 : i32
        %while3A_354 = arith.addi %while3A_348, %while3A_353 : i32
        %while3A_355 = arith.constant 1 : i32
        scf.for %while3A_435 = %while3A_348 to %while3A_354 step %while3A_355  : i32 {
          %mul3A_436 = arith.constant 16 : i32
          %mul3A_437 = arith.muli %while3A_435, %mul3A_436 : i32
          %swap3A = arith.index_cast %mul3A_437 : i32 to index
          %swap3A_438 = tpu.vector_load %arg15[%swap3A] {strides = array<i32>} : memref<4000xf32, #tpu.memory_space<vmem>>, vector<16xf32>,
          tpu.vector_store %arg15[%swap3A], %broadcast_in_dim3A_27 {strides = array<i32>} : memref<4000xf32, #tpu.memory_space<vmem>>, vector<16xf32>,
        }
        %while3A_356 = arith.constant 1 : i32
        scf.for %while3A_435 = %while3A_354 to %while3A_350 step %while3A_356  : i32 {
          %mul3A_436 = arith.constant 16 : i32
          %mul3A_437 = arith.muli %while3A_435, %mul3A_436 : i32
          %swap3A = arith.index_cast %mul3A_437 : i32 to index
          %swap3A_438 = tpu.vector_load %arg15[%swap3A] {strides = array<i32>} : memref<4000xf32, #tpu.memory_space<vmem>>, vector<16xf32>,
          tpu.vector_store %arg15[%swap3A], %broadcast_in_dim3A_27 {strides = array<i32>} : memref<4000xf32, #tpu.memory_space<vmem>>, vector<16xf32>,
        }
        %mul3A_357 = arith.constant 4 : i32
        %mul3A_358 = arith.muli %mul3A_357, %scan3A_123 : i32
        %add3A_359 = arith.constant 16 : i32
        %add3A_360 = arith.addi %mul3A_358, %add3A_359 : i32
        %sub3A_361 = arith.constant 1 : i32
        %sub3A_362 = arith.subi %add3A_360, %sub3A_361 : i32
        %jit3A_363 = arith.constant 16 : i32
        %div3A_364 = arith.divsi %sub3A_362, %jit3A_363 : i32
        %sign3A_365 = arith.constant 0 : i32
        %sign3A_366 = arith.cmpi sgt, %sub3A_362, %sign3A_365 : i32
        %sign3A_367 = arith.extui %sign3A_366 : i1 to i32
        %sign3A_368 = arith.constant 0 : i32
        %sign3A_369 = arith.cmpi slt, %sub3A_362, %sign3A_368 : i32
        %sign3A_370 = arith.extui %sign3A_369 : i1 to i32
        %sign3A_371 = arith.subi %sign3A_367, %sign3A_370 : i32
        %sign3A_372 = arith.constant 0 : i32
        %sign3A_373 = arith.cmpi sgt, %jit3A_363, %sign3A_372 : i32
        %sign3A_374 = arith.extui %sign3A_373 : i1 to i32
        %sign3A_375 = arith.constant 0 : i32
        %sign3A_376 = arith.cmpi slt, %jit3A_363, %sign3A_375 : i32
        %sign3A_377 = arith.extui %sign3A_376 : i1 to i32
        %sign3A_378 = arith.subi %sign3A_374, %sign3A_377 : i32
        %ne3A_379 = arith.cmpi ne, %sign3A_371, %sign3A_378 : i32
        %rem3A_380 = arith.remsi %sub3A_362, %jit3A_363 : i32
        %ne3A_381 = arith.constant 0 : i32
        %ne3A_382 = arith.cmpi ne, %rem3A_380, %ne3A_381 : i32
        %and3A_383 = arith.andi %ne3A_379, %ne3A_382 : i1
        %sub3A_384 = arith.constant 1 : i32
        %sub3A_385 = arith.subi %div3A_364, %sub3A_384 : i32
        %select_n3A_386 = arith.select %and3A_383, %sub3A_385, %div3A_364 : i32
        %while3A_387 = arith.constant 0 : i32
        %while3A_388 = arith.constant 0 : i32
        %while3A_389 = arith.subi %select_n3A_386, %while3A_388 : i32
        %while3A_390 = arith.addi %while3A_388, %while3A_389 : i32
        %while3A_391 = arith.constant 1 : i32
        %while3A_392 = arith.divsi %while3A_389, %while3A_391 : i32
        %while3A_393 = arith.muli %while3A_392, %while3A_391 : i32
        %while3A_394 = arith.addi %while3A_388, %while3A_393 : i32
        %while3A_395 = arith.constant 1 : i32
        scf.for %while3A_435 = %while3A_388 to %while3A_394 step %while3A_395  : i32 {
          %mul3A_436 = arith.constant 16 : i32
          %mul3A_437 = arith.muli %while3A_435, %mul3A_436 : i32
          %swap3A = arith.index_cast %mul3A_437 : i32 to index
          %swap3A_438 = tpu.vector_load %arg17[%swap3A] {strides = array<i32>} : memref<8000xf32, #tpu.memory_space<vmem>>, vector<16xf32>,
          tpu.vector_store %arg17[%swap3A], %broadcast_in_dim3A_27 {strides = array<i32>} : memref<8000xf32, #tpu.memory_space<vmem>>, vector<16xf32>,
        }
        %while3A_396 = arith.constant 1 : i32
        scf.for %while3A_435 = %while3A_394 to %while3A_390 step %while3A_396  : i32 {
          %mul3A_436 = arith.constant 16 : i32
          %mul3A_437 = arith.muli %while3A_435, %mul3A_436 : i32
          %swap3A = arith.index_cast %mul3A_437 : i32 to index
          %swap3A_438 = tpu.vector_load %arg17[%swap3A] {strides = array<i32>} : memref<8000xf32, #tpu.memory_space<vmem>>, vector<16xf32>,
          tpu.vector_store %arg17[%swap3A], %broadcast_in_dim3A_27 {strides = array<i32>} : memref<8000xf32, #tpu.memory_space<vmem>>, vector<16xf32>,
        }
        %add3A_397 = arith.constant 16 : i32
        %add3A_398 = arith.addi %scan3A_123, %add3A_397 : i32
        %sub3A_399 = arith.constant 1 : i32
        %sub3A_400 = arith.subi %add3A_398, %sub3A_399 : i32
        %jit3A_401 = arith.constant 16 : i32
        %div3A_402 = arith.divsi %sub3A_400, %jit3A_401 : i32
        %sign3A_403 = arith.constant 0 : i32
        %sign3A_404 = arith.cmpi sgt, %sub3A_400, %sign3A_403 : i32
        %sign3A_405 = arith.extui %sign3A_404 : i1 to i32
        %sign3A_406 = arith.constant 0 : i32
        %sign3A_407 = arith.cmpi slt, %sub3A_400, %sign3A_406 : i32
        %sign3A_408 = arith.extui %sign3A_407 : i1 to i32
        %sign3A_409 = arith.subi %sign3A_405, %sign3A_408 : i32
        %sign3A_410 = arith.constant 0 : i32
        %sign3A_411 = arith.cmpi sgt, %jit3A_401, %sign3A_410 : i32
        %sign3A_412 = arith.extui %sign3A_411 : i1 to i32
        %sign3A_413 = arith.constant 0 : i32
        %sign3A_414 = arith.cmpi slt, %jit3A_401, %sign3A_413 : i32
        %sign3A_415 = arith.extui %sign3A_414 : i1 to i32
        %sign3A_416 = arith.subi %sign3A_412, %sign3A_415 : i32
        %ne3A_417 = arith.cmpi ne, %sign3A_409, %sign3A_416 : i32
        %rem3A_418 = arith.remsi %sub3A_400, %jit3A_401 : i32
        %ne3A_419 = arith.constant 0 : i32
        %ne3A_420 = arith.cmpi ne, %rem3A_418, %ne3A_419 : i32
        %and3A_421 = arith.andi %ne3A_417, %ne3A_420 : i1
        %sub3A_422 = arith.constant 1 : i32
        %sub3A_423 = arith.subi %div3A_402, %sub3A_422 : i32
        %select_n3A_424 = arith.select %and3A_421, %sub3A_423, %div3A_402 : i32
        %while3A_425 = arith.constant 0 : i32
        %while3A_426 = arith.constant 0 : i32
        %while3A_427 = arith.subi %select_n3A_424, %while3A_426 : i32
        %while3A_428 = arith.addi %while3A_426, %while3A_427 : i32
        %while3A_429 = arith.constant 1 : i32
        %while3A_430 = arith.divsi %while3A_427, %while3A_429 : i32
        %while3A_431 = arith.muli %while3A_430, %while3A_429 : i32
        %while3A_432 = arith.addi %while3A_426, %while3A_431 : i32
        %while3A_433 = arith.constant 1 : i32
        scf.for %while3A_435 = %while3A_426 to %while3A_432 step %while3A_433  : i32 {
          %mul3A_436 = arith.constant 16 : i32
          %mul3A_437 = arith.muli %while3A_435, %mul3A_436 : i32
          %swap3A = arith.index_cast %mul3A_437 : i32 to index
          %swap3A_438 = tpu.vector_load %arg19[%swap3A] {strides = array<i32>} : memref<2000xi32, #tpu.memory_space<vmem>>, vector<16xi32>,
          tpu.vector_store %arg19[%swap3A], %broadcast_in_dim3A_29 {strides = array<i32>} : memref<2000xi32, #tpu.memory_space<vmem>>, vector<16xi32>,
        }
        %while3A_434 = arith.constant 1 : i32
        scf.for %while3A_435 = %while3A_432 to %while3A_428 step %while3A_434  : i32 {
          %mul3A_436 = arith.constant 16 : i32
          %mul3A_437 = arith.muli %while3A_435, %mul3A_436 : i32
          %swap3A = arith.index_cast %mul3A_437 : i32 to index
          %swap3A_438 = tpu.vector_load %arg19[%swap3A] {strides = array<i32>} : memref<2000xi32, #tpu.memory_space<vmem>>, vector<16xi32>,
          tpu.vector_store %arg19[%swap3A], %broadcast_in_dim3A_29 {strides = array<i32>} : memref<2000xi32, #tpu.memory_space<vmem>>, vector<16xi32>,
        }
      } else {
      }
      %mul3A_129 = arith.constant 4 : i32
      %mul3A_130 = arith.muli %mul3A_126, %mul3A_129 : i32
      %get3A_131 = arith.index_cast %mul3A_130 : i32 to index
      %get3A_132 = tpu.vector_load %arg13[%get3A_131] {strides = array<i32>} : memref<304xf32, #tpu.memory_space<vmem>>, vector<16xf32>,
      %slice3A_133 = vector.extract_strided_slice %get3A_132 {offsets = [0], sizes = [1], strides = [1]} : vector<16xf32> to vector<1xf32>
      %squeeze3A_134 = vector.extract %slice3A_133[0] : f32 from vector<1xf32>
      %slice3A_135 = vector.extract_strided_slice %get3A_132 {offsets = [1], sizes = [1], strides = [1]} : vector<16xf32> to vector<1xf32>
      %squeeze3A_136 = vector.extract %slice3A_135[0] : f32 from vector<1xf32>
      %slice3A_137 = vector.extract_strided_slice %get3A_132 {offsets = [2], sizes = [1], strides = [1]} : vector<16xf32> to vector<1xf32>
      %squeeze3A_138 = vector.extract %slice3A_137[0] : f32 from vector<1xf32>
      %slice3A_139 = vector.extract_strided_slice %get3A_132 {offsets = [3], sizes = [1], strides = [1]} : vector<16xf32> to vector<1xf32>
      %squeeze3A_140 = vector.extract %slice3A_139[0] : f32 from vector<1xf32>
      %scan3A_141 = arith.constant 0 : i32
      %scan3A_142 = arith.constant 0 : i32
      %scan3A_143 = arith.constant 124 : i32
      %scan3A_144 = arith.addi %scan3A_142, %scan3A_143 : i32
      %scan3A_145 = arith.constant 4 : i32
      %scan3A_146 = scf.for %scan3A_297 = %scan3A_142 to %scan3A_144 step %scan3A_145 iter_args(%scan3A_298 = %scan3A_141) -> (i32)  : i32 {
        %mul3A_299 = arith.constant 16 : i32
        %mul3A_300 = arith.muli %scan3A_297, %mul3A_299 : i32
        %get3A_301 = arith.index_cast %mul3A_300 : i32 to index
        %get3A_302 = tpu.vector_load %arg10[%get3A_301] {strides = array<i32>} : memref<2000xf32, #tpu.memory_space<vmem>>, vector<16xf32>,
        %mul3A_303 = arith.constant 16 : i32
        %mul3A_304 = arith.muli %scan3A_297, %mul3A_303 : i32
        %get3A_305 = arith.index_cast %mul3A_304 : i32 to index
        %get3A_306 = tpu.vector_load %arg11[%get3A_305] {strides = array<i32>} : memref<2000xf32, #tpu.memory_space<vmem>>, vector<16xf32>,
        %gt3A_307 = vector.broadcast %squeeze3A_134 : f32 to vector<16xf32>
        %gt3A_308 = arith.cmpf ogt, %get3A_302, %gt3A_307 : vector<16xf32>
        %lt3A_309 = vector.broadcast %squeeze3A_136 : f32 to vector<16xf32>
        %lt3A_310 = arith.cmpf olt, %get3A_302, %lt3A_309 : vector<16xf32>
        %and3A_311 = arith.andi %gt3A_308, %lt3A_310 : vector<16xi1>
        %ne3A_312 = arith.constant 0.000000e+00 : f32
        %ne3A_313 = vector.broadcast %ne3A_312 : f32 to vector<16xf32>
        %ne3A_314 = arith.cmpf one, %get3A_302, %ne3A_313 : vector<16xf32>
        %and3A_315 = arith.andi %and3A_311, %ne3A_314 : vector<16xi1>
        %gt3A_316 = vector.broadcast %squeeze3A_138 : f32 to vector<16xf32>
        %gt3A_317 = arith.cmpf ogt, %get3A_306, %gt3A_316 : vector<16xf32>
        %and3A_318 = arith.andi %and3A_315, %gt3A_317 : vector<16xi1>
        %lt3A_319 = vector.broadcast %squeeze3A_140 : f32 to vector<16xf32>
        %lt3A_320 = arith.cmpf olt, %get3A_306, %lt3A_319 : vector<16xf32>
        %and3A_321 = arith.andi %and3A_318, %lt3A_320 : vector<16xi1>
        %ne3A_322 = arith.constant 0.000000e+00 : f32
        %ne3A_323 = vector.broadcast %ne3A_322 : f32 to vector<16xf32>
        %ne3A_324 = arith.cmpf one, %get3A_306, %ne3A_323 : vector<16xf32>
        %and3A_325 = arith.andi %and3A_321, %ne3A_324 : vector<16xi1>
        %all_reduce_population_count3A_326 = tpu.all_reduce %and3A_325 {dim = 0 : i64, kind = #tpu.reduction_kind<sum>} : vector<16xi1> -> vector<16xi32>
        %slice3A_327 = vector.extract_strided_slice %all_reduce_population_count3A_326 {offsets = [0], sizes = [1], strides = [1]} : vector<16xi32> to vector<1xi32>
        %squeeze3A_328 = vector.extract %slice3A_327[0] : i32 from vector<1xi32>
        %gt3A_329 = arith.constant 0 : i32
        %gt3A_330 = arith.cmpi sgt, %squeeze3A_328, %gt3A_329 : i32
        %convert_element_type3A_331 = arith.extui %gt3A_330 : i1 to i32
        %cond3A_332 = arith.constant 0 : i32
        %cond3A_333 = arith.cmpi ne, %convert_element_type3A_331, %cond3A_332 : i32
        scf.if %cond3A_333 {
          %select_n3A_449 = arith.select %and3A_325, %broadcast_in_dim3A_31, %broadcast_in_dim3A_29 : vector<16xi1>, vector<16xi32>
          %broadcast_in_dim3A_450 = arith.constant true
          %broadcast_in_dim3A_451 = vector.broadcast %broadcast_in_dim3A_450 : i1 to vector<16xi1>
          %masked_cumsum3A = tpu.scan <sum>, %select_n3A_449 masked %broadcast_in_dim3A_451 : vector<16xi32>, vector<16xi1> -> vector<16xi32>
          %add3A_452 = vector.broadcast %scan3A_298 : i32 to vector<16xi32>
          %add3A_453 = arith.addi %add3A_452, %masked_cumsum3A : vector<16xi32>
          %sub3A_454 = arith.constant 1 : i32
          %sub3A_455 = vector.broadcast %sub3A_454 : i32 to vector<16xi32>
          %sub3A_456 = arith.subi %add3A_453, %sub3A_455 : vector<16xi32>
          %sub3A_457 = vector.broadcast %squeeze3A_134 : f32 to vector<16xf32>
          %sub3A_458 = arith.subf %get3A_302, %sub3A_457 : vector<16xf32>
          %div3A_459 = vector.broadcast %squeeze3A_26 : f32 to vector<16xf32>
          %div3A_460 = arith.divf %sub3A_458, %div3A_459 : vector<16xf32>
          %sub3A_461 = vector.broadcast %squeeze3A_138 : f32 to vector<16xf32>
          %sub3A_462 = arith.subf %get3A_306, %sub3A_461 : vector<16xf32>
          %div3A_463 = vector.broadcast %squeeze3A_26 : f32 to vector<16xf32>
          %div3A_464 = arith.divf %sub3A_462, %div3A_463 : vector<16xf32>
          %mul3A_465 = arith.constant 2 : i32
          %mul3A_466 = vector.broadcast %mul3A_465 : i32 to vector<16xi32>
          %mul3A_467 = arith.muli %sub3A_456, %mul3A_466 : vector<16xi32>
          tpu.vector_store_idx %arg15[%mul3A_467], %div3A_460 masked %and3A_325 : memref<4000xf32, #tpu.memory_space<vmem>>[vector<16xi32>], vector<16xf32>, vector<16xi1>
          %mul3A_468 = arith.constant 2 : i32
          %mul3A_469 = vector.broadcast %mul3A_468 : i32 to vector<16xi32>
          %mul3A_470 = arith.muli %sub3A_456, %mul3A_469 : vector<16xi32>
          %add3A_471 = arith.constant 1 : i32
          %add3A_472 = vector.broadcast %add3A_471 : i32 to vector<16xi32>
          %add3A_473 = arith.addi %mul3A_470, %add3A_472 : vector<16xi32>
          tpu.vector_store_idx %arg15[%add3A_473], %div3A_464 masked %and3A_325 : memref<4000xf32, #tpu.memory_space<vmem>>[vector<16xi32>], vector<16xf32>, vector<16xi1>
          %mul3A_474 = arith.constant 16 : i32
          %mul3A_475 = arith.muli %scan3A_297, %mul3A_474 : i32
          %get3A_476 = arith.constant 0 : i32
          %get3A_477 = arith.index_cast %get3A_476 : i32 to index
          %get3A_478 = arith.index_cast %mul3A_475 : i32 to index
          %get3A_479 = tpu.vector_load %arg12[%get3A_477, %get3A_478] {strides = array<i32>} : memref<4x2000xf32, #tpu.memory_space<vmem>>, vector<16xf32>,
          %mul3A_480 = arith.constant 4 : i32
          %mul3A_481 = vector.broadcast %mul3A_480 : i32 to vector<16xi32>
          %mul3A_482 = arith.muli %sub3A_456, %mul3A_481 : vector<16xi32>
          %add3A_483 = arith.constant 0 : i32
          %add3A_484 = vector.broadcast %add3A_483 : i32 to vector<16xi32>
          %add3A_485 = arith.addi %mul3A_482, %add3A_484 : vector<16xi32>
          tpu.vector_store_idx %arg17[%add3A_485], %get3A_479 masked %and3A_325 : memref<8000xf32, #tpu.memory_space<vmem>>[vector<16xi32>], vector<16xf32>, vector<16xi1>
          %mul3A_486 = arith.constant 16 : i32
          %mul3A_487 = arith.muli %scan3A_297, %mul3A_486 : i32
          %get3A_488 = arith.constant 1 : i32
          %get3A_489 = arith.index_cast %get3A_488 : i32 to index
          %get3A_490 = arith.index_cast %mul3A_487 : i32 to index
          %get3A_491 = tpu.vector_load %arg12[%get3A_489, %get3A_490] {strides = array<i32>} : memref<4x2000xf32, #tpu.memory_space<vmem>>, vector<16xf32>,
          %mul3A_492 = arith.constant 4 : i32
          %mul3A_493 = vector.broadcast %mul3A_492 : i32 to vector<16xi32>
          %mul3A_494 = arith.muli %sub3A_456, %mul3A_493 : vector<16xi32>
          %add3A_495 = arith.constant 1 : i32
          %add3A_496 = vector.broadcast %add3A_495 : i32 to vector<16xi32>
          %add3A_497 = arith.addi %mul3A_494, %add3A_496 : vector<16xi32>
          tpu.vector_store_idx %arg17[%add3A_497], %get3A_491 masked %and3A_325 : memref<8000xf32, #tpu.memory_space<vmem>>[vector<16xi32>], vector<16xf32>, vector<16xi1>
          %mul3A_498 = arith.constant 16 : i32
          %mul3A_499 = arith.muli %scan3A_297, %mul3A_498 : i32
          %get3A_500 = arith.constant 2 : i32
          %get3A_501 = arith.index_cast %get3A_500 : i32 to index
          %get3A_502 = arith.index_cast %mul3A_499 : i32 to index
          %get3A_503 = tpu.vector_load %arg12[%get3A_501, %get3A_502] {strides = array<i32>} : memref<4x2000xf32, #tpu.memory_space<vmem>>, vector<16xf32>,
          %mul3A_504 = arith.constant 4 : i32
          %mul3A_505 = vector.broadcast %mul3A_504 : i32 to vector<16xi32>
          %mul3A_506 = arith.muli %sub3A_456, %mul3A_505 : vector<16xi32>
          %add3A_507 = arith.constant 2 : i32
          %add3A_508 = vector.broadcast %add3A_507 : i32 to vector<16xi32>
          %add3A_509 = arith.addi %mul3A_506, %add3A_508 : vector<16xi32>
          tpu.vector_store_idx %arg17[%add3A_509], %get3A_503 masked %and3A_325 : memref<8000xf32, #tpu.memory_space<vmem>>[vector<16xi32>], vector<16xf32>, vector<16xi1>
          %mul3A_510 = arith.constant 16 : i32
          %mul3A_511 = arith.muli %scan3A_297, %mul3A_510 : i32
          %get3A_512 = arith.constant 3 : i32
          %get3A_513 = arith.index_cast %get3A_512 : i32 to index
          %get3A_514 = arith.index_cast %mul3A_511 : i32 to index
          %get3A_515 = tpu.vector_load %arg12[%get3A_513, %get3A_514] {strides = array<i32>} : memref<4x2000xf32, #tpu.memory_space<vmem>>, vector<16xf32>,
          %mul3A_516 = arith.constant 4 : i32
          %mul3A_517 = vector.broadcast %mul3A_516 : i32 to vector<16xi32>
          %mul3A_518 = arith.muli %sub3A_456, %mul3A_517 : vector<16xi32>
          %add3A_519 = arith.constant 3 : i32
          %add3A_520 = vector.broadcast %add3A_519 : i32 to vector<16xi32>
          %add3A_521 = arith.addi %mul3A_518, %add3A_520 : vector<16xi32>
          tpu.vector_store_idx %arg17[%add3A_521], %get3A_515 masked %and3A_325 : memref<8000xf32, #tpu.memory_space<vmem>>[vector<16xi32>], vector<16xf32>, vector<16xi1>
          tpu.vector_store_idx %arg19[%sub3A_456], %broadcast_in_dim3A_31 masked %and3A_325 : memref<2000xi32, #tpu.memory_space<vmem>>[vector<16xi32>], vector<16xi32>, vector<16xi1>
        } else {
        }
        %add3A_334 = arith.addi %scan3A_298, %squeeze3A_328 : i32
        %scan3A_335 = arith.constant 1 : i32
        %scan3A_336 = arith.addi %scan3A_297, %scan3A_335 : i32
        %mul3A_337 = arith.constant 16 : i32
        %mul3A_338 = arith.muli %scan3A_336, %mul3A_337 : i32
        %get3A_339 = arith.index_cast %mul3A_338 : i32 to index
        %get3A_340 = tpu.vector_load %arg10[%get3A_339] {strides = array<i32>} : memref<2000xf32, #tpu.memory_space<vmem>>, vector<16xf32>,
        %mul3A_341 = arith.constant 16 : i32
        %mul3A_342 = arith.muli %scan3A_336, %mul3A_341 : i32
        %get3A_343 = arith.index_cast %mul3A_342 : i32 to index
        %get3A_344 = tpu.vector_load %arg11[%get3A_343] {strides = array<i32>} : memref<2000xf32, #tpu.memory_space<vmem>>, vector<16xf32>,
        %gt3A_345 = vector.broadcast %squeeze3A_134 : f32 to vector<16xf32>
        %gt3A_346 = arith.cmpf ogt, %get3A_340, %gt3A_345 : vector<16xf32>
        %lt3A_347 = vector.broadcast %squeeze3A_136 : f32 to vector<16xf32>
        %lt3A_348 = arith.cmpf olt, %get3A_340, %lt3A_347 : vector<16xf32>
        %and3A_349 = arith.andi %gt3A_346, %lt3A_348 : vector<16xi1>
        %ne3A_350 = arith.constant 0.000000e+00 : f32
        %ne3A_351 = vector.broadcast %ne3A_350 : f32 to vector<16xf32>
        %ne3A_352 = arith.cmpf one, %get3A_340, %ne3A_351 : vector<16xf32>
        %and3A_353 = arith.andi %and3A_349, %ne3A_352 : vector<16xi1>
        %gt3A_354 = vector.broadcast %squeeze3A_138 : f32 to vector<16xf32>
        %gt3A_355 = arith.cmpf ogt, %get3A_344, %gt3A_354 : vector<16xf32>
        %and3A_356 = arith.andi %and3A_353, %gt3A_355 : vector<16xi1>
        %lt3A_357 = vector.broadcast %squeeze3A_140 : f32 to vector<16xf32>
        %lt3A_358 = arith.cmpf olt, %get3A_344, %lt3A_357 : vector<16xf32>
        %and3A_359 = arith.andi %and3A_356, %lt3A_358 : vector<16xi1>
        %ne3A_360 = arith.constant 0.000000e+00 : f32
        %ne3A_361 = vector.broadcast %ne3A_360 : f32 to vector<16xf32>
        %ne3A_362 = arith.cmpf one, %get3A_344, %ne3A_361 : vector<16xf32>
        %and3A_363 = arith.andi %and3A_359, %ne3A_362 : vector<16xi1>
        %all_reduce_population_count3A_364 = tpu.all_reduce %and3A_363 {dim = 0 : i64, kind = #tpu.reduction_kind<sum>} : vector<16xi1> -> vector<16xi32>
        %slice3A_365 = vector.extract_strided_slice %all_reduce_population_count3A_364 {offsets = [0], sizes = [1], strides = [1]} : vector<16xi32> to vector<1xi32>
        %squeeze3A_366 = vector.extract %slice3A_365[0] : i32 from vector<1xi32>
        %gt3A_367 = arith.constant 0 : i32
        %gt3A_368 = arith.cmpi sgt, %squeeze3A_366, %gt3A_367 : i32
        %convert_element_type3A_369 = arith.extui %gt3A_368 : i1 to i32
        %cond3A_370 = arith.constant 0 : i32
        %cond3A_371 = arith.cmpi ne, %convert_element_type3A_369, %cond3A_370 : i32
        scf.if %cond3A_371 {
          %select_n3A_449 = arith.select %and3A_363, %broadcast_in_dim3A_31, %broadcast_in_dim3A_29 : vector<16xi1>, vector<16xi32>
          %broadcast_in_dim3A_450 = arith.constant true
          %broadcast_in_dim3A_451 = vector.broadcast %broadcast_in_dim3A_450 : i1 to vector<16xi1>
          %masked_cumsum3A = tpu.scan <sum>, %select_n3A_449 masked %broadcast_in_dim3A_451 : vector<16xi32>, vector<16xi1> -> vector<16xi32>
          %add3A_452 = vector.broadcast %add3A_334 : i32 to vector<16xi32>
          %add3A_453 = arith.addi %add3A_452, %masked_cumsum3A : vector<16xi32>
          %sub3A_454 = arith.constant 1 : i32
          %sub3A_455 = vector.broadcast %sub3A_454 : i32 to vector<16xi32>
          %sub3A_456 = arith.subi %add3A_453, %sub3A_455 : vector<16xi32>
          %sub3A_457 = vector.broadcast %squeeze3A_134 : f32 to vector<16xf32>
          %sub3A_458 = arith.subf %get3A_340, %sub3A_457 : vector<16xf32>
          %div3A_459 = vector.broadcast %squeeze3A_26 : f32 to vector<16xf32>
          %div3A_460 = arith.divf %sub3A_458, %div3A_459 : vector<16xf32>
          %sub3A_461 = vector.broadcast %squeeze3A_138 : f32 to vector<16xf32>
          %sub3A_462 = arith.subf %get3A_344, %sub3A_461 : vector<16xf32>
          %div3A_463 = vector.broadcast %squeeze3A_26 : f32 to vector<16xf32>
          %div3A_464 = arith.divf %sub3A_462, %div3A_463 : vector<16xf32>
          %mul3A_465 = arith.constant 2 : i32
          %mul3A_466 = vector.broadcast %mul3A_465 : i32 to vector<16xi32>
          %mul3A_467 = arith.muli %sub3A_456, %mul3A_466 : vector<16xi32>
          tpu.vector_store_idx %arg15[%mul3A_467], %div3A_460 masked %and3A_363 : memref<4000xf32, #tpu.memory_space<vmem>>[vector<16xi32>], vector<16xf32>, vector<16xi1>
          %mul3A_468 = arith.constant 2 : i32
          %mul3A_469 = vector.broadcast %mul3A_468 : i32 to vector<16xi32>
          %mul3A_470 = arith.muli %sub3A_456, %mul3A_469 : vector<16xi32>
          %add3A_471 = arith.constant 1 : i32
          %add3A_472 = vector.broadcast %add3A_471 : i32 to vector<16xi32>
          %add3A_473 = arith.addi %mul3A_470, %add3A_472 : vector<16xi32>
          tpu.vector_store_idx %arg15[%add3A_473], %div3A_464 masked %and3A_363 : memref<4000xf32, #tpu.memory_space<vmem>>[vector<16xi32>], vector<16xf32>, vector<16xi1>
          %mul3A_474 = arith.constant 16 : i32
          %mul3A_475 = arith.muli %scan3A_336, %mul3A_474 : i32
          %get3A_476 = arith.constant 0 : i32
          %get3A_477 = arith.index_cast %get3A_476 : i32 to index
          %get3A_478 = arith.index_cast %mul3A_475 : i32 to index
          %get3A_479 = tpu.vector_load %arg12[%get3A_477, %get3A_478] {strides = array<i32>} : memref<4x2000xf32, #tpu.memory_space<vmem>>, vector<16xf32>,
          %mul3A_480 = arith.constant 4 : i32
          %mul3A_481 = vector.broadcast %mul3A_480 : i32 to vector<16xi32>
          %mul3A_482 = arith.muli %sub3A_456, %mul3A_481 : vector<16xi32>
          %add3A_483 = arith.constant 0 : i32
          %add3A_484 = vector.broadcast %add3A_483 : i32 to vector<16xi32>
          %add3A_485 = arith.addi %mul3A_482, %add3A_484 : vector<16xi32>
          tpu.vector_store_idx %arg17[%add3A_485], %get3A_479 masked %and3A_363 : memref<8000xf32, #tpu.memory_space<vmem>>[vector<16xi32>], vector<16xf32>, vector<16xi1>
          %mul3A_486 = arith.constant 16 : i32
          %mul3A_487 = arith.muli %scan3A_336, %mul3A_486 : i32
          %get3A_488 = arith.constant 1 : i32
          %get3A_489 = arith.index_cast %get3A_488 : i32 to index
          %get3A_490 = arith.index_cast %mul3A_487 : i32 to index
          %get3A_491 = tpu.vector_load %arg12[%get3A_489, %get3A_490] {strides = array<i32>} : memref<4x2000xf32, #tpu.memory_space<vmem>>, vector<16xf32>,
          %mul3A_492 = arith.constant 4 : i32
          %mul3A_493 = vector.broadcast %mul3A_492 : i32 to vector<16xi32>
          %mul3A_494 = arith.muli %sub3A_456, %mul3A_493 : vector<16xi32>
          %add3A_495 = arith.constant 1 : i32
          %add3A_496 = vector.broadcast %add3A_495 : i32 to vector<16xi32>
          %add3A_497 = arith.addi %mul3A_494, %add3A_496 : vector<16xi32>
          tpu.vector_store_idx %arg17[%add3A_497], %get3A_491 masked %and3A_363 : memref<8000xf32, #tpu.memory_space<vmem>>[vector<16xi32>], vector<16xf32>, vector<16xi1>
          %mul3A_498 = arith.constant 16 : i32
          %mul3A_499 = arith.muli %scan3A_336, %mul3A_498 : i32
          %get3A_500 = arith.constant 2 : i32
          %get3A_501 = arith.index_cast %get3A_500 : i32 to index
          %get3A_502 = arith.index_cast %mul3A_499 : i32 to index
          %get3A_503 = tpu.vector_load %arg12[%get3A_501, %get3A_502] {strides = array<i32>} : memref<4x2000xf32, #tpu.memory_space<vmem>>, vector<16xf32>,
          %mul3A_504 = arith.constant 4 : i32
          %mul3A_505 = vector.broadcast %mul3A_504 : i32 to vector<16xi32>
          %mul3A_506 = arith.muli %sub3A_456, %mul3A_505 : vector<16xi32>
          %add3A_507 = arith.constant 2 : i32
          %add3A_508 = vector.broadcast %add3A_507 : i32 to vector<16xi32>
          %add3A_509 = arith.addi %mul3A_506, %add3A_508 : vector<16xi32>
          tpu.vector_store_idx %arg17[%add3A_509], %get3A_503 masked %and3A_363 : memref<8000xf32, #tpu.memory_space<vmem>>[vector<16xi32>], vector<16xf32>, vector<16xi1>
          %mul3A_510 = arith.constant 16 : i32
          %mul3A_511 = arith.muli %scan3A_336, %mul3A_510 : i32
          %get3A_512 = arith.constant 3 : i32
          %get3A_513 = arith.index_cast %get3A_512 : i32 to index
          %get3A_514 = arith.index_cast %mul3A_511 : i32 to index
          %get3A_515 = tpu.vector_load %arg12[%get3A_513, %get3A_514] {strides = array<i32>} : memref<4x2000xf32, #tpu.memory_space<vmem>>, vector<16xf32>,
          %mul3A_516 = arith.constant 4 : i32
          %mul3A_517 = vector.broadcast %mul3A_516 : i32 to vector<16xi32>
          %mul3A_518 = arith.muli %sub3A_456, %mul3A_517 : vector<16xi32>
          %add3A_519 = arith.constant 3 : i32
          %add3A_520 = vector.broadcast %add3A_519 : i32 to vector<16xi32>
          %add3A_521 = arith.addi %mul3A_518, %add3A_520 : vector<16xi32>
          tpu.vector_store_idx %arg17[%add3A_521], %get3A_515 masked %and3A_363 : memref<8000xf32, #tpu.memory_space<vmem>>[vector<16xi32>], vector<16xf32>, vector<16xi1>
          tpu.vector_store_idx %arg19[%sub3A_456], %broadcast_in_dim3A_31 masked %and3A_363 : memref<2000xi32, #tpu.memory_space<vmem>>[vector<16xi32>], vector<16xi32>, vector<16xi1>
        } else {
        }
        %add3A_372 = arith.addi %add3A_334, %squeeze3A_366 : i32
        %scan3A_373 = arith.constant 2 : i32
        %scan3A_374 = arith.addi %scan3A_297, %scan3A_373 : i32
        %mul3A_375 = arith.constant 16 : i32
        %mul3A_376 = arith.muli %scan3A_374, %mul3A_375 : i32
        %get3A_377 = arith.index_cast %mul3A_376 : i32 to index
        %get3A_378 = tpu.vector_load %arg10[%get3A_377] {strides = array<i32>} : memref<2000xf32, #tpu.memory_space<vmem>>, vector<16xf32>,
        %mul3A_379 = arith.constant 16 : i32
        %mul3A_380 = arith.muli %scan3A_374, %mul3A_379 : i32
        %get3A_381 = arith.index_cast %mul3A_380 : i32 to index
        %get3A_382 = tpu.vector_load %arg11[%get3A_381] {strides = array<i32>} : memref<2000xf32, #tpu.memory_space<vmem>>, vector<16xf32>,
        %gt3A_383 = vector.broadcast %squeeze3A_134 : f32 to vector<16xf32>
        %gt3A_384 = arith.cmpf ogt, %get3A_378, %gt3A_383 : vector<16xf32>
        %lt3A_385 = vector.broadcast %squeeze3A_136 : f32 to vector<16xf32>
        %lt3A_386 = arith.cmpf olt, %get3A_378, %lt3A_385 : vector<16xf32>
        %and3A_387 = arith.andi %gt3A_384, %lt3A_386 : vector<16xi1>
        %ne3A_388 = arith.constant 0.000000e+00 : f32
        %ne3A_389 = vector.broadcast %ne3A_388 : f32 to vector<16xf32>
        %ne3A_390 = arith.cmpf one, %get3A_378, %ne3A_389 : vector<16xf32>
        %and3A_391 = arith.andi %and3A_387, %ne3A_390 : vector<16xi1>
        %gt3A_392 = vector.broadcast %squeeze3A_138 : f32 to vector<16xf32>
        %gt3A_393 = arith.cmpf ogt, %get3A_382, %gt3A_392 : vector<16xf32>
        %and3A_394 = arith.andi %and3A_391, %gt3A_393 : vector<16xi1>
        %lt3A_395 = vector.broadcast %squeeze3A_140 : f32 to vector<16xf32>
        %lt3A_396 = arith.cmpf olt, %get3A_382, %lt3A_395 : vector<16xf32>
        %and3A_397 = arith.andi %and3A_394, %lt3A_396 : vector<16xi1>
        %ne3A_398 = arith.constant 0.000000e+00 : f32
        %ne3A_399 = vector.broadcast %ne3A_398 : f32 to vector<16xf32>
        %ne3A_400 = arith.cmpf one, %get3A_382, %ne3A_399 : vector<16xf32>
        %and3A_401 = arith.andi %and3A_397, %ne3A_400 : vector<16xi1>
        %all_reduce_population_count3A_402 = tpu.all_reduce %and3A_401 {dim = 0 : i64, kind = #tpu.reduction_kind<sum>} : vector<16xi1> -> vector<16xi32>
        %slice3A_403 = vector.extract_strided_slice %all_reduce_population_count3A_402 {offsets = [0], sizes = [1], strides = [1]} : vector<16xi32> to vector<1xi32>
        %squeeze3A_404 = vector.extract %slice3A_403[0] : i32 from vector<1xi32>
        %gt3A_405 = arith.constant 0 : i32
        %gt3A_406 = arith.cmpi sgt, %squeeze3A_404, %gt3A_405 : i32
        %convert_element_type3A_407 = arith.extui %gt3A_406 : i1 to i32
        %cond3A_408 = arith.constant 0 : i32
        %cond3A_409 = arith.cmpi ne, %convert_element_type3A_407, %cond3A_408 : i32
        scf.if %cond3A_409 {
          %select_n3A_449 = arith.select %and3A_401, %broadcast_in_dim3A_31, %broadcast_in_dim3A_29 : vector<16xi1>, vector<16xi32>
          %broadcast_in_dim3A_450 = arith.constant true
          %broadcast_in_dim3A_451 = vector.broadcast %broadcast_in_dim3A_450 : i1 to vector<16xi1>
          %masked_cumsum3A = tpu.scan <sum>, %select_n3A_449 masked %broadcast_in_dim3A_451 : vector<16xi32>, vector<16xi1> -> vector<16xi32>
          %add3A_452 = vector.broadcast %add3A_372 : i32 to vector<16xi32>
          %add3A_453 = arith.addi %add3A_452, %masked_cumsum3A : vector<16xi32>
          %sub3A_454 = arith.constant 1 : i32
          %sub3A_455 = vector.broadcast %sub3A_454 : i32 to vector<16xi32>
          %sub3A_456 = arith.subi %add3A_453, %sub3A_455 : vector<16xi32>
          %sub3A_457 = vector.broadcast %squeeze3A_134 : f32 to vector<16xf32>
          %sub3A_458 = arith.subf %get3A_378, %sub3A_457 : vector<16xf32>
          %div3A_459 = vector.broadcast %squeeze3A_26 : f32 to vector<16xf32>
          %div3A_460 = arith.divf %sub3A_458, %div3A_459 : vector<16xf32>
          %sub3A_461 = vector.broadcast %squeeze3A_138 : f32 to vector<16xf32>
          %sub3A_462 = arith.subf %get3A_382, %sub3A_461 : vector<16xf32>
          %div3A_463 = vector.broadcast %squeeze3A_26 : f32 to vector<16xf32>
          %div3A_464 = arith.divf %sub3A_462, %div3A_463 : vector<16xf32>
          %mul3A_465 = arith.constant 2 : i32
          %mul3A_466 = vector.broadcast %mul3A_465 : i32 to vector<16xi32>
          %mul3A_467 = arith.muli %sub3A_456, %mul3A_466 : vector<16xi32>
          tpu.vector_store_idx %arg15[%mul3A_467], %div3A_460 masked %and3A_401 : memref<4000xf32, #tpu.memory_space<vmem>>[vector<16xi32>], vector<16xf32>, vector<16xi1>
          %mul3A_468 = arith.constant 2 : i32
          %mul3A_469 = vector.broadcast %mul3A_468 : i32 to vector<16xi32>
          %mul3A_470 = arith.muli %sub3A_456, %mul3A_469 : vector<16xi32>
          %add3A_471 = arith.constant 1 : i32
          %add3A_472 = vector.broadcast %add3A_471 : i32 to vector<16xi32>
          %add3A_473 = arith.addi %mul3A_470, %add3A_472 : vector<16xi32>
          tpu.vector_store_idx %arg15[%add3A_473], %div3A_464 masked %and3A_401 : memref<4000xf32, #tpu.memory_space<vmem>>[vector<16xi32>], vector<16xf32>, vector<16xi1>
          %mul3A_474 = arith.constant 16 : i32
          %mul3A_475 = arith.muli %scan3A_374, %mul3A_474 : i32
          %get3A_476 = arith.constant 0 : i32
          %get3A_477 = arith.index_cast %get3A_476 : i32 to index
          %get3A_478 = arith.index_cast %mul3A_475 : i32 to index
          %get3A_479 = tpu.vector_load %arg12[%get3A_477, %get3A_478] {strides = array<i32>} : memref<4x2000xf32, #tpu.memory_space<vmem>>, vector<16xf32>,
          %mul3A_480 = arith.constant 4 : i32
          %mul3A_481 = vector.broadcast %mul3A_480 : i32 to vector<16xi32>
          %mul3A_482 = arith.muli %sub3A_456, %mul3A_481 : vector<16xi32>
          %add3A_483 = arith.constant 0 : i32
          %add3A_484 = vector.broadcast %add3A_483 : i32 to vector<16xi32>
          %add3A_485 = arith.addi %mul3A_482, %add3A_484 : vector<16xi32>
          tpu.vector_store_idx %arg17[%add3A_485], %get3A_479 masked %and3A_401 : memref<8000xf32, #tpu.memory_space<vmem>>[vector<16xi32>], vector<16xf32>, vector<16xi1>
          %mul3A_486 = arith.constant 16 : i32
          %mul3A_487 = arith.muli %scan3A_374, %mul3A_486 : i32
          %get3A_488 = arith.constant 1 : i32
          %get3A_489 = arith.index_cast %get3A_488 : i32 to index
          %get3A_490 = arith.index_cast %mul3A_487 : i32 to index
          %get3A_491 = tpu.vector_load %arg12[%get3A_489, %get3A_490] {strides = array<i32>} : memref<4x2000xf32, #tpu.memory_space<vmem>>, vector<16xf32>,
          %mul3A_492 = arith.constant 4 : i32
          %mul3A_493 = vector.broadcast %mul3A_492 : i32 to vector<16xi32>
          %mul3A_494 = arith.muli %sub3A_456, %mul3A_493 : vector<16xi32>
          %add3A_495 = arith.constant 1 : i32
          %add3A_496 = vector.broadcast %add3A_495 : i32 to vector<16xi32>
          %add3A_497 = arith.addi %mul3A_494, %add3A_496 : vector<16xi32>
          tpu.vector_store_idx %arg17[%add3A_497], %get3A_491 masked %and3A_401 : memref<8000xf32, #tpu.memory_space<vmem>>[vector<16xi32>], vector<16xf32>, vector<16xi1>
          %mul3A_498 = arith.constant 16 : i32
          %mul3A_499 = arith.muli %scan3A_374, %mul3A_498 : i32
          %get3A_500 = arith.constant 2 : i32
          %get3A_501 = arith.index_cast %get3A_500 : i32 to index
          %get3A_502 = arith.index_cast %mul3A_499 : i32 to index
          %get3A_503 = tpu.vector_load %arg12[%get3A_501, %get3A_502] {strides = array<i32>} : memref<4x2000xf32, #tpu.memory_space<vmem>>, vector<16xf32>,
          %mul3A_504 = arith.constant 4 : i32
          %mul3A_505 = vector.broadcast %mul3A_504 : i32 to vector<16xi32>
          %mul3A_506 = arith.muli %sub3A_456, %mul3A_505 : vector<16xi32>
          %add3A_507 = arith.constant 2 : i32
          %add3A_508 = vector.broadcast %add3A_507 : i32 to vector<16xi32>
          %add3A_509 = arith.addi %mul3A_506, %add3A_508 : vector<16xi32>
          tpu.vector_store_idx %arg17[%add3A_509], %get3A_503 masked %and3A_401 : memref<8000xf32, #tpu.memory_space<vmem>>[vector<16xi32>], vector<16xf32>, vector<16xi1>
          %mul3A_510 = arith.constant 16 : i32
          %mul3A_511 = arith.muli %scan3A_374, %mul3A_510 : i32
          %get3A_512 = arith.constant 3 : i32
          %get3A_513 = arith.index_cast %get3A_512 : i32 to index
          %get3A_514 = arith.index_cast %mul3A_511 : i32 to index
          %get3A_515 = tpu.vector_load %arg12[%get3A_513, %get3A_514] {strides = array<i32>} : memref<4x2000xf32, #tpu.memory_space<vmem>>, vector<16xf32>,
          %mul3A_516 = arith.constant 4 : i32
          %mul3A_517 = vector.broadcast %mul3A_516 : i32 to vector<16xi32>
          %mul3A_518 = arith.muli %sub3A_456, %mul3A_517 : vector<16xi32>
          %add3A_519 = arith.constant 3 : i32
          %add3A_520 = vector.broadcast %add3A_519 : i32 to vector<16xi32>
          %add3A_521 = arith.addi %mul3A_518, %add3A_520 : vector<16xi32>
          tpu.vector_store_idx %arg17[%add3A_521], %get3A_515 masked %and3A_401 : memref<8000xf32, #tpu.memory_space<vmem>>[vector<16xi32>], vector<16xf32>, vector<16xi1>
          tpu.vector_store_idx %arg19[%sub3A_456], %broadcast_in_dim3A_31 masked %and3A_401 : memref<2000xi32, #tpu.memory_space<vmem>>[vector<16xi32>], vector<16xi32>, vector<16xi1>
        } else {
        }
        %add3A_410 = arith.addi %add3A_372, %squeeze3A_404 : i32
        %scan3A_411 = arith.constant 3 : i32
        %scan3A_412 = arith.addi %scan3A_297, %scan3A_411 : i32
        %mul3A_413 = arith.constant 16 : i32
        %mul3A_414 = arith.muli %scan3A_412, %mul3A_413 : i32
        %get3A_415 = arith.index_cast %mul3A_414 : i32 to index
        %get3A_416 = tpu.vector_load %arg10[%get3A_415] {strides = array<i32>} : memref<2000xf32, #tpu.memory_space<vmem>>, vector<16xf32>,
        %mul3A_417 = arith.constant 16 : i32
        %mul3A_418 = arith.muli %scan3A_412, %mul3A_417 : i32
        %get3A_419 = arith.index_cast %mul3A_418 : i32 to index
        %get3A_420 = tpu.vector_load %arg11[%get3A_419] {strides = array<i32>} : memref<2000xf32, #tpu.memory_space<vmem>>, vector<16xf32>,
        %gt3A_421 = vector.broadcast %squeeze3A_134 : f32 to vector<16xf32>
        %gt3A_422 = arith.cmpf ogt, %get3A_416, %gt3A_421 : vector<16xf32>
        %lt3A_423 = vector.broadcast %squeeze3A_136 : f32 to vector<16xf32>
        %lt3A_424 = arith.cmpf olt, %get3A_416, %lt3A_423 : vector<16xf32>
        %and3A_425 = arith.andi %gt3A_422, %lt3A_424 : vector<16xi1>
        %ne3A_426 = arith.constant 0.000000e+00 : f32
        %ne3A_427 = vector.broadcast %ne3A_426 : f32 to vector<16xf32>
        %ne3A_428 = arith.cmpf one, %get3A_416, %ne3A_427 : vector<16xf32>
        %and3A_429 = arith.andi %and3A_425, %ne3A_428 : vector<16xi1>
        %gt3A_430 = vector.broadcast %squeeze3A_138 : f32 to vector<16xf32>
        %gt3A_431 = arith.cmpf ogt, %get3A_420, %gt3A_430 : vector<16xf32>
        %and3A_432 = arith.andi %and3A_429, %gt3A_431 : vector<16xi1>
        %lt3A_433 = vector.broadcast %squeeze3A_140 : f32 to vector<16xf32>
        %lt3A_434 = arith.cmpf olt, %get3A_420, %lt3A_433 : vector<16xf32>
        %and3A_435 = arith.andi %and3A_432, %lt3A_434 : vector<16xi1>
        %ne3A_436 = arith.constant 0.000000e+00 : f32
        %ne3A_437 = vector.broadcast %ne3A_436 : f32 to vector<16xf32>
        %ne3A_438 = arith.cmpf one, %get3A_420, %ne3A_437 : vector<16xf32>
        %and3A_439 = arith.andi %and3A_435, %ne3A_438 : vector<16xi1>
        %all_reduce_population_count3A_440 = tpu.all_reduce %and3A_439 {dim = 0 : i64, kind = #tpu.reduction_kind<sum>} : vector<16xi1> -> vector<16xi32>
        %slice3A_441 = vector.extract_strided_slice %all_reduce_population_count3A_440 {offsets = [0], sizes = [1], strides = [1]} : vector<16xi32> to vector<1xi32>
        %squeeze3A_442 = vector.extract %slice3A_441[0] : i32 from vector<1xi32>
        %gt3A_443 = arith.constant 0 : i32
        %gt3A_444 = arith.cmpi sgt, %squeeze3A_442, %gt3A_443 : i32
        %convert_element_type3A_445 = arith.extui %gt3A_444 : i1 to i32
        %cond3A_446 = arith.constant 0 : i32
        %cond3A_447 = arith.cmpi ne, %convert_element_type3A_445, %cond3A_446 : i32
        scf.if %cond3A_447 {
          %select_n3A_449 = arith.select %and3A_439, %broadcast_in_dim3A_31, %broadcast_in_dim3A_29 : vector<16xi1>, vector<16xi32>
          %broadcast_in_dim3A_450 = arith.constant true
          %broadcast_in_dim3A_451 = vector.broadcast %broadcast_in_dim3A_450 : i1 to vector<16xi1>
          %masked_cumsum3A = tpu.scan <sum>, %select_n3A_449 masked %broadcast_in_dim3A_451 : vector<16xi32>, vector<16xi1> -> vector<16xi32>
          %add3A_452 = vector.broadcast %add3A_410 : i32 to vector<16xi32>
          %add3A_453 = arith.addi %add3A_452, %masked_cumsum3A : vector<16xi32>
          %sub3A_454 = arith.constant 1 : i32
          %sub3A_455 = vector.broadcast %sub3A_454 : i32 to vector<16xi32>
          %sub3A_456 = arith.subi %add3A_453, %sub3A_455 : vector<16xi32>
          %sub3A_457 = vector.broadcast %squeeze3A_134 : f32 to vector<16xf32>
          %sub3A_458 = arith.subf %get3A_416, %sub3A_457 : vector<16xf32>
          %div3A_459 = vector.broadcast %squeeze3A_26 : f32 to vector<16xf32>
          %div3A_460 = arith.divf %sub3A_458, %div3A_459 : vector<16xf32>
          %sub3A_461 = vector.broadcast %squeeze3A_138 : f32 to vector<16xf32>
          %sub3A_462 = arith.subf %get3A_420, %sub3A_461 : vector<16xf32>
          %div3A_463 = vector.broadcast %squeeze3A_26 : f32 to vector<16xf32>
          %div3A_464 = arith.divf %sub3A_462, %div3A_463 : vector<16xf32>
          %mul3A_465 = arith.constant 2 : i32
          %mul3A_466 = vector.broadcast %mul3A_465 : i32 to vector<16xi32>
          %mul3A_467 = arith.muli %sub3A_456, %mul3A_466 : vector<16xi32>
          tpu.vector_store_idx %arg15[%mul3A_467], %div3A_460 masked %and3A_439 : memref<4000xf32, #tpu.memory_space<vmem>>[vector<16xi32>], vector<16xf32>, vector<16xi1>
          %mul3A_468 = arith.constant 2 : i32
          %mul3A_469 = vector.broadcast %mul3A_468 : i32 to vector<16xi32>
          %mul3A_470 = arith.muli %sub3A_456, %mul3A_469 : vector<16xi32>
          %add3A_471 = arith.constant 1 : i32
          %add3A_472 = vector.broadcast %add3A_471 : i32 to vector<16xi32>
          %add3A_473 = arith.addi %mul3A_470, %add3A_472 : vector<16xi32>
          tpu.vector_store_idx %arg15[%add3A_473], %div3A_464 masked %and3A_439 : memref<4000xf32, #tpu.memory_space<vmem>>[vector<16xi32>], vector<16xf32>, vector<16xi1>
          %mul3A_474 = arith.constant 16 : i32
          %mul3A_475 = arith.muli %scan3A_412, %mul3A_474 : i32
          %get3A_476 = arith.constant 0 : i32
          %get3A_477 = arith.index_cast %get3A_476 : i32 to index
          %get3A_478 = arith.index_cast %mul3A_475 : i32 to index
          %get3A_479 = tpu.vector_load %arg12[%get3A_477, %get3A_478] {strides = array<i32>} : memref<4x2000xf32, #tpu.memory_space<vmem>>, vector<16xf32>,
          %mul3A_480 = arith.constant 4 : i32
          %mul3A_481 = vector.broadcast %mul3A_480 : i32 to vector<16xi32>
          %mul3A_482 = arith.muli %sub3A_456, %mul3A_481 : vector<16xi32>
          %add3A_483 = arith.constant 0 : i32
          %add3A_484 = vector.broadcast %add3A_483 : i32 to vector<16xi32>
          %add3A_485 = arith.addi %mul3A_482, %add3A_484 : vector<16xi32>
          tpu.vector_store_idx %arg17[%add3A_485], %get3A_479 masked %and3A_439 : memref<8000xf32, #tpu.memory_space<vmem>>[vector<16xi32>], vector<16xf32>, vector<16xi1>
          %mul3A_486 = arith.constant 16 : i32
          %mul3A_487 = arith.muli %scan3A_412, %mul3A_486 : i32
          %get3A_488 = arith.constant 1 : i32
          %get3A_489 = arith.index_cast %get3A_488 : i32 to index
          %get3A_490 = arith.index_cast %mul3A_487 : i32 to index
          %get3A_491 = tpu.vector_load %arg12[%get3A_489, %get3A_490] {strides = array<i32>} : memref<4x2000xf32, #tpu.memory_space<vmem>>, vector<16xf32>,
          %mul3A_492 = arith.constant 4 : i32
          %mul3A_493 = vector.broadcast %mul3A_492 : i32 to vector<16xi32>
          %mul3A_494 = arith.muli %sub3A_456, %mul3A_493 : vector<16xi32>
          %add3A_495 = arith.constant 1 : i32
          %add3A_496 = vector.broadcast %add3A_495 : i32 to vector<16xi32>
          %add3A_497 = arith.addi %mul3A_494, %add3A_496 : vector<16xi32>
          tpu.vector_store_idx %arg17[%add3A_497], %get3A_491 masked %and3A_439 : memref<8000xf32, #tpu.memory_space<vmem>>[vector<16xi32>], vector<16xf32>, vector<16xi1>
          %mul3A_498 = arith.constant 16 : i32
          %mul3A_499 = arith.muli %scan3A_412, %mul3A_498 : i32
          %get3A_500 = arith.constant 2 : i32
          %get3A_501 = arith.index_cast %get3A_500 : i32 to index
          %get3A_502 = arith.index_cast %mul3A_499 : i32 to index
          %get3A_503 = tpu.vector_load %arg12[%get3A_501, %get3A_502] {strides = array<i32>} : memref<4x2000xf32, #tpu.memory_space<vmem>>, vector<16xf32>,
          %mul3A_504 = arith.constant 4 : i32
          %mul3A_505 = vector.broadcast %mul3A_504 : i32 to vector<16xi32>
          %mul3A_506 = arith.muli %sub3A_456, %mul3A_505 : vector<16xi32>
          %add3A_507 = arith.constant 2 : i32
          %add3A_508 = vector.broadcast %add3A_507 : i32 to vector<16xi32>
          %add3A_509 = arith.addi %mul3A_506, %add3A_508 : vector<16xi32>
          tpu.vector_store_idx %arg17[%add3A_509], %get3A_503 masked %and3A_439 : memref<8000xf32, #tpu.memory_space<vmem>>[vector<16xi32>], vector<16xf32>, vector<16xi1>
          %mul3A_510 = arith.constant 16 : i32
          %mul3A_511 = arith.muli %scan3A_412, %mul3A_510 : i32
          %get3A_512 = arith.constant 3 : i32
          %get3A_513 = arith.index_cast %get3A_512 : i32 to index
          %get3A_514 = arith.index_cast %mul3A_511 : i32 to index
          %get3A_515 = tpu.vector_load %arg12[%get3A_513, %get3A_514] {strides = array<i32>} : memref<4x2000xf32, #tpu.memory_space<vmem>>, vector<16xf32>,
          %mul3A_516 = arith.constant 4 : i32
          %mul3A_517 = vector.broadcast %mul3A_516 : i32 to vector<16xi32>
          %mul3A_518 = arith.muli %sub3A_456, %mul3A_517 : vector<16xi32>
          %add3A_519 = arith.constant 3 : i32
          %add3A_520 = vector.broadcast %add3A_519 : i32 to vector<16xi32>
          %add3A_521 = arith.addi %mul3A_518, %add3A_520 : vector<16xi32>
          tpu.vector_store_idx %arg17[%add3A_521], %get3A_515 masked %and3A_439 : memref<8000xf32, #tpu.memory_space<vmem>>[vector<16xi32>], vector<16xf32>, vector<16xi1>
          tpu.vector_store_idx %arg19[%sub3A_456], %broadcast_in_dim3A_31 masked %and3A_439 : memref<2000xi32, #tpu.memory_space<vmem>>[vector<16xi32>], vector<16xi32>, vector<16xi1>
        } else {
        }
        %add3A_448 = arith.addi %add3A_410, %squeeze3A_442 : i32
        scf.yield %add3A_448 : i32
      }
      %scan3A_147 = arith.constant 124 : i32
      %scan3A_148 = arith.addi %scan3A_142, %scan3A_147 : i32
      %mul3A_149 = arith.constant 16 : i32
      %mul3A_150 = arith.muli %scan3A_148, %mul3A_149 : i32
      %get3A_151 = arith.index_cast %mul3A_150 : i32 to index
      %get3A_152 = tpu.vector_load %arg10[%get3A_151] {strides = array<i32>} : memref<2000xf32, #tpu.memory_space<vmem>>, vector<16xf32>,
      %mul3A_153 = arith.constant 16 : i32
      %mul3A_154 = arith.muli %scan3A_148, %mul3A_153 : i32
      %get3A_155 = arith.index_cast %mul3A_154 : i32 to index
      %get3A_156 = tpu.vector_load %arg11[%get3A_155] {strides = array<i32>} : memref<2000xf32, #tpu.memory_space<vmem>>, vector<16xf32>,
      %gt3A_157 = vector.broadcast %squeeze3A_134 : f32 to vector<16xf32>
      %gt3A_158 = arith.cmpf ogt, %get3A_152, %gt3A_157 : vector<16xf32>
      %lt3A = vector.broadcast %squeeze3A_136 : f32 to vector<16xf32>
      %lt3A_159 = arith.cmpf olt, %get3A_152, %lt3A : vector<16xf32>
      %and3A_160 = arith.andi %gt3A_158, %lt3A_159 : vector<16xi1>
      %ne3A_161 = arith.constant 0.000000e+00 : f32
      %ne3A_162 = vector.broadcast %ne3A_161 : f32 to vector<16xf32>
      %ne3A_163 = arith.cmpf one, %get3A_152, %ne3A_162 : vector<16xf32>
      %and3A_164 = arith.andi %and3A_160, %ne3A_163 : vector<16xi1>
      %gt3A_165 = vector.broadcast %squeeze3A_138 : f32 to vector<16xf32>
      %gt3A_166 = arith.cmpf ogt, %get3A_156, %gt3A_165 : vector<16xf32>
      %and3A_167 = arith.andi %and3A_164, %gt3A_166 : vector<16xi1>
      %lt3A_168 = vector.broadcast %squeeze3A_140 : f32 to vector<16xf32>
      %lt3A_169 = arith.cmpf olt, %get3A_156, %lt3A_168 : vector<16xf32>
      %and3A_170 = arith.andi %and3A_167, %lt3A_169 : vector<16xi1>
      %ne3A_171 = arith.constant 0.000000e+00 : f32
      %ne3A_172 = vector.broadcast %ne3A_171 : f32 to vector<16xf32>
      %ne3A_173 = arith.cmpf one, %get3A_156, %ne3A_172 : vector<16xf32>
      %and3A_174 = arith.andi %and3A_170, %ne3A_173 : vector<16xi1>
      %all_reduce_population_count3A = tpu.all_reduce %and3A_174 {dim = 0 : i64, kind = #tpu.reduction_kind<sum>} : vector<16xi1> -> vector<16xi32>
      %slice3A_175 = vector.extract_strided_slice %all_reduce_population_count3A {offsets = [0], sizes = [1], strides = [1]} : vector<16xi32> to vector<1xi32>
      %squeeze3A_176 = vector.extract %slice3A_175[0] : i32 from vector<1xi32>
      %gt3A_177 = arith.constant 0 : i32
      %gt3A_178 = arith.cmpi sgt, %squeeze3A_176, %gt3A_177 : i32
      %convert_element_type3A_179 = arith.extui %gt3A_178 : i1 to i32
      %cond3A_180 = arith.constant 0 : i32
      %cond3A_181 = arith.cmpi ne, %convert_element_type3A_179, %cond3A_180 : i32
      scf.if %cond3A_181 {
        %select_n3A_297 = arith.select %and3A_174, %broadcast_in_dim3A_31, %broadcast_in_dim3A_29 : vector<16xi1>, vector<16xi32>
        %broadcast_in_dim3A_298 = arith.constant true
        %broadcast_in_dim3A_299 = vector.broadcast %broadcast_in_dim3A_298 : i1 to vector<16xi1>
        %masked_cumsum3A = tpu.scan <sum>, %select_n3A_297 masked %broadcast_in_dim3A_299 : vector<16xi32>, vector<16xi1> -> vector<16xi32>
        %add3A_300 = vector.broadcast %scan3A_146 : i32 to vector<16xi32>
        %add3A_301 = arith.addi %add3A_300, %masked_cumsum3A : vector<16xi32>
        %sub3A_302 = arith.constant 1 : i32
        %sub3A_303 = vector.broadcast %sub3A_302 : i32 to vector<16xi32>
        %sub3A_304 = arith.subi %add3A_301, %sub3A_303 : vector<16xi32>
        %sub3A_305 = vector.broadcast %squeeze3A_134 : f32 to vector<16xf32>
        %sub3A_306 = arith.subf %get3A_152, %sub3A_305 : vector<16xf32>
        %div3A_307 = vector.broadcast %squeeze3A_26 : f32 to vector<16xf32>
        %div3A_308 = arith.divf %sub3A_306, %div3A_307 : vector<16xf32>
        %sub3A_309 = vector.broadcast %squeeze3A_138 : f32 to vector<16xf32>
        %sub3A_310 = arith.subf %get3A_156, %sub3A_309 : vector<16xf32>
        %div3A_311 = vector.broadcast %squeeze3A_26 : f32 to vector<16xf32>
        %div3A_312 = arith.divf %sub3A_310, %div3A_311 : vector<16xf32>
        %mul3A_313 = arith.constant 2 : i32
        %mul3A_314 = vector.broadcast %mul3A_313 : i32 to vector<16xi32>
        %mul3A_315 = arith.muli %sub3A_304, %mul3A_314 : vector<16xi32>
        tpu.vector_store_idx %arg15[%mul3A_315], %div3A_308 masked %and3A_174 : memref<4000xf32, #tpu.memory_space<vmem>>[vector<16xi32>], vector<16xf32>, vector<16xi1>
        %mul3A_316 = arith.constant 2 : i32
        %mul3A_317 = vector.broadcast %mul3A_316 : i32 to vector<16xi32>
        %mul3A_318 = arith.muli %sub3A_304, %mul3A_317 : vector<16xi32>
        %add3A_319 = arith.constant 1 : i32
        %add3A_320 = vector.broadcast %add3A_319 : i32 to vector<16xi32>
        %add3A_321 = arith.addi %mul3A_318, %add3A_320 : vector<16xi32>
        tpu.vector_store_idx %arg15[%add3A_321], %div3A_312 masked %and3A_174 : memref<4000xf32, #tpu.memory_space<vmem>>[vector<16xi32>], vector<16xf32>, vector<16xi1>
        %mul3A_322 = arith.constant 16 : i32
        %mul3A_323 = arith.muli %scan3A_148, %mul3A_322 : i32
        %get3A_324 = arith.constant 0 : i32
        %get3A_325 = arith.index_cast %get3A_324 : i32 to index
        %get3A_326 = arith.index_cast %mul3A_323 : i32 to index
        %get3A_327 = tpu.vector_load %arg12[%get3A_325, %get3A_326] {strides = array<i32>} : memref<4x2000xf32, #tpu.memory_space<vmem>>, vector<16xf32>,
        %mul3A_328 = arith.constant 4 : i32
        %mul3A_329 = vector.broadcast %mul3A_328 : i32 to vector<16xi32>
        %mul3A_330 = arith.muli %sub3A_304, %mul3A_329 : vector<16xi32>
        %add3A_331 = arith.constant 0 : i32
        %add3A_332 = vector.broadcast %add3A_331 : i32 to vector<16xi32>
        %add3A_333 = arith.addi %mul3A_330, %add3A_332 : vector<16xi32>
        tpu.vector_store_idx %arg17[%add3A_333], %get3A_327 masked %and3A_174 : memref<8000xf32, #tpu.memory_space<vmem>>[vector<16xi32>], vector<16xf32>, vector<16xi1>
        %mul3A_334 = arith.constant 16 : i32
        %mul3A_335 = arith.muli %scan3A_148, %mul3A_334 : i32
        %get3A_336 = arith.constant 1 : i32
        %get3A_337 = arith.index_cast %get3A_336 : i32 to index
        %get3A_338 = arith.index_cast %mul3A_335 : i32 to index
        %get3A_339 = tpu.vector_load %arg12[%get3A_337, %get3A_338] {strides = array<i32>} : memref<4x2000xf32, #tpu.memory_space<vmem>>, vector<16xf32>,
        %mul3A_340 = arith.constant 4 : i32
        %mul3A_341 = vector.broadcast %mul3A_340 : i32 to vector<16xi32>
        %mul3A_342 = arith.muli %sub3A_304, %mul3A_341 : vector<16xi32>
        %add3A_343 = arith.constant 1 : i32
        %add3A_344 = vector.broadcast %add3A_343 : i32 to vector<16xi32>
        %add3A_345 = arith.addi %mul3A_342, %add3A_344 : vector<16xi32>
        tpu.vector_store_idx %arg17[%add3A_345], %get3A_339 masked %and3A_174 : memref<8000xf32, #tpu.memory_space<vmem>>[vector<16xi32>], vector<16xf32>, vector<16xi1>
        %mul3A_346 = arith.constant 16 : i32
        %mul3A_347 = arith.muli %scan3A_148, %mul3A_346 : i32
        %get3A_348 = arith.constant 2 : i32
        %get3A_349 = arith.index_cast %get3A_348 : i32 to index
        %get3A_350 = arith.index_cast %mul3A_347 : i32 to index
        %get3A_351 = tpu.vector_load %arg12[%get3A_349, %get3A_350] {strides = array<i32>} : memref<4x2000xf32, #tpu.memory_space<vmem>>, vector<16xf32>,
        %mul3A_352 = arith.constant 4 : i32
        %mul3A_353 = vector.broadcast %mul3A_352 : i32 to vector<16xi32>
        %mul3A_354 = arith.muli %sub3A_304, %mul3A_353 : vector<16xi32>
        %add3A_355 = arith.constant 2 : i32
        %add3A_356 = vector.broadcast %add3A_355 : i32 to vector<16xi32>
        %add3A_357 = arith.addi %mul3A_354, %add3A_356 : vector<16xi32>
        tpu.vector_store_idx %arg17[%add3A_357], %get3A_351 masked %and3A_174 : memref<8000xf32, #tpu.memory_space<vmem>>[vector<16xi32>], vector<16xf32>, vector<16xi1>
        %mul3A_358 = arith.constant 16 : i32
        %mul3A_359 = arith.muli %scan3A_148, %mul3A_358 : i32
        %get3A_360 = arith.constant 3 : i32
        %get3A_361 = arith.index_cast %get3A_360 : i32 to index
        %get3A_362 = arith.index_cast %mul3A_359 : i32 to index
        %get3A_363 = tpu.vector_load %arg12[%get3A_361, %get3A_362] {strides = array<i32>} : memref<4x2000xf32, #tpu.memory_space<vmem>>, vector<16xf32>,
        %mul3A_364 = arith.constant 4 : i32
        %mul3A_365 = vector.broadcast %mul3A_364 : i32 to vector<16xi32>
        %mul3A_366 = arith.muli %sub3A_304, %mul3A_365 : vector<16xi32>
        %add3A_367 = arith.constant 3 : i32
        %add3A_368 = vector.broadcast %add3A_367 : i32 to vector<16xi32>
        %add3A_369 = arith.addi %mul3A_366, %add3A_368 : vector<16xi32>
        tpu.vector_store_idx %arg17[%add3A_369], %get3A_363 masked %and3A_174 : memref<8000xf32, #tpu.memory_space<vmem>>[vector<16xi32>], vector<16xf32>, vector<16xi1>
        tpu.vector_store_idx %arg19[%sub3A_304], %broadcast_in_dim3A_31 masked %and3A_174 : memref<2000xi32, #tpu.memory_space<vmem>>[vector<16xi32>], vector<16xi32>, vector<16xi1>
      } else {
      }
      %add3A_182 = arith.addi %scan3A_146, %squeeze3A_176 : i32
      %scan3A_183 = arith.constant 125 : i32
      %broadcast_in_dim3A_184 = vector.broadcast %mul3A_126 : i32 to vector<16xi32>
      %broadcast_in_dim3A_185 = vector.broadcast %add3A_182 : i32 to vector<16xi32>
      %iota3A = tpu.iota {dimensions = array<i32: 0>} : vector<16xi32>
      %eq3A = arith.constant 0 : i32
      %eq3A_186 = vector.broadcast %eq3A : i32 to vector<16xi32>
      %eq3A_187 = arith.cmpi eq, %iota3A, %eq3A_186 : vector<16xi32>
      tpu.vector_store_idx %arg21[%broadcast_in_dim3A_184], %broadcast_in_dim3A_185 masked %eq3A_187 : memref<72xi32, #tpu.memory_space<vmem>>[vector<16xi32>], vector<16xi32>, vector<16xi1>
      %add3A_188 = arith.addi %mul3A_2, %mul3A_126 : i32
      %dma_start3A = arith.constant 0 : i32
      %dma_start3A_189 = tpu.memref_slice %arg6[%add3A_188, %dma_start3A] : memref<2304x4000xf32, #tpu.memory_space<hbm>> -> memref<1x4000xf32, #tpu.memory_space<hbm>>
      %dma_start3A_190 = tpu.memref_squeeze %dma_start3A_189 : memref<1x4000xf32, #tpu.memory_space<hbm>> -> memref<4000xf32, #tpu.memory_space<hbm>>
      %dma_start3A_191 = arith.constant 0 : i32
      %dma_start3A_192 = tpu.memref_slice %arg6[%add3A_188, %dma_start3A_191] : memref<2304x4000xf32, #tpu.memory_space<hbm>> -> memref<1x4000xf32, #tpu.memory_space<hbm>>
      %dma_start3A_193 = tpu.memref_squeeze %dma_start3A_192 : memref<1x4000xf32, #tpu.memory_space<hbm>> -> memref<4000xf32, #tpu.memory_space<hbm>>
      tpu.enqueue_dma source(%arg15 : memref<4000xf32, #tpu.memory_space<vmem>>) target(%dma_start3A_193 : memref<4000xf32, #tpu.memory_space<hbm>>) target_semaphore(%arg22 : memref<!tpu.dma_semaphore, #tpu.memory_space<semaphore_mem>>)
      %dma_start3A_194 = arith.constant 0 : i32
      %dma_start3A_195 = tpu.memref_slice %arg7[%add3A_188, %dma_start3A_194] : memref<2304x8000xf32, #tpu.memory_space<hbm>> -> memref<1x8000xf32, #tpu.memory_space<hbm>>
      %dma_start3A_196 = tpu.memref_squeeze %dma_start3A_195 : memref<1x8000xf32, #tpu.memory_space<hbm>> -> memref<8000xf32, #tpu.memory_space<hbm>>
      %dma_start3A_197 = arith.constant 0 : i32
      %dma_start3A_198 = tpu.memref_slice %arg7[%add3A_188, %dma_start3A_197] : memref<2304x8000xf32, #tpu.memory_space<hbm>> -> memref<1x8000xf32, #tpu.memory_space<hbm>>
      %dma_start3A_199 = tpu.memref_squeeze %dma_start3A_198 : memref<1x8000xf32, #tpu.memory_space<hbm>> -> memref<8000xf32, #tpu.memory_space<hbm>>
      tpu.enqueue_dma source(%arg17 : memref<8000xf32, #tpu.memory_space<vmem>>) target(%dma_start3A_199 : memref<8000xf32, #tpu.memory_space<hbm>>) target_semaphore(%arg22 : memref<!tpu.dma_semaphore, #tpu.memory_space<semaphore_mem>>)
      %dma_start3A_200 = arith.constant 0 : i32
      %dma_start3A_201 = tpu.memref_slice %arg9[%add3A_188, %dma_start3A_200] : memref<2304x2000xi32, #tpu.memory_space<hbm>> -> memref<1x2000xi32, #tpu.memory_space<hbm>>
      %dma_start3A_202 = tpu.memref_squeeze %dma_start3A_201 : memref<1x2000xi32, #tpu.memory_space<hbm>> -> memref<2000xi32, #tpu.memory_space<hbm>>
      %dma_start3A_203 = arith.constant 0 : i32
      %dma_start3A_204 = tpu.memref_slice %arg9[%add3A_188, %dma_start3A_203] : memref<2304x2000xi32, #tpu.memory_space<hbm>> -> memref<1x2000xi32, #tpu.memory_space<hbm>>
      %dma_start3A_205 = tpu.memref_squeeze %dma_start3A_204 : memref<1x2000xi32, #tpu.memory_space<hbm>> -> memref<2000xi32, #tpu.memory_space<hbm>>
      tpu.enqueue_dma source(%arg19 : memref<2000xi32, #tpu.memory_space<vmem>>) target(%dma_start3A_205 : memref<2000xi32, #tpu.memory_space<hbm>>) target_semaphore(%arg22 : memref<!tpu.dma_semaphore, #tpu.memory_space<semaphore_mem>>)
      %mul3A_206 = arith.constant 2 : i32
      %mul3A_207 = arith.muli %mul3A_206, %scan3A_122 : i32
      %add3A_208 = arith.constant 1 : i32
      %add3A_209 = arith.addi %mul3A_207, %add3A_208 : i32
      %gt3A_210 = arith.constant 0 : i32
      %gt3A_211 = arith.cmpi sgt, %scan3A_122, %gt3A_210 : i32
      %convert_element_type3A_212 = arith.extui %gt3A_211 : i1 to i32
      %cond3A_213 = arith.constant 0 : i32
      %cond3A_214 = arith.cmpi ne, %convert_element_type3A_212, %cond3A_213 : i32
      scf.if %cond3A_214 {
        %dma_wait3A_297 = arith.constant 0 : i32
        %dma_wait3A_298 = arith.constant 0 : i32
        %dma_wait3A_299 = tpu.memref_slice %arg6[%dma_wait3A_297, %dma_wait3A_298] : memref<2304x4000xf32, #tpu.memory_space<hbm>> -> memref<1x4000xf32, #tpu.memory_space<hbm>>
        %dma_wait3A_300 = tpu.memref_squeeze %dma_wait3A_299 : memref<1x4000xf32, #tpu.memory_space<hbm>> -> memref<4000xf32, #tpu.memory_space<hbm>>
        %dma_wait3A_301 = arith.constant 0 : i32
        %dma_wait3A_302 = tpu.memref_slice %arg6[%dma_wait3A_297, %dma_wait3A_301] : memref<2304x4000xf32, #tpu.memory_space<hbm>> -> memref<1x4000xf32, #tpu.memory_space<hbm>>
        %dma_wait3A_303 = tpu.memref_squeeze %dma_wait3A_302 : memref<1x4000xf32, #tpu.memory_space<hbm>> -> memref<4000xf32, #tpu.memory_space<hbm>>
        tpu.wait_dma2 semaphore(%arg23 : memref<!tpu.dma_semaphore, #tpu.memory_space<semaphore_mem>>) src(%arg16 : memref<4000xf32, #tpu.memory_space<vmem>>) dst(%dma_wait3A_303 : memref<4000xf32, #tpu.memory_space<hbm>>)
        %dma_wait3A_304 = arith.constant 0 : i32
        %dma_wait3A_305 = arith.constant 0 : i32
        %dma_wait3A_306 = tpu.memref_slice %arg7[%dma_wait3A_304, %dma_wait3A_305] : memref<2304x8000xf32, #tpu.memory_space<hbm>> -> memref<1x8000xf32, #tpu.memory_space<hbm>>
        %dma_wait3A_307 = tpu.memref_squeeze %dma_wait3A_306 : memref<1x8000xf32, #tpu.memory_space<hbm>> -> memref<8000xf32, #tpu.memory_space<hbm>>
        %dma_wait3A_308 = arith.constant 0 : i32
        %dma_wait3A_309 = tpu.memref_slice %arg7[%dma_wait3A_304, %dma_wait3A_308] : memref<2304x8000xf32, #tpu.memory_space<hbm>> -> memref<1x8000xf32, #tpu.memory_space<hbm>>
        %dma_wait3A_310 = tpu.memref_squeeze %dma_wait3A_309 : memref<1x8000xf32, #tpu.memory_space<hbm>> -> memref<8000xf32, #tpu.memory_space<hbm>>
        tpu.wait_dma2 semaphore(%arg23 : memref<!tpu.dma_semaphore, #tpu.memory_space<semaphore_mem>>) src(%arg18 : memref<8000xf32, #tpu.memory_space<vmem>>) dst(%dma_wait3A_310 : memref<8000xf32, #tpu.memory_space<hbm>>)
        %dma_wait3A_311 = arith.constant 0 : i32
        %dma_wait3A_312 = arith.constant 0 : i32
        %dma_wait3A_313 = tpu.memref_slice %arg9[%dma_wait3A_311, %dma_wait3A_312] : memref<2304x2000xi32, #tpu.memory_space<hbm>> -> memref<1x2000xi32, #tpu.memory_space<hbm>>
        %dma_wait3A_314 = tpu.memref_squeeze %dma_wait3A_313 : memref<1x2000xi32, #tpu.memory_space<hbm>> -> memref<2000xi32, #tpu.memory_space<hbm>>
        %dma_wait3A_315 = arith.constant 0 : i32
        %dma_wait3A_316 = tpu.memref_slice %arg9[%dma_wait3A_311, %dma_wait3A_315] : memref<2304x2000xi32, #tpu.memory_space<hbm>> -> memref<1x2000xi32, #tpu.memory_space<hbm>>
        %dma_wait3A_317 = tpu.memref_squeeze %dma_wait3A_316 : memref<1x2000xi32, #tpu.memory_space<hbm>> -> memref<2000xi32, #tpu.memory_space<hbm>>
        tpu.wait_dma2 semaphore(%arg23 : memref<!tpu.dma_semaphore, #tpu.memory_space<semaphore_mem>>) src(%arg20 : memref<2000xi32, #tpu.memory_space<vmem>>) dst(%dma_wait3A_317 : memref<2000xi32, #tpu.memory_space<hbm>>)
        %mul3A_318 = arith.constant 2 : i32
        %mul3A_319 = arith.muli %mul3A_318, %scan3A_124 : i32
        %add3A_320 = arith.constant 16 : i32
        %add3A_321 = arith.addi %mul3A_319, %add3A_320 : i32
        %sub3A_322 = arith.constant 1 : i32
        %sub3A_323 = arith.subi %add3A_321, %sub3A_322 : i32
        %jit3A_324 = arith.constant 16 : i32
        %div3A_325 = arith.divsi %sub3A_323, %jit3A_324 : i32
        %sign3A_326 = arith.constant 0 : i32
        %sign3A_327 = arith.cmpi sgt, %sub3A_323, %sign3A_326 : i32
        %sign3A_328 = arith.extui %sign3A_327 : i1 to i32
        %sign3A_329 = arith.constant 0 : i32
        %sign3A_330 = arith.cmpi slt, %sub3A_323, %sign3A_329 : i32
        %sign3A_331 = arith.extui %sign3A_330 : i1 to i32
        %sign3A_332 = arith.subi %sign3A_328, %sign3A_331 : i32
        %sign3A_333 = arith.constant 0 : i32
        %sign3A_334 = arith.cmpi sgt, %jit3A_324, %sign3A_333 : i32
        %sign3A_335 = arith.extui %sign3A_334 : i1 to i32
        %sign3A_336 = arith.constant 0 : i32
        %sign3A_337 = arith.cmpi slt, %jit3A_324, %sign3A_336 : i32
        %sign3A_338 = arith.extui %sign3A_337 : i1 to i32
        %sign3A_339 = arith.subi %sign3A_335, %sign3A_338 : i32
        %ne3A_340 = arith.cmpi ne, %sign3A_332, %sign3A_339 : i32
        %rem3A_341 = arith.remsi %sub3A_323, %jit3A_324 : i32
        %ne3A_342 = arith.constant 0 : i32
        %ne3A_343 = arith.cmpi ne, %rem3A_341, %ne3A_342 : i32
        %and3A_344 = arith.andi %ne3A_340, %ne3A_343 : i1
        %sub3A_345 = arith.constant 1 : i32
        %sub3A_346 = arith.subi %div3A_325, %sub3A_345 : i32
        %select_n3A_347 = arith.select %and3A_344, %sub3A_346, %div3A_325 : i32
        %while3A = arith.constant 0 : i32
        %while3A_348 = arith.constant 0 : i32
        %while3A_349 = arith.subi %select_n3A_347, %while3A_348 : i32
        %while3A_350 = arith.addi %while3A_348, %while3A_349 : i32
        %while3A_351 = arith.constant 1 : i32
        %while3A_352 = arith.divsi %while3A_349, %while3A_351 : i32
        %while3A_353 = arith.muli %while3A_352, %while3A_351 : i32
        %while3A_354 = arith.addi %while3A_348, %while3A_353 : i32
        %while3A_355 = arith.constant 1 : i32
        scf.for %while3A_435 = %while3A_348 to %while3A_354 step %while3A_355  : i32 {
          %mul3A_436 = arith.constant 16 : i32
          %mul3A_437 = arith.muli %while3A_435, %mul3A_436 : i32
          %swap3A = arith.index_cast %mul3A_437 : i32 to index
          %swap3A_438 = tpu.vector_load %arg16[%swap3A] {strides = array<i32>} : memref<4000xf32, #tpu.memory_space<vmem>>, vector<16xf32>,
          tpu.vector_store %arg16[%swap3A], %broadcast_in_dim3A_27 {strides = array<i32>} : memref<4000xf32, #tpu.memory_space<vmem>>, vector<16xf32>,
        }
        %while3A_356 = arith.constant 1 : i32
        scf.for %while3A_435 = %while3A_354 to %while3A_350 step %while3A_356  : i32 {
          %mul3A_436 = arith.constant 16 : i32
          %mul3A_437 = arith.muli %while3A_435, %mul3A_436 : i32
          %swap3A = arith.index_cast %mul3A_437 : i32 to index
          %swap3A_438 = tpu.vector_load %arg16[%swap3A] {strides = array<i32>} : memref<4000xf32, #tpu.memory_space<vmem>>, vector<16xf32>,
          tpu.vector_store %arg16[%swap3A], %broadcast_in_dim3A_27 {strides = array<i32>} : memref<4000xf32, #tpu.memory_space<vmem>>, vector<16xf32>,
        }
        %mul3A_357 = arith.constant 4 : i32
        %mul3A_358 = arith.muli %mul3A_357, %scan3A_124 : i32
        %add3A_359 = arith.constant 16 : i32
        %add3A_360 = arith.addi %mul3A_358, %add3A_359 : i32
        %sub3A_361 = arith.constant 1 : i32
        %sub3A_362 = arith.subi %add3A_360, %sub3A_361 : i32
        %jit3A_363 = arith.constant 16 : i32
        %div3A_364 = arith.divsi %sub3A_362, %jit3A_363 : i32
        %sign3A_365 = arith.constant 0 : i32
        %sign3A_366 = arith.cmpi sgt, %sub3A_362, %sign3A_365 : i32
        %sign3A_367 = arith.extui %sign3A_366 : i1 to i32
        %sign3A_368 = arith.constant 0 : i32
        %sign3A_369 = arith.cmpi slt, %sub3A_362, %sign3A_368 : i32
        %sign3A_370 = arith.extui %sign3A_369 : i1 to i32
        %sign3A_371 = arith.subi %sign3A_367, %sign3A_370 : i32
        %sign3A_372 = arith.constant 0 : i32
        %sign3A_373 = arith.cmpi sgt, %jit3A_363, %sign3A_372 : i32
        %sign3A_374 = arith.extui %sign3A_373 : i1 to i32
        %sign3A_375 = arith.constant 0 : i32
        %sign3A_376 = arith.cmpi slt, %jit3A_363, %sign3A_375 : i32
        %sign3A_377 = arith.extui %sign3A_376 : i1 to i32
        %sign3A_378 = arith.subi %sign3A_374, %sign3A_377 : i32
        %ne3A_379 = arith.cmpi ne, %sign3A_371, %sign3A_378 : i32
        %rem3A_380 = arith.remsi %sub3A_362, %jit3A_363 : i32
        %ne3A_381 = arith.constant 0 : i32
        %ne3A_382 = arith.cmpi ne, %rem3A_380, %ne3A_381 : i32
        %and3A_383 = arith.andi %ne3A_379, %ne3A_382 : i1
        %sub3A_384 = arith.constant 1 : i32
        %sub3A_385 = arith.subi %div3A_364, %sub3A_384 : i32
        %select_n3A_386 = arith.select %and3A_383, %sub3A_385, %div3A_364 : i32
        %while3A_387 = arith.constant 0 : i32
        %while3A_388 = arith.constant 0 : i32
        %while3A_389 = arith.subi %select_n3A_386, %while3A_388 : i32
        %while3A_390 = arith.addi %while3A_388, %while3A_389 : i32
        %while3A_391 = arith.constant 1 : i32
        %while3A_392 = arith.divsi %while3A_389, %while3A_391 : i32
        %while3A_393 = arith.muli %while3A_392, %while3A_391 : i32
        %while3A_394 = arith.addi %while3A_388, %while3A_393 : i32
        %while3A_395 = arith.constant 1 : i32
        scf.for %while3A_435 = %while3A_388 to %while3A_394 step %while3A_395  : i32 {
          %mul3A_436 = arith.constant 16 : i32
          %mul3A_437 = arith.muli %while3A_435, %mul3A_436 : i32
          %swap3A = arith.index_cast %mul3A_437 : i32 to index
          %swap3A_438 = tpu.vector_load %arg18[%swap3A] {strides = array<i32>} : memref<8000xf32, #tpu.memory_space<vmem>>, vector<16xf32>,
          tpu.vector_store %arg18[%swap3A], %broadcast_in_dim3A_27 {strides = array<i32>} : memref<8000xf32, #tpu.memory_space<vmem>>, vector<16xf32>,
        }
        %while3A_396 = arith.constant 1 : i32
        scf.for %while3A_435 = %while3A_394 to %while3A_390 step %while3A_396  : i32 {
          %mul3A_436 = arith.constant 16 : i32
          %mul3A_437 = arith.muli %while3A_435, %mul3A_436 : i32
          %swap3A = arith.index_cast %mul3A_437 : i32 to index
          %swap3A_438 = tpu.vector_load %arg18[%swap3A] {strides = array<i32>} : memref<8000xf32, #tpu.memory_space<vmem>>, vector<16xf32>,
          tpu.vector_store %arg18[%swap3A], %broadcast_in_dim3A_27 {strides = array<i32>} : memref<8000xf32, #tpu.memory_space<vmem>>, vector<16xf32>,
        }
        %add3A_397 = arith.constant 16 : i32
        %add3A_398 = arith.addi %scan3A_124, %add3A_397 : i32
        %sub3A_399 = arith.constant 1 : i32
        %sub3A_400 = arith.subi %add3A_398, %sub3A_399 : i32
        %jit3A_401 = arith.constant 16 : i32
        %div3A_402 = arith.divsi %sub3A_400, %jit3A_401 : i32
        %sign3A_403 = arith.constant 0 : i32
        %sign3A_404 = arith.cmpi sgt, %sub3A_400, %sign3A_403 : i32
        %sign3A_405 = arith.extui %sign3A_404 : i1 to i32
        %sign3A_406 = arith.constant 0 : i32
        %sign3A_407 = arith.cmpi slt, %sub3A_400, %sign3A_406 : i32
        %sign3A_408 = arith.extui %sign3A_407 : i1 to i32
        %sign3A_409 = arith.subi %sign3A_405, %sign3A_408 : i32
        %sign3A_410 = arith.constant 0 : i32
        %sign3A_411 = arith.cmpi sgt, %jit3A_401, %sign3A_410 : i32
        %sign3A_412 = arith.extui %sign3A_411 : i1 to i32
        %sign3A_413 = arith.constant 0 : i32
        %sign3A_414 = arith.cmpi slt, %jit3A_401, %sign3A_413 : i32
        %sign3A_415 = arith.extui %sign3A_414 : i1 to i32
        %sign3A_416 = arith.subi %sign3A_412, %sign3A_415 : i32
        %ne3A_417 = arith.cmpi ne, %sign3A_409, %sign3A_416 : i32
        %rem3A_418 = arith.remsi %sub3A_400, %jit3A_401 : i32
        %ne3A_419 = arith.constant 0 : i32
        %ne3A_420 = arith.cmpi ne, %rem3A_418, %ne3A_419 : i32
        %and3A_421 = arith.andi %ne3A_417, %ne3A_420 : i1
        %sub3A_422 = arith.constant 1 : i32
        %sub3A_423 = arith.subi %div3A_402, %sub3A_422 : i32
        %select_n3A_424 = arith.select %and3A_421, %sub3A_423, %div3A_402 : i32
        %while3A_425 = arith.constant 0 : i32
        %while3A_426 = arith.constant 0 : i32
        %while3A_427 = arith.subi %select_n3A_424, %while3A_426 : i32
        %while3A_428 = arith.addi %while3A_426, %while3A_427 : i32
        %while3A_429 = arith.constant 1 : i32
        %while3A_430 = arith.divsi %while3A_427, %while3A_429 : i32
        %while3A_431 = arith.muli %while3A_430, %while3A_429 : i32
        %while3A_432 = arith.addi %while3A_426, %while3A_431 : i32
        %while3A_433 = arith.constant 1 : i32
        scf.for %while3A_435 = %while3A_426 to %while3A_432 step %while3A_433  : i32 {
          %mul3A_436 = arith.constant 16 : i32
          %mul3A_437 = arith.muli %while3A_435, %mul3A_436 : i32
          %swap3A = arith.index_cast %mul3A_437 : i32 to index
          %swap3A_438 = tpu.vector_load %arg20[%swap3A] {strides = array<i32>} : memref<2000xi32, #tpu.memory_space<vmem>>, vector<16xi32>,
          tpu.vector_store %arg20[%swap3A], %broadcast_in_dim3A_29 {strides = array<i32>} : memref<2000xi32, #tpu.memory_space<vmem>>, vector<16xi32>,
        }
        %while3A_434 = arith.constant 1 : i32
        scf.for %while3A_435 = %while3A_432 to %while3A_428 step %while3A_434  : i32 {
          %mul3A_436 = arith.constant 16 : i32
          %mul3A_437 = arith.muli %while3A_435, %mul3A_436 : i32
          %swap3A = arith.index_cast %mul3A_437 : i32 to index
          %swap3A_438 = tpu.vector_load %arg20[%swap3A] {strides = array<i32>} : memref<2000xi32, #tpu.memory_space<vmem>>, vector<16xi32>,
          tpu.vector_store %arg20[%swap3A], %broadcast_in_dim3A_29 {strides = array<i32>} : memref<2000xi32, #tpu.memory_space<vmem>>, vector<16xi32>,
        }
      } else {
      }
      %mul3A_215 = arith.constant 4 : i32
      %mul3A_216 = arith.muli %add3A_209, %mul3A_215 : i32
      %get3A_217 = arith.index_cast %mul3A_216 : i32 to index
      %get3A_218 = tpu.vector_load %arg13[%get3A_217] {strides = array<i32>} : memref<304xf32, #tpu.memory_space<vmem>>, vector<16xf32>,
      %slice3A_219 = vector.extract_strided_slice %get3A_218 {offsets = [0], sizes = [1], strides = [1]} : vector<16xf32> to vector<1xf32>
      %squeeze3A_220 = vector.extract %slice3A_219[0] : f32 from vector<1xf32>
      %slice3A_221 = vector.extract_strided_slice %get3A_218 {offsets = [1], sizes = [1], strides = [1]} : vector<16xf32> to vector<1xf32>
      %squeeze3A_222 = vector.extract %slice3A_221[0] : f32 from vector<1xf32>
      %slice3A_223 = vector.extract_strided_slice %get3A_218 {offsets = [2], sizes = [1], strides = [1]} : vector<16xf32> to vector<1xf32>
      %squeeze3A_224 = vector.extract %slice3A_223[0] : f32 from vector<1xf32>
      %slice3A_225 = vector.extract_strided_slice %get3A_218 {offsets = [3], sizes = [1], strides = [1]} : vector<16xf32> to vector<1xf32>
      %squeeze3A_226 = vector.extract %slice3A_225[0] : f32 from vector<1xf32>
      %scan3A_227 = arith.constant 0 : i32
      %scan3A_228 = arith.constant 0 : i32
      %scan3A_229 = arith.constant 124 : i32
      %scan3A_230 = arith.addi %scan3A_228, %scan3A_229 : i32
      %scan3A_231 = arith.constant 4 : i32
      %scan3A_232 = scf.for %scan3A_297 = %scan3A_228 to %scan3A_230 step %scan3A_231 iter_args(%scan3A_298 = %scan3A_227) -> (i32)  : i32 {
        %mul3A_299 = arith.constant 16 : i32
        %mul3A_300 = arith.muli %scan3A_297, %mul3A_299 : i32
        %get3A_301 = arith.index_cast %mul3A_300 : i32 to index
        %get3A_302 = tpu.vector_load %arg10[%get3A_301] {strides = array<i32>} : memref<2000xf32, #tpu.memory_space<vmem>>, vector<16xf32>,
        %mul3A_303 = arith.constant 16 : i32
        %mul3A_304 = arith.muli %scan3A_297, %mul3A_303 : i32
        %get3A_305 = arith.index_cast %mul3A_304 : i32 to index
        %get3A_306 = tpu.vector_load %arg11[%get3A_305] {strides = array<i32>} : memref<2000xf32, #tpu.memory_space<vmem>>, vector<16xf32>,
        %gt3A_307 = vector.broadcast %squeeze3A_220 : f32 to vector<16xf32>
        %gt3A_308 = arith.cmpf ogt, %get3A_302, %gt3A_307 : vector<16xf32>
        %lt3A_309 = vector.broadcast %squeeze3A_222 : f32 to vector<16xf32>
        %lt3A_310 = arith.cmpf olt, %get3A_302, %lt3A_309 : vector<16xf32>
        %and3A_311 = arith.andi %gt3A_308, %lt3A_310 : vector<16xi1>
        %ne3A_312 = arith.constant 0.000000e+00 : f32
        %ne3A_313 = vector.broadcast %ne3A_312 : f32 to vector<16xf32>
        %ne3A_314 = arith.cmpf one, %get3A_302, %ne3A_313 : vector<16xf32>
        %and3A_315 = arith.andi %and3A_311, %ne3A_314 : vector<16xi1>
        %gt3A_316 = vector.broadcast %squeeze3A_224 : f32 to vector<16xf32>
        %gt3A_317 = arith.cmpf ogt, %get3A_306, %gt3A_316 : vector<16xf32>
        %and3A_318 = arith.andi %and3A_315, %gt3A_317 : vector<16xi1>
        %lt3A_319 = vector.broadcast %squeeze3A_226 : f32 to vector<16xf32>
        %lt3A_320 = arith.cmpf olt, %get3A_306, %lt3A_319 : vector<16xf32>
        %and3A_321 = arith.andi %and3A_318, %lt3A_320 : vector<16xi1>
        %ne3A_322 = arith.constant 0.000000e+00 : f32
        %ne3A_323 = vector.broadcast %ne3A_322 : f32 to vector<16xf32>
        %ne3A_324 = arith.cmpf one, %get3A_306, %ne3A_323 : vector<16xf32>
        %and3A_325 = arith.andi %and3A_321, %ne3A_324 : vector<16xi1>
        %all_reduce_population_count3A_326 = tpu.all_reduce %and3A_325 {dim = 0 : i64, kind = #tpu.reduction_kind<sum>} : vector<16xi1> -> vector<16xi32>
        %slice3A_327 = vector.extract_strided_slice %all_reduce_population_count3A_326 {offsets = [0], sizes = [1], strides = [1]} : vector<16xi32> to vector<1xi32>
        %squeeze3A_328 = vector.extract %slice3A_327[0] : i32 from vector<1xi32>
        %gt3A_329 = arith.constant 0 : i32
        %gt3A_330 = arith.cmpi sgt, %squeeze3A_328, %gt3A_329 : i32
        %convert_element_type3A_331 = arith.extui %gt3A_330 : i1 to i32
        %cond3A_332 = arith.constant 0 : i32
        %cond3A_333 = arith.cmpi ne, %convert_element_type3A_331, %cond3A_332 : i32
        scf.if %cond3A_333 {
          %select_n3A_449 = arith.select %and3A_325, %broadcast_in_dim3A_31, %broadcast_in_dim3A_29 : vector<16xi1>, vector<16xi32>
          %broadcast_in_dim3A_450 = arith.constant true
          %broadcast_in_dim3A_451 = vector.broadcast %broadcast_in_dim3A_450 : i1 to vector<16xi1>
          %masked_cumsum3A = tpu.scan <sum>, %select_n3A_449 masked %broadcast_in_dim3A_451 : vector<16xi32>, vector<16xi1> -> vector<16xi32>
          %add3A_452 = vector.broadcast %scan3A_298 : i32 to vector<16xi32>
          %add3A_453 = arith.addi %add3A_452, %masked_cumsum3A : vector<16xi32>
          %sub3A_454 = arith.constant 1 : i32
          %sub3A_455 = vector.broadcast %sub3A_454 : i32 to vector<16xi32>
          %sub3A_456 = arith.subi %add3A_453, %sub3A_455 : vector<16xi32>
          %sub3A_457 = vector.broadcast %squeeze3A_220 : f32 to vector<16xf32>
          %sub3A_458 = arith.subf %get3A_302, %sub3A_457 : vector<16xf32>
          %div3A_459 = vector.broadcast %squeeze3A_26 : f32 to vector<16xf32>
          %div3A_460 = arith.divf %sub3A_458, %div3A_459 : vector<16xf32>
          %sub3A_461 = vector.broadcast %squeeze3A_224 : f32 to vector<16xf32>
          %sub3A_462 = arith.subf %get3A_306, %sub3A_461 : vector<16xf32>
          %div3A_463 = vector.broadcast %squeeze3A_26 : f32 to vector<16xf32>
          %div3A_464 = arith.divf %sub3A_462, %div3A_463 : vector<16xf32>
          %mul3A_465 = arith.constant 2 : i32
          %mul3A_466 = vector.broadcast %mul3A_465 : i32 to vector<16xi32>
          %mul3A_467 = arith.muli %sub3A_456, %mul3A_466 : vector<16xi32>
          tpu.vector_store_idx %arg16[%mul3A_467], %div3A_460 masked %and3A_325 : memref<4000xf32, #tpu.memory_space<vmem>>[vector<16xi32>], vector<16xf32>, vector<16xi1>
          %mul3A_468 = arith.constant 2 : i32
          %mul3A_469 = vector.broadcast %mul3A_468 : i32 to vector<16xi32>
          %mul3A_470 = arith.muli %sub3A_456, %mul3A_469 : vector<16xi32>
          %add3A_471 = arith.constant 1 : i32
          %add3A_472 = vector.broadcast %add3A_471 : i32 to vector<16xi32>
          %add3A_473 = arith.addi %mul3A_470, %add3A_472 : vector<16xi32>
          tpu.vector_store_idx %arg16[%add3A_473], %div3A_464 masked %and3A_325 : memref<4000xf32, #tpu.memory_space<vmem>>[vector<16xi32>], vector<16xf32>, vector<16xi1>
          %mul3A_474 = arith.constant 16 : i32
          %mul3A_475 = arith.muli %scan3A_297, %mul3A_474 : i32
          %get3A_476 = arith.constant 0 : i32
          %get3A_477 = arith.index_cast %get3A_476 : i32 to index
          %get3A_478 = arith.index_cast %mul3A_475 : i32 to index
          %get3A_479 = tpu.vector_load %arg12[%get3A_477, %get3A_478] {strides = array<i32>} : memref<4x2000xf32, #tpu.memory_space<vmem>>, vector<16xf32>,
          %mul3A_480 = arith.constant 4 : i32
          %mul3A_481 = vector.broadcast %mul3A_480 : i32 to vector<16xi32>
          %mul3A_482 = arith.muli %sub3A_456, %mul3A_481 : vector<16xi32>
          %add3A_483 = arith.constant 0 : i32
          %add3A_484 = vector.broadcast %add3A_483 : i32 to vector<16xi32>
          %add3A_485 = arith.addi %mul3A_482, %add3A_484 : vector<16xi32>
          tpu.vector_store_idx %arg18[%add3A_485], %get3A_479 masked %and3A_325 : memref<8000xf32, #tpu.memory_space<vmem>>[vector<16xi32>], vector<16xf32>, vector<16xi1>
          %mul3A_486 = arith.constant 16 : i32
          %mul3A_487 = arith.muli %scan3A_297, %mul3A_486 : i32
          %get3A_488 = arith.constant 1 : i32
          %get3A_489 = arith.index_cast %get3A_488 : i32 to index
          %get3A_490 = arith.index_cast %mul3A_487 : i32 to index
          %get3A_491 = tpu.vector_load %arg12[%get3A_489, %get3A_490] {strides = array<i32>} : memref<4x2000xf32, #tpu.memory_space<vmem>>, vector<16xf32>,
          %mul3A_492 = arith.constant 4 : i32
          %mul3A_493 = vector.broadcast %mul3A_492 : i32 to vector<16xi32>
          %mul3A_494 = arith.muli %sub3A_456, %mul3A_493 : vector<16xi32>
          %add3A_495 = arith.constant 1 : i32
          %add3A_496 = vector.broadcast %add3A_495 : i32 to vector<16xi32>
          %add3A_497 = arith.addi %mul3A_494, %add3A_496 : vector<16xi32>
          tpu.vector_store_idx %arg18[%add3A_497], %get3A_491 masked %and3A_325 : memref<8000xf32, #tpu.memory_space<vmem>>[vector<16xi32>], vector<16xf32>, vector<16xi1>
          %mul3A_498 = arith.constant 16 : i32
          %mul3A_499 = arith.muli %scan3A_297, %mul3A_498 : i32
          %get3A_500 = arith.constant 2 : i32
          %get3A_501 = arith.index_cast %get3A_500 : i32 to index
          %get3A_502 = arith.index_cast %mul3A_499 : i32 to index
          %get3A_503 = tpu.vector_load %arg12[%get3A_501, %get3A_502] {strides = array<i32>} : memref<4x2000xf32, #tpu.memory_space<vmem>>, vector<16xf32>,
          %mul3A_504 = arith.constant 4 : i32
          %mul3A_505 = vector.broadcast %mul3A_504 : i32 to vector<16xi32>
          %mul3A_506 = arith.muli %sub3A_456, %mul3A_505 : vector<16xi32>
          %add3A_507 = arith.constant 2 : i32
          %add3A_508 = vector.broadcast %add3A_507 : i32 to vector<16xi32>
          %add3A_509 = arith.addi %mul3A_506, %add3A_508 : vector<16xi32>
          tpu.vector_store_idx %arg18[%add3A_509], %get3A_503 masked %and3A_325 : memref<8000xf32, #tpu.memory_space<vmem>>[vector<16xi32>], vector<16xf32>, vector<16xi1>
          %mul3A_510 = arith.constant 16 : i32
          %mul3A_511 = arith.muli %scan3A_297, %mul3A_510 : i32
          %get3A_512 = arith.constant 3 : i32
          %get3A_513 = arith.index_cast %get3A_512 : i32 to index
          %get3A_514 = arith.index_cast %mul3A_511 : i32 to index
          %get3A_515 = tpu.vector_load %arg12[%get3A_513, %get3A_514] {strides = array<i32>} : memref<4x2000xf32, #tpu.memory_space<vmem>>, vector<16xf32>,
          %mul3A_516 = arith.constant 4 : i32
          %mul3A_517 = vector.broadcast %mul3A_516 : i32 to vector<16xi32>
          %mul3A_518 = arith.muli %sub3A_456, %mul3A_517 : vector<16xi32>
          %add3A_519 = arith.constant 3 : i32
          %add3A_520 = vector.broadcast %add3A_519 : i32 to vector<16xi32>
          %add3A_521 = arith.addi %mul3A_518, %add3A_520 : vector<16xi32>
          tpu.vector_store_idx %arg18[%add3A_521], %get3A_515 masked %and3A_325 : memref<8000xf32, #tpu.memory_space<vmem>>[vector<16xi32>], vector<16xf32>, vector<16xi1>
          tpu.vector_store_idx %arg20[%sub3A_456], %broadcast_in_dim3A_31 masked %and3A_325 : memref<2000xi32, #tpu.memory_space<vmem>>[vector<16xi32>], vector<16xi32>, vector<16xi1>
        } else {
        }
        %add3A_334 = arith.addi %scan3A_298, %squeeze3A_328 : i32
        %scan3A_335 = arith.constant 1 : i32
        %scan3A_336 = arith.addi %scan3A_297, %scan3A_335 : i32
        %mul3A_337 = arith.constant 16 : i32
        %mul3A_338 = arith.muli %scan3A_336, %mul3A_337 : i32
        %get3A_339 = arith.index_cast %mul3A_338 : i32 to index
        %get3A_340 = tpu.vector_load %arg10[%get3A_339] {strides = array<i32>} : memref<2000xf32, #tpu.memory_space<vmem>>, vector<16xf32>,
        %mul3A_341 = arith.constant 16 : i32
        %mul3A_342 = arith.muli %scan3A_336, %mul3A_341 : i32
        %get3A_343 = arith.index_cast %mul3A_342 : i32 to index
        %get3A_344 = tpu.vector_load %arg11[%get3A_343] {strides = array<i32>} : memref<2000xf32, #tpu.memory_space<vmem>>, vector<16xf32>,
        %gt3A_345 = vector.broadcast %squeeze3A_220 : f32 to vector<16xf32>
        %gt3A_346 = arith.cmpf ogt, %get3A_340, %gt3A_345 : vector<16xf32>
        %lt3A_347 = vector.broadcast %squeeze3A_222 : f32 to vector<16xf32>
        %lt3A_348 = arith.cmpf olt, %get3A_340, %lt3A_347 : vector<16xf32>
        %and3A_349 = arith.andi %gt3A_346, %lt3A_348 : vector<16xi1>
        %ne3A_350 = arith.constant 0.000000e+00 : f32
        %ne3A_351 = vector.broadcast %ne3A_350 : f32 to vector<16xf32>
        %ne3A_352 = arith.cmpf one, %get3A_340, %ne3A_351 : vector<16xf32>
        %and3A_353 = arith.andi %and3A_349, %ne3A_352 : vector<16xi1>
        %gt3A_354 = vector.broadcast %squeeze3A_224 : f32 to vector<16xf32>
        %gt3A_355 = arith.cmpf ogt, %get3A_344, %gt3A_354 : vector<16xf32>
        %and3A_356 = arith.andi %and3A_353, %gt3A_355 : vector<16xi1>
        %lt3A_357 = vector.broadcast %squeeze3A_226 : f32 to vector<16xf32>
        %lt3A_358 = arith.cmpf olt, %get3A_344, %lt3A_357 : vector<16xf32>
        %and3A_359 = arith.andi %and3A_356, %lt3A_358 : vector<16xi1>
        %ne3A_360 = arith.constant 0.000000e+00 : f32
        %ne3A_361 = vector.broadcast %ne3A_360 : f32 to vector<16xf32>
        %ne3A_362 = arith.cmpf one, %get3A_344, %ne3A_361 : vector<16xf32>
        %and3A_363 = arith.andi %and3A_359, %ne3A_362 : vector<16xi1>
        %all_reduce_population_count3A_364 = tpu.all_reduce %and3A_363 {dim = 0 : i64, kind = #tpu.reduction_kind<sum>} : vector<16xi1> -> vector<16xi32>
        %slice3A_365 = vector.extract_strided_slice %all_reduce_population_count3A_364 {offsets = [0], sizes = [1], strides = [1]} : vector<16xi32> to vector<1xi32>
        %squeeze3A_366 = vector.extract %slice3A_365[0] : i32 from vector<1xi32>
        %gt3A_367 = arith.constant 0 : i32
        %gt3A_368 = arith.cmpi sgt, %squeeze3A_366, %gt3A_367 : i32
        %convert_element_type3A_369 = arith.extui %gt3A_368 : i1 to i32
        %cond3A_370 = arith.constant 0 : i32
        %cond3A_371 = arith.cmpi ne, %convert_element_type3A_369, %cond3A_370 : i32
        scf.if %cond3A_371 {
          %select_n3A_449 = arith.select %and3A_363, %broadcast_in_dim3A_31, %broadcast_in_dim3A_29 : vector<16xi1>, vector<16xi32>
          %broadcast_in_dim3A_450 = arith.constant true
          %broadcast_in_dim3A_451 = vector.broadcast %broadcast_in_dim3A_450 : i1 to vector<16xi1>
          %masked_cumsum3A = tpu.scan <sum>, %select_n3A_449 masked %broadcast_in_dim3A_451 : vector<16xi32>, vector<16xi1> -> vector<16xi32>
          %add3A_452 = vector.broadcast %add3A_334 : i32 to vector<16xi32>
          %add3A_453 = arith.addi %add3A_452, %masked_cumsum3A : vector<16xi32>
          %sub3A_454 = arith.constant 1 : i32
          %sub3A_455 = vector.broadcast %sub3A_454 : i32 to vector<16xi32>
          %sub3A_456 = arith.subi %add3A_453, %sub3A_455 : vector<16xi32>
          %sub3A_457 = vector.broadcast %squeeze3A_220 : f32 to vector<16xf32>
          %sub3A_458 = arith.subf %get3A_340, %sub3A_457 : vector<16xf32>
          %div3A_459 = vector.broadcast %squeeze3A_26 : f32 to vector<16xf32>
          %div3A_460 = arith.divf %sub3A_458, %div3A_459 : vector<16xf32>
          %sub3A_461 = vector.broadcast %squeeze3A_224 : f32 to vector<16xf32>
          %sub3A_462 = arith.subf %get3A_344, %sub3A_461 : vector<16xf32>
          %div3A_463 = vector.broadcast %squeeze3A_26 : f32 to vector<16xf32>
          %div3A_464 = arith.divf %sub3A_462, %div3A_463 : vector<16xf32>
          %mul3A_465 = arith.constant 2 : i32
          %mul3A_466 = vector.broadcast %mul3A_465 : i32 to vector<16xi32>
          %mul3A_467 = arith.muli %sub3A_456, %mul3A_466 : vector<16xi32>
          tpu.vector_store_idx %arg16[%mul3A_467], %div3A_460 masked %and3A_363 : memref<4000xf32, #tpu.memory_space<vmem>>[vector<16xi32>], vector<16xf32>, vector<16xi1>
          %mul3A_468 = arith.constant 2 : i32
          %mul3A_469 = vector.broadcast %mul3A_468 : i32 to vector<16xi32>
          %mul3A_470 = arith.muli %sub3A_456, %mul3A_469 : vector<16xi32>
          %add3A_471 = arith.constant 1 : i32
          %add3A_472 = vector.broadcast %add3A_471 : i32 to vector<16xi32>
          %add3A_473 = arith.addi %mul3A_470, %add3A_472 : vector<16xi32>
          tpu.vector_store_idx %arg16[%add3A_473], %div3A_464 masked %and3A_363 : memref<4000xf32, #tpu.memory_space<vmem>>[vector<16xi32>], vector<16xf32>, vector<16xi1>
          %mul3A_474 = arith.constant 16 : i32
          %mul3A_475 = arith.muli %scan3A_336, %mul3A_474 : i32
          %get3A_476 = arith.constant 0 : i32
          %get3A_477 = arith.index_cast %get3A_476 : i32 to index
          %get3A_478 = arith.index_cast %mul3A_475 : i32 to index
          %get3A_479 = tpu.vector_load %arg12[%get3A_477, %get3A_478] {strides = array<i32>} : memref<4x2000xf32, #tpu.memory_space<vmem>>, vector<16xf32>,
          %mul3A_480 = arith.constant 4 : i32
          %mul3A_481 = vector.broadcast %mul3A_480 : i32 to vector<16xi32>
          %mul3A_482 = arith.muli %sub3A_456, %mul3A_481 : vector<16xi32>
          %add3A_483 = arith.constant 0 : i32
          %add3A_484 = vector.broadcast %add3A_483 : i32 to vector<16xi32>
          %add3A_485 = arith.addi %mul3A_482, %add3A_484 : vector<16xi32>
          tpu.vector_store_idx %arg18[%add3A_485], %get3A_479 masked %and3A_363 : memref<8000xf32, #tpu.memory_space<vmem>>[vector<16xi32>], vector<16xf32>, vector<16xi1>
          %mul3A_486 = arith.constant 16 : i32
          %mul3A_487 = arith.muli %scan3A_336, %mul3A_486 : i32
          %get3A_488 = arith.constant 1 : i32
          %get3A_489 = arith.index_cast %get3A_488 : i32 to index
          %get3A_490 = arith.index_cast %mul3A_487 : i32 to index
          %get3A_491 = tpu.vector_load %arg12[%get3A_489, %get3A_490] {strides = array<i32>} : memref<4x2000xf32, #tpu.memory_space<vmem>>, vector<16xf32>,
          %mul3A_492 = arith.constant 4 : i32
          %mul3A_493 = vector.broadcast %mul3A_492 : i32 to vector<16xi32>
          %mul3A_494 = arith.muli %sub3A_456, %mul3A_493 : vector<16xi32>
          %add3A_495 = arith.constant 1 : i32
          %add3A_496 = vector.broadcast %add3A_495 : i32 to vector<16xi32>
          %add3A_497 = arith.addi %mul3A_494, %add3A_496 : vector<16xi32>
          tpu.vector_store_idx %arg18[%add3A_497], %get3A_491 masked %and3A_363 : memref<8000xf32, #tpu.memory_space<vmem>>[vector<16xi32>], vector<16xf32>, vector<16xi1>
          %mul3A_498 = arith.constant 16 : i32
          %mul3A_499 = arith.muli %scan3A_336, %mul3A_498 : i32
          %get3A_500 = arith.constant 2 : i32
          %get3A_501 = arith.index_cast %get3A_500 : i32 to index
          %get3A_502 = arith.index_cast %mul3A_499 : i32 to index
          %get3A_503 = tpu.vector_load %arg12[%get3A_501, %get3A_502] {strides = array<i32>} : memref<4x2000xf32, #tpu.memory_space<vmem>>, vector<16xf32>,
          %mul3A_504 = arith.constant 4 : i32
          %mul3A_505 = vector.broadcast %mul3A_504 : i32 to vector<16xi32>
          %mul3A_506 = arith.muli %sub3A_456, %mul3A_505 : vector<16xi32>
          %add3A_507 = arith.constant 2 : i32
          %add3A_508 = vector.broadcast %add3A_507 : i32 to vector<16xi32>
          %add3A_509 = arith.addi %mul3A_506, %add3A_508 : vector<16xi32>
          tpu.vector_store_idx %arg18[%add3A_509], %get3A_503 masked %and3A_363 : memref<8000xf32, #tpu.memory_space<vmem>>[vector<16xi32>], vector<16xf32>, vector<16xi1>
          %mul3A_510 = arith.constant 16 : i32
          %mul3A_511 = arith.muli %scan3A_336, %mul3A_510 : i32
          %get3A_512 = arith.constant 3 : i32
          %get3A_513 = arith.index_cast %get3A_512 : i32 to index
          %get3A_514 = arith.index_cast %mul3A_511 : i32 to index
          %get3A_515 = tpu.vector_load %arg12[%get3A_513, %get3A_514] {strides = array<i32>} : memref<4x2000xf32, #tpu.memory_space<vmem>>, vector<16xf32>,
          %mul3A_516 = arith.constant 4 : i32
          %mul3A_517 = vector.broadcast %mul3A_516 : i32 to vector<16xi32>
          %mul3A_518 = arith.muli %sub3A_456, %mul3A_517 : vector<16xi32>
          %add3A_519 = arith.constant 3 : i32
          %add3A_520 = vector.broadcast %add3A_519 : i32 to vector<16xi32>
          %add3A_521 = arith.addi %mul3A_518, %add3A_520 : vector<16xi32>
          tpu.vector_store_idx %arg18[%add3A_521], %get3A_515 masked %and3A_363 : memref<8000xf32, #tpu.memory_space<vmem>>[vector<16xi32>], vector<16xf32>, vector<16xi1>
          tpu.vector_store_idx %arg20[%sub3A_456], %broadcast_in_dim3A_31 masked %and3A_363 : memref<2000xi32, #tpu.memory_space<vmem>>[vector<16xi32>], vector<16xi32>, vector<16xi1>
        } else {
        }
        %add3A_372 = arith.addi %add3A_334, %squeeze3A_366 : i32
        %scan3A_373 = arith.constant 2 : i32
        %scan3A_374 = arith.addi %scan3A_297, %scan3A_373 : i32
        %mul3A_375 = arith.constant 16 : i32
        %mul3A_376 = arith.muli %scan3A_374, %mul3A_375 : i32
        %get3A_377 = arith.index_cast %mul3A_376 : i32 to index
        %get3A_378 = tpu.vector_load %arg10[%get3A_377] {strides = array<i32>} : memref<2000xf32, #tpu.memory_space<vmem>>, vector<16xf32>,
        %mul3A_379 = arith.constant 16 : i32
        %mul3A_380 = arith.muli %scan3A_374, %mul3A_379 : i32
        %get3A_381 = arith.index_cast %mul3A_380 : i32 to index
        %get3A_382 = tpu.vector_load %arg11[%get3A_381] {strides = array<i32>} : memref<2000xf32, #tpu.memory_space<vmem>>, vector<16xf32>,
        %gt3A_383 = vector.broadcast %squeeze3A_220 : f32 to vector<16xf32>
        %gt3A_384 = arith.cmpf ogt, %get3A_378, %gt3A_383 : vector<16xf32>
        %lt3A_385 = vector.broadcast %squeeze3A_222 : f32 to vector<16xf32>
        %lt3A_386 = arith.cmpf olt, %get3A_378, %lt3A_385 : vector<16xf32>
        %and3A_387 = arith.andi %gt3A_384, %lt3A_386 : vector<16xi1>
        %ne3A_388 = arith.constant 0.000000e+00 : f32
        %ne3A_389 = vector.broadcast %ne3A_388 : f32 to vector<16xf32>
        %ne3A_390 = arith.cmpf one, %get3A_378, %ne3A_389 : vector<16xf32>
        %and3A_391 = arith.andi %and3A_387, %ne3A_390 : vector<16xi1>
        %gt3A_392 = vector.broadcast %squeeze3A_224 : f32 to vector<16xf32>
        %gt3A_393 = arith.cmpf ogt, %get3A_382, %gt3A_392 : vector<16xf32>
        %and3A_394 = arith.andi %and3A_391, %gt3A_393 : vector<16xi1>
        %lt3A_395 = vector.broadcast %squeeze3A_226 : f32 to vector<16xf32>
        %lt3A_396 = arith.cmpf olt, %get3A_382, %lt3A_395 : vector<16xf32>
        %and3A_397 = arith.andi %and3A_394, %lt3A_396 : vector<16xi1>
        %ne3A_398 = arith.constant 0.000000e+00 : f32
        %ne3A_399 = vector.broadcast %ne3A_398 : f32 to vector<16xf32>
        %ne3A_400 = arith.cmpf one, %get3A_382, %ne3A_399 : vector<16xf32>
        %and3A_401 = arith.andi %and3A_397, %ne3A_400 : vector<16xi1>
        %all_reduce_population_count3A_402 = tpu.all_reduce %and3A_401 {dim = 0 : i64, kind = #tpu.reduction_kind<sum>} : vector<16xi1> -> vector<16xi32>
        %slice3A_403 = vector.extract_strided_slice %all_reduce_population_count3A_402 {offsets = [0], sizes = [1], strides = [1]} : vector<16xi32> to vector<1xi32>
        %squeeze3A_404 = vector.extract %slice3A_403[0] : i32 from vector<1xi32>
        %gt3A_405 = arith.constant 0 : i32
        %gt3A_406 = arith.cmpi sgt, %squeeze3A_404, %gt3A_405 : i32
        %convert_element_type3A_407 = arith.extui %gt3A_406 : i1 to i32
        %cond3A_408 = arith.constant 0 : i32
        %cond3A_409 = arith.cmpi ne, %convert_element_type3A_407, %cond3A_408 : i32
        scf.if %cond3A_409 {
          %select_n3A_449 = arith.select %and3A_401, %broadcast_in_dim3A_31, %broadcast_in_dim3A_29 : vector<16xi1>, vector<16xi32>
          %broadcast_in_dim3A_450 = arith.constant true
          %broadcast_in_dim3A_451 = vector.broadcast %broadcast_in_dim3A_450 : i1 to vector<16xi1>
          %masked_cumsum3A = tpu.scan <sum>, %select_n3A_449 masked %broadcast_in_dim3A_451 : vector<16xi32>, vector<16xi1> -> vector<16xi32>
          %add3A_452 = vector.broadcast %add3A_372 : i32 to vector<16xi32>
          %add3A_453 = arith.addi %add3A_452, %masked_cumsum3A : vector<16xi32>
          %sub3A_454 = arith.constant 1 : i32
          %sub3A_455 = vector.broadcast %sub3A_454 : i32 to vector<16xi32>
          %sub3A_456 = arith.subi %add3A_453, %sub3A_455 : vector<16xi32>
          %sub3A_457 = vector.broadcast %squeeze3A_220 : f32 to vector<16xf32>
          %sub3A_458 = arith.subf %get3A_378, %sub3A_457 : vector<16xf32>
          %div3A_459 = vector.broadcast %squeeze3A_26 : f32 to vector<16xf32>
          %div3A_460 = arith.divf %sub3A_458, %div3A_459 : vector<16xf32>
          %sub3A_461 = vector.broadcast %squeeze3A_224 : f32 to vector<16xf32>
          %sub3A_462 = arith.subf %get3A_382, %sub3A_461 : vector<16xf32>
          %div3A_463 = vector.broadcast %squeeze3A_26 : f32 to vector<16xf32>
          %div3A_464 = arith.divf %sub3A_462, %div3A_463 : vector<16xf32>
          %mul3A_465 = arith.constant 2 : i32
          %mul3A_466 = vector.broadcast %mul3A_465 : i32 to vector<16xi32>
          %mul3A_467 = arith.muli %sub3A_456, %mul3A_466 : vector<16xi32>
          tpu.vector_store_idx %arg16[%mul3A_467], %div3A_460 masked %and3A_401 : memref<4000xf32, #tpu.memory_space<vmem>>[vector<16xi32>], vector<16xf32>, vector<16xi1>
          %mul3A_468 = arith.constant 2 : i32
          %mul3A_469 = vector.broadcast %mul3A_468 : i32 to vector<16xi32>
          %mul3A_470 = arith.muli %sub3A_456, %mul3A_469 : vector<16xi32>
          %add3A_471 = arith.constant 1 : i32
          %add3A_472 = vector.broadcast %add3A_471 : i32 to vector<16xi32>
          %add3A_473 = arith.addi %mul3A_470, %add3A_472 : vector<16xi32>
          tpu.vector_store_idx %arg16[%add3A_473], %div3A_464 masked %and3A_401 : memref<4000xf32, #tpu.memory_space<vmem>>[vector<16xi32>], vector<16xf32>, vector<16xi1>
          %mul3A_474 = arith.constant 16 : i32
          %mul3A_475 = arith.muli %scan3A_374, %mul3A_474 : i32
          %get3A_476 = arith.constant 0 : i32
          %get3A_477 = arith.index_cast %get3A_476 : i32 to index
          %get3A_478 = arith.index_cast %mul3A_475 : i32 to index
          %get3A_479 = tpu.vector_load %arg12[%get3A_477, %get3A_478] {strides = array<i32>} : memref<4x2000xf32, #tpu.memory_space<vmem>>, vector<16xf32>,
          %mul3A_480 = arith.constant 4 : i32
          %mul3A_481 = vector.broadcast %mul3A_480 : i32 to vector<16xi32>
          %mul3A_482 = arith.muli %sub3A_456, %mul3A_481 : vector<16xi32>
          %add3A_483 = arith.constant 0 : i32
          %add3A_484 = vector.broadcast %add3A_483 : i32 to vector<16xi32>
          %add3A_485 = arith.addi %mul3A_482, %add3A_484 : vector<16xi32>
          tpu.vector_store_idx %arg18[%add3A_485], %get3A_479 masked %and3A_401 : memref<8000xf32, #tpu.memory_space<vmem>>[vector<16xi32>], vector<16xf32>, vector<16xi1>
          %mul3A_486 = arith.constant 16 : i32
          %mul3A_487 = arith.muli %scan3A_374, %mul3A_486 : i32
          %get3A_488 = arith.constant 1 : i32
          %get3A_489 = arith.index_cast %get3A_488 : i32 to index
          %get3A_490 = arith.index_cast %mul3A_487 : i32 to index
          %get3A_491 = tpu.vector_load %arg12[%get3A_489, %get3A_490] {strides = array<i32>} : memref<4x2000xf32, #tpu.memory_space<vmem>>, vector<16xf32>,
          %mul3A_492 = arith.constant 4 : i32
          %mul3A_493 = vector.broadcast %mul3A_492 : i32 to vector<16xi32>
          %mul3A_494 = arith.muli %sub3A_456, %mul3A_493 : vector<16xi32>
          %add3A_495 = arith.constant 1 : i32
          %add3A_496 = vector.broadcast %add3A_495 : i32 to vector<16xi32>
          %add3A_497 = arith.addi %mul3A_494, %add3A_496 : vector<16xi32>
          tpu.vector_store_idx %arg18[%add3A_497], %get3A_491 masked %and3A_401 : memref<8000xf32, #tpu.memory_space<vmem>>[vector<16xi32>], vector<16xf32>, vector<16xi1>
          %mul3A_498 = arith.constant 16 : i32
          %mul3A_499 = arith.muli %scan3A_374, %mul3A_498 : i32
          %get3A_500 = arith.constant 2 : i32
          %get3A_501 = arith.index_cast %get3A_500 : i32 to index
          %get3A_502 = arith.index_cast %mul3A_499 : i32 to index
          %get3A_503 = tpu.vector_load %arg12[%get3A_501, %get3A_502] {strides = array<i32>} : memref<4x2000xf32, #tpu.memory_space<vmem>>, vector<16xf32>,
          %mul3A_504 = arith.constant 4 : i32
          %mul3A_505 = vector.broadcast %mul3A_504 : i32 to vector<16xi32>
          %mul3A_506 = arith.muli %sub3A_456, %mul3A_505 : vector<16xi32>
          %add3A_507 = arith.constant 2 : i32
          %add3A_508 = vector.broadcast %add3A_507 : i32 to vector<16xi32>
          %add3A_509 = arith.addi %mul3A_506, %add3A_508 : vector<16xi32>
          tpu.vector_store_idx %arg18[%add3A_509], %get3A_503 masked %and3A_401 : memref<8000xf32, #tpu.memory_space<vmem>>[vector<16xi32>], vector<16xf32>, vector<16xi1>
          %mul3A_510 = arith.constant 16 : i32
          %mul3A_511 = arith.muli %scan3A_374, %mul3A_510 : i32
          %get3A_512 = arith.constant 3 : i32
          %get3A_513 = arith.index_cast %get3A_512 : i32 to index
          %get3A_514 = arith.index_cast %mul3A_511 : i32 to index
          %get3A_515 = tpu.vector_load %arg12[%get3A_513, %get3A_514] {strides = array<i32>} : memref<4x2000xf32, #tpu.memory_space<vmem>>, vector<16xf32>,
          %mul3A_516 = arith.constant 4 : i32
          %mul3A_517 = vector.broadcast %mul3A_516 : i32 to vector<16xi32>
          %mul3A_518 = arith.muli %sub3A_456, %mul3A_517 : vector<16xi32>
          %add3A_519 = arith.constant 3 : i32
          %add3A_520 = vector.broadcast %add3A_519 : i32 to vector<16xi32>
          %add3A_521 = arith.addi %mul3A_518, %add3A_520 : vector<16xi32>
          tpu.vector_store_idx %arg18[%add3A_521], %get3A_515 masked %and3A_401 : memref<8000xf32, #tpu.memory_space<vmem>>[vector<16xi32>], vector<16xf32>, vector<16xi1>
          tpu.vector_store_idx %arg20[%sub3A_456], %broadcast_in_dim3A_31 masked %and3A_401 : memref<2000xi32, #tpu.memory_space<vmem>>[vector<16xi32>], vector<16xi32>, vector<16xi1>
        } else {
        }
        %add3A_410 = arith.addi %add3A_372, %squeeze3A_404 : i32
        %scan3A_411 = arith.constant 3 : i32
        %scan3A_412 = arith.addi %scan3A_297, %scan3A_411 : i32
        %mul3A_413 = arith.constant 16 : i32
        %mul3A_414 = arith.muli %scan3A_412, %mul3A_413 : i32
        %get3A_415 = arith.index_cast %mul3A_414 : i32 to index
        %get3A_416 = tpu.vector_load %arg10[%get3A_415] {strides = array<i32>} : memref<2000xf32, #tpu.memory_space<vmem>>, vector<16xf32>,
        %mul3A_417 = arith.constant 16 : i32
        %mul3A_418 = arith.muli %scan3A_412, %mul3A_417 : i32
        %get3A_419 = arith.index_cast %mul3A_418 : i32 to index
        %get3A_420 = tpu.vector_load %arg11[%get3A_419] {strides = array<i32>} : memref<2000xf32, #tpu.memory_space<vmem>>, vector<16xf32>,
        %gt3A_421 = vector.broadcast %squeeze3A_220 : f32 to vector<16xf32>
        %gt3A_422 = arith.cmpf ogt, %get3A_416, %gt3A_421 : vector<16xf32>
        %lt3A_423 = vector.broadcast %squeeze3A_222 : f32 to vector<16xf32>
        %lt3A_424 = arith.cmpf olt, %get3A_416, %lt3A_423 : vector<16xf32>
        %and3A_425 = arith.andi %gt3A_422, %lt3A_424 : vector<16xi1>
        %ne3A_426 = arith.constant 0.000000e+00 : f32
        %ne3A_427 = vector.broadcast %ne3A_426 : f32 to vector<16xf32>
        %ne3A_428 = arith.cmpf one, %get3A_416, %ne3A_427 : vector<16xf32>
        %and3A_429 = arith.andi %and3A_425, %ne3A_428 : vector<16xi1>
        %gt3A_430 = vector.broadcast %squeeze3A_224 : f32 to vector<16xf32>
        %gt3A_431 = arith.cmpf ogt, %get3A_420, %gt3A_430 : vector<16xf32>
        %and3A_432 = arith.andi %and3A_429, %gt3A_431 : vector<16xi1>
        %lt3A_433 = vector.broadcast %squeeze3A_226 : f32 to vector<16xf32>
        %lt3A_434 = arith.cmpf olt, %get3A_420, %lt3A_433 : vector<16xf32>
        %and3A_435 = arith.andi %and3A_432, %lt3A_434 : vector<16xi1>
        %ne3A_436 = arith.constant 0.000000e+00 : f32
        %ne3A_437 = vector.broadcast %ne3A_436 : f32 to vector<16xf32>
        %ne3A_438 = arith.cmpf one, %get3A_420, %ne3A_437 : vector<16xf32>
        %and3A_439 = arith.andi %and3A_435, %ne3A_438 : vector<16xi1>
        %all_reduce_population_count3A_440 = tpu.all_reduce %and3A_439 {dim = 0 : i64, kind = #tpu.reduction_kind<sum>} : vector<16xi1> -> vector<16xi32>
        %slice3A_441 = vector.extract_strided_slice %all_reduce_population_count3A_440 {offsets = [0], sizes = [1], strides = [1]} : vector<16xi32> to vector<1xi32>
        %squeeze3A_442 = vector.extract %slice3A_441[0] : i32 from vector<1xi32>
        %gt3A_443 = arith.constant 0 : i32
        %gt3A_444 = arith.cmpi sgt, %squeeze3A_442, %gt3A_443 : i32
        %convert_element_type3A_445 = arith.extui %gt3A_444 : i1 to i32
        %cond3A_446 = arith.constant 0 : i32
        %cond3A_447 = arith.cmpi ne, %convert_element_type3A_445, %cond3A_446 : i32
        scf.if %cond3A_447 {
          %select_n3A_449 = arith.select %and3A_439, %broadcast_in_dim3A_31, %broadcast_in_dim3A_29 : vector<16xi1>, vector<16xi32>
          %broadcast_in_dim3A_450 = arith.constant true
          %broadcast_in_dim3A_451 = vector.broadcast %broadcast_in_dim3A_450 : i1 to vector<16xi1>
          %masked_cumsum3A = tpu.scan <sum>, %select_n3A_449 masked %broadcast_in_dim3A_451 : vector<16xi32>, vector<16xi1> -> vector<16xi32>
          %add3A_452 = vector.broadcast %add3A_410 : i32 to vector<16xi32>
          %add3A_453 = arith.addi %add3A_452, %masked_cumsum3A : vector<16xi32>
          %sub3A_454 = arith.constant 1 : i32
          %sub3A_455 = vector.broadcast %sub3A_454 : i32 to vector<16xi32>
          %sub3A_456 = arith.subi %add3A_453, %sub3A_455 : vector<16xi32>
          %sub3A_457 = vector.broadcast %squeeze3A_220 : f32 to vector<16xf32>
          %sub3A_458 = arith.subf %get3A_416, %sub3A_457 : vector<16xf32>
          %div3A_459 = vector.broadcast %squeeze3A_26 : f32 to vector<16xf32>
          %div3A_460 = arith.divf %sub3A_458, %div3A_459 : vector<16xf32>
          %sub3A_461 = vector.broadcast %squeeze3A_224 : f32 to vector<16xf32>
          %sub3A_462 = arith.subf %get3A_420, %sub3A_461 : vector<16xf32>
          %div3A_463 = vector.broadcast %squeeze3A_26 : f32 to vector<16xf32>
          %div3A_464 = arith.divf %sub3A_462, %div3A_463 : vector<16xf32>
          %mul3A_465 = arith.constant 2 : i32
          %mul3A_466 = vector.broadcast %mul3A_465 : i32 to vector<16xi32>
          %mul3A_467 = arith.muli %sub3A_456, %mul3A_466 : vector<16xi32>
          tpu.vector_store_idx %arg16[%mul3A_467], %div3A_460 masked %and3A_439 : memref<4000xf32, #tpu.memory_space<vmem>>[vector<16xi32>], vector<16xf32>, vector<16xi1>
          %mul3A_468 = arith.constant 2 : i32
          %mul3A_469 = vector.broadcast %mul3A_468 : i32 to vector<16xi32>
          %mul3A_470 = arith.muli %sub3A_456, %mul3A_469 : vector<16xi32>
          %add3A_471 = arith.constant 1 : i32
          %add3A_472 = vector.broadcast %add3A_471 : i32 to vector<16xi32>
          %add3A_473 = arith.addi %mul3A_470, %add3A_472 : vector<16xi32>
          tpu.vector_store_idx %arg16[%add3A_473], %div3A_464 masked %and3A_439 : memref<4000xf32, #tpu.memory_space<vmem>>[vector<16xi32>], vector<16xf32>, vector<16xi1>
          %mul3A_474 = arith.constant 16 : i32
          %mul3A_475 = arith.muli %scan3A_412, %mul3A_474 : i32
          %get3A_476 = arith.constant 0 : i32
          %get3A_477 = arith.index_cast %get3A_476 : i32 to index
          %get3A_478 = arith.index_cast %mul3A_475 : i32 to index
          %get3A_479 = tpu.vector_load %arg12[%get3A_477, %get3A_478] {strides = array<i32>} : memref<4x2000xf32, #tpu.memory_space<vmem>>, vector<16xf32>,
          %mul3A_480 = arith.constant 4 : i32
          %mul3A_481 = vector.broadcast %mul3A_480 : i32 to vector<16xi32>
          %mul3A_482 = arith.muli %sub3A_456, %mul3A_481 : vector<16xi32>
          %add3A_483 = arith.constant 0 : i32
          %add3A_484 = vector.broadcast %add3A_483 : i32 to vector<16xi32>
          %add3A_485 = arith.addi %mul3A_482, %add3A_484 : vector<16xi32>
          tpu.vector_store_idx %arg18[%add3A_485], %get3A_479 masked %and3A_439 : memref<8000xf32, #tpu.memory_space<vmem>>[vector<16xi32>], vector<16xf32>, vector<16xi1>
          %mul3A_486 = arith.constant 16 : i32
          %mul3A_487 = arith.muli %scan3A_412, %mul3A_486 : i32
          %get3A_488 = arith.constant 1 : i32
          %get3A_489 = arith.index_cast %get3A_488 : i32 to index
          %get3A_490 = arith.index_cast %mul3A_487 : i32 to index
          %get3A_491 = tpu.vector_load %arg12[%get3A_489, %get3A_490] {strides = array<i32>} : memref<4x2000xf32, #tpu.memory_space<vmem>>, vector<16xf32>,
          %mul3A_492 = arith.constant 4 : i32
          %mul3A_493 = vector.broadcast %mul3A_492 : i32 to vector<16xi32>
          %mul3A_494 = arith.muli %sub3A_456, %mul3A_493 : vector<16xi32>
          %add3A_495 = arith.constant 1 : i32
          %add3A_496 = vector.broadcast %add3A_495 : i32 to vector<16xi32>
          %add3A_497 = arith.addi %mul3A_494, %add3A_496 : vector<16xi32>
          tpu.vector_store_idx %arg18[%add3A_497], %get3A_491 masked %and3A_439 : memref<8000xf32, #tpu.memory_space<vmem>>[vector<16xi32>], vector<16xf32>, vector<16xi1>
          %mul3A_498 = arith.constant 16 : i32
          %mul3A_499 = arith.muli %scan3A_412, %mul3A_498 : i32
          %get3A_500 = arith.constant 2 : i32
          %get3A_501 = arith.index_cast %get3A_500 : i32 to index
          %get3A_502 = arith.index_cast %mul3A_499 : i32 to index
          %get3A_503 = tpu.vector_load %arg12[%get3A_501, %get3A_502] {strides = array<i32>} : memref<4x2000xf32, #tpu.memory_space<vmem>>, vector<16xf32>,
          %mul3A_504 = arith.constant 4 : i32
          %mul3A_505 = vector.broadcast %mul3A_504 : i32 to vector<16xi32>
          %mul3A_506 = arith.muli %sub3A_456, %mul3A_505 : vector<16xi32>
          %add3A_507 = arith.constant 2 : i32
          %add3A_508 = vector.broadcast %add3A_507 : i32 to vector<16xi32>
          %add3A_509 = arith.addi %mul3A_506, %add3A_508 : vector<16xi32>
          tpu.vector_store_idx %arg18[%add3A_509], %get3A_503 masked %and3A_439 : memref<8000xf32, #tpu.memory_space<vmem>>[vector<16xi32>], vector<16xf32>, vector<16xi1>
          %mul3A_510 = arith.constant 16 : i32
          %mul3A_511 = arith.muli %scan3A_412, %mul3A_510 : i32
          %get3A_512 = arith.constant 3 : i32
          %get3A_513 = arith.index_cast %get3A_512 : i32 to index
          %get3A_514 = arith.index_cast %mul3A_511 : i32 to index
          %get3A_515 = tpu.vector_load %arg12[%get3A_513, %get3A_514] {strides = array<i32>} : memref<4x2000xf32, #tpu.memory_space<vmem>>, vector<16xf32>,
          %mul3A_516 = arith.constant 4 : i32
          %mul3A_517 = vector.broadcast %mul3A_516 : i32 to vector<16xi32>
          %mul3A_518 = arith.muli %sub3A_456, %mul3A_517 : vector<16xi32>
          %add3A_519 = arith.constant 3 : i32
          %add3A_520 = vector.broadcast %add3A_519 : i32 to vector<16xi32>
          %add3A_521 = arith.addi %mul3A_518, %add3A_520 : vector<16xi32>
          tpu.vector_store_idx %arg18[%add3A_521], %get3A_515 masked %and3A_439 : memref<8000xf32, #tpu.memory_space<vmem>>[vector<16xi32>], vector<16xf32>, vector<16xi1>
          tpu.vector_store_idx %arg20[%sub3A_456], %broadcast_in_dim3A_31 masked %and3A_439 : memref<2000xi32, #tpu.memory_space<vmem>>[vector<16xi32>], vector<16xi32>, vector<16xi1>
        } else {
        }
        %add3A_448 = arith.addi %add3A_410, %squeeze3A_442 : i32
        scf.yield %add3A_448 : i32
      }
      %scan3A_233 = arith.constant 124 : i32
      %scan3A_234 = arith.addi %scan3A_228, %scan3A_233 : i32
      %mul3A_235 = arith.constant 16 : i32
      %mul3A_236 = arith.muli %scan3A_234, %mul3A_235 : i32
      %get3A_237 = arith.index_cast %mul3A_236 : i32 to index
      %get3A_238 = tpu.vector_load %arg10[%get3A_237] {strides = array<i32>} : memref<2000xf32, #tpu.memory_space<vmem>>, vector<16xf32>,
      %mul3A_239 = arith.constant 16 : i32
      %mul3A_240 = arith.muli %scan3A_234, %mul3A_239 : i32
      %get3A_241 = arith.index_cast %mul3A_240 : i32 to index
      %get3A_242 = tpu.vector_load %arg11[%get3A_241] {strides = array<i32>} : memref<2000xf32, #tpu.memory_space<vmem>>, vector<16xf32>,
      %gt3A_243 = vector.broadcast %squeeze3A_220 : f32 to vector<16xf32>
      %gt3A_244 = arith.cmpf ogt, %get3A_238, %gt3A_243 : vector<16xf32>
      %lt3A_245 = vector.broadcast %squeeze3A_222 : f32 to vector<16xf32>
      %lt3A_246 = arith.cmpf olt, %get3A_238, %lt3A_245 : vector<16xf32>
      %and3A_247 = arith.andi %gt3A_244, %lt3A_246 : vector<16xi1>
      %ne3A_248 = arith.constant 0.000000e+00 : f32
      %ne3A_249 = vector.broadcast %ne3A_248 : f32 to vector<16xf32>
      %ne3A_250 = arith.cmpf one, %get3A_238, %ne3A_249 : vector<16xf32>
      %and3A_251 = arith.andi %and3A_247, %ne3A_250 : vector<16xi1>
      %gt3A_252 = vector.broadcast %squeeze3A_224 : f32 to vector<16xf32>
      %gt3A_253 = arith.cmpf ogt, %get3A_242, %gt3A_252 : vector<16xf32>
      %and3A_254 = arith.andi %and3A_251, %gt3A_253 : vector<16xi1>
      %lt3A_255 = vector.broadcast %squeeze3A_226 : f32 to vector<16xf32>
      %lt3A_256 = arith.cmpf olt, %get3A_242, %lt3A_255 : vector<16xf32>
      %and3A_257 = arith.andi %and3A_254, %lt3A_256 : vector<16xi1>
      %ne3A_258 = arith.constant 0.000000e+00 : f32
      %ne3A_259 = vector.broadcast %ne3A_258 : f32 to vector<16xf32>
      %ne3A_260 = arith.cmpf one, %get3A_242, %ne3A_259 : vector<16xf32>
      %and3A_261 = arith.andi %and3A_257, %ne3A_260 : vector<16xi1>
      %all_reduce_population_count3A_262 = tpu.all_reduce %and3A_261 {dim = 0 : i64, kind = #tpu.reduction_kind<sum>} : vector<16xi1> -> vector<16xi32>
      %slice3A_263 = vector.extract_strided_slice %all_reduce_population_count3A_262 {offsets = [0], sizes = [1], strides = [1]} : vector<16xi32> to vector<1xi32>
      %squeeze3A_264 = vector.extract %slice3A_263[0] : i32 from vector<1xi32>
      %gt3A_265 = arith.constant 0 : i32
      %gt3A_266 = arith.cmpi sgt, %squeeze3A_264, %gt3A_265 : i32
      %convert_element_type3A_267 = arith.extui %gt3A_266 : i1 to i32
      %cond3A_268 = arith.constant 0 : i32
      %cond3A_269 = arith.cmpi ne, %convert_element_type3A_267, %cond3A_268 : i32
      scf.if %cond3A_269 {
        %select_n3A_297 = arith.select %and3A_261, %broadcast_in_dim3A_31, %broadcast_in_dim3A_29 : vector<16xi1>, vector<16xi32>
        %broadcast_in_dim3A_298 = arith.constant true
        %broadcast_in_dim3A_299 = vector.broadcast %broadcast_in_dim3A_298 : i1 to vector<16xi1>
        %masked_cumsum3A = tpu.scan <sum>, %select_n3A_297 masked %broadcast_in_dim3A_299 : vector<16xi32>, vector<16xi1> -> vector<16xi32>
        %add3A_300 = vector.broadcast %scan3A_232 : i32 to vector<16xi32>
        %add3A_301 = arith.addi %add3A_300, %masked_cumsum3A : vector<16xi32>
        %sub3A_302 = arith.constant 1 : i32
        %sub3A_303 = vector.broadcast %sub3A_302 : i32 to vector<16xi32>
        %sub3A_304 = arith.subi %add3A_301, %sub3A_303 : vector<16xi32>
        %sub3A_305 = vector.broadcast %squeeze3A_220 : f32 to vector<16xf32>
        %sub3A_306 = arith.subf %get3A_238, %sub3A_305 : vector<16xf32>
        %div3A_307 = vector.broadcast %squeeze3A_26 : f32 to vector<16xf32>
        %div3A_308 = arith.divf %sub3A_306, %div3A_307 : vector<16xf32>
        %sub3A_309 = vector.broadcast %squeeze3A_224 : f32 to vector<16xf32>
        %sub3A_310 = arith.subf %get3A_242, %sub3A_309 : vector<16xf32>
        %div3A_311 = vector.broadcast %squeeze3A_26 : f32 to vector<16xf32>
        %div3A_312 = arith.divf %sub3A_310, %div3A_311 : vector<16xf32>
        %mul3A_313 = arith.constant 2 : i32
        %mul3A_314 = vector.broadcast %mul3A_313 : i32 to vector<16xi32>
        %mul3A_315 = arith.muli %sub3A_304, %mul3A_314 : vector<16xi32>
        tpu.vector_store_idx %arg16[%mul3A_315], %div3A_308 masked %and3A_261 : memref<4000xf32, #tpu.memory_space<vmem>>[vector<16xi32>], vector<16xf32>, vector<16xi1>
        %mul3A_316 = arith.constant 2 : i32
        %mul3A_317 = vector.broadcast %mul3A_316 : i32 to vector<16xi32>
        %mul3A_318 = arith.muli %sub3A_304, %mul3A_317 : vector<16xi32>
        %add3A_319 = arith.constant 1 : i32
        %add3A_320 = vector.broadcast %add3A_319 : i32 to vector<16xi32>
        %add3A_321 = arith.addi %mul3A_318, %add3A_320 : vector<16xi32>
        tpu.vector_store_idx %arg16[%add3A_321], %div3A_312 masked %and3A_261 : memref<4000xf32, #tpu.memory_space<vmem>>[vector<16xi32>], vector<16xf32>, vector<16xi1>
        %mul3A_322 = arith.constant 16 : i32
        %mul3A_323 = arith.muli %scan3A_234, %mul3A_322 : i32
        %get3A_324 = arith.constant 0 : i32
        %get3A_325 = arith.index_cast %get3A_324 : i32 to index
        %get3A_326 = arith.index_cast %mul3A_323 : i32 to index
        %get3A_327 = tpu.vector_load %arg12[%get3A_325, %get3A_326] {strides = array<i32>} : memref<4x2000xf32, #tpu.memory_space<vmem>>, vector<16xf32>,
        %mul3A_328 = arith.constant 4 : i32
        %mul3A_329 = vector.broadcast %mul3A_328 : i32 to vector<16xi32>
        %mul3A_330 = arith.muli %sub3A_304, %mul3A_329 : vector<16xi32>
        %add3A_331 = arith.constant 0 : i32
        %add3A_332 = vector.broadcast %add3A_331 : i32 to vector<16xi32>
        %add3A_333 = arith.addi %mul3A_330, %add3A_332 : vector<16xi32>
        tpu.vector_store_idx %arg18[%add3A_333], %get3A_327 masked %and3A_261 : memref<8000xf32, #tpu.memory_space<vmem>>[vector<16xi32>], vector<16xf32>, vector<16xi1>
        %mul3A_334 = arith.constant 16 : i32
        %mul3A_335 = arith.muli %scan3A_234, %mul3A_334 : i32
        %get3A_336 = arith.constant 1 : i32
        %get3A_337 = arith.index_cast %get3A_336 : i32 to index
        %get3A_338 = arith.index_cast %mul3A_335 : i32 to index
        %get3A_339 = tpu.vector_load %arg12[%get3A_337, %get3A_338] {strides = array<i32>} : memref<4x2000xf32, #tpu.memory_space<vmem>>, vector<16xf32>,
        %mul3A_340 = arith.constant 4 : i32
        %mul3A_341 = vector.broadcast %mul3A_340 : i32 to vector<16xi32>
        %mul3A_342 = arith.muli %sub3A_304, %mul3A_341 : vector<16xi32>
        %add3A_343 = arith.constant 1 : i32
        %add3A_344 = vector.broadcast %add3A_343 : i32 to vector<16xi32>
        %add3A_345 = arith.addi %mul3A_342, %add3A_344 : vector<16xi32>
        tpu.vector_store_idx %arg18[%add3A_345], %get3A_339 masked %and3A_261 : memref<8000xf32, #tpu.memory_space<vmem>>[vector<16xi32>], vector<16xf32>, vector<16xi1>
        %mul3A_346 = arith.constant 16 : i32
        %mul3A_347 = arith.muli %scan3A_234, %mul3A_346 : i32
        %get3A_348 = arith.constant 2 : i32
        %get3A_349 = arith.index_cast %get3A_348 : i32 to index
        %get3A_350 = arith.index_cast %mul3A_347 : i32 to index
        %get3A_351 = tpu.vector_load %arg12[%get3A_349, %get3A_350] {strides = array<i32>} : memref<4x2000xf32, #tpu.memory_space<vmem>>, vector<16xf32>,
        %mul3A_352 = arith.constant 4 : i32
        %mul3A_353 = vector.broadcast %mul3A_352 : i32 to vector<16xi32>
        %mul3A_354 = arith.muli %sub3A_304, %mul3A_353 : vector<16xi32>
        %add3A_355 = arith.constant 2 : i32
        %add3A_356 = vector.broadcast %add3A_355 : i32 to vector<16xi32>
        %add3A_357 = arith.addi %mul3A_354, %add3A_356 : vector<16xi32>
        tpu.vector_store_idx %arg18[%add3A_357], %get3A_351 masked %and3A_261 : memref<8000xf32, #tpu.memory_space<vmem>>[vector<16xi32>], vector<16xf32>, vector<16xi1>
        %mul3A_358 = arith.constant 16 : i32
        %mul3A_359 = arith.muli %scan3A_234, %mul3A_358 : i32
        %get3A_360 = arith.constant 3 : i32
        %get3A_361 = arith.index_cast %get3A_360 : i32 to index
        %get3A_362 = arith.index_cast %mul3A_359 : i32 to index
        %get3A_363 = tpu.vector_load %arg12[%get3A_361, %get3A_362] {strides = array<i32>} : memref<4x2000xf32, #tpu.memory_space<vmem>>, vector<16xf32>,
        %mul3A_364 = arith.constant 4 : i32
        %mul3A_365 = vector.broadcast %mul3A_364 : i32 to vector<16xi32>
        %mul3A_366 = arith.muli %sub3A_304, %mul3A_365 : vector<16xi32>
        %add3A_367 = arith.constant 3 : i32
        %add3A_368 = vector.broadcast %add3A_367 : i32 to vector<16xi32>
        %add3A_369 = arith.addi %mul3A_366, %add3A_368 : vector<16xi32>
        tpu.vector_store_idx %arg18[%add3A_369], %get3A_363 masked %and3A_261 : memref<8000xf32, #tpu.memory_space<vmem>>[vector<16xi32>], vector<16xf32>, vector<16xi1>
        tpu.vector_store_idx %arg20[%sub3A_304], %broadcast_in_dim3A_31 masked %and3A_261 : memref<2000xi32, #tpu.memory_space<vmem>>[vector<16xi32>], vector<16xi32>, vector<16xi1>
      } else {
      }
      %add3A_270 = arith.addi %scan3A_232, %squeeze3A_264 : i32
      %scan3A_271 = arith.constant 125 : i32
      %broadcast_in_dim3A_272 = vector.broadcast %add3A_209 : i32 to vector<16xi32>
      %broadcast_in_dim3A_273 = vector.broadcast %add3A_270 : i32 to vector<16xi32>
      %iota3A_274 = tpu.iota {dimensions = array<i32: 0>} : vector<16xi32>
      %eq3A_275 = arith.constant 0 : i32
      %eq3A_276 = vector.broadcast %eq3A_275 : i32 to vector<16xi32>
      %eq3A_277 = arith.cmpi eq, %iota3A_274, %eq3A_276 : vector<16xi32>
      tpu.vector_store_idx %arg21[%broadcast_in_dim3A_272], %broadcast_in_dim3A_273 masked %eq3A_277 : memref<72xi32, #tpu.memory_space<vmem>>[vector<16xi32>], vector<16xi32>, vector<16xi1>
      %add3A_278 = arith.addi %mul3A_2, %add3A_209 : i32
      %dma_start3A_279 = arith.constant 0 : i32
      %dma_start3A_280 = tpu.memref_slice %arg6[%add3A_278, %dma_start3A_279] : memref<2304x4000xf32, #tpu.memory_space<hbm>> -> memref<1x4000xf32, #tpu.memory_space<hbm>>
      %dma_start3A_281 = tpu.memref_squeeze %dma_start3A_280 : memref<1x4000xf32, #tpu.memory_space<hbm>> -> memref<4000xf32, #tpu.memory_space<hbm>>
      %dma_start3A_282 = arith.constant 0 : i32
      %dma_start3A_283 = tpu.memref_slice %arg6[%add3A_278, %dma_start3A_282] : memref<2304x4000xf32, #tpu.memory_space<hbm>> -> memref<1x4000xf32, #tpu.memory_space<hbm>>
      %dma_start3A_284 = tpu.memref_squeeze %dma_start3A_283 : memref<1x4000xf32, #tpu.memory_space<hbm>> -> memref<4000xf32, #tpu.memory_space<hbm>>
      tpu.enqueue_dma source(%arg16 : memref<4000xf32, #tpu.memory_space<vmem>>) target(%dma_start3A_284 : memref<4000xf32, #tpu.memory_space<hbm>>) target_semaphore(%arg23 : memref<!tpu.dma_semaphore, #tpu.memory_space<semaphore_mem>>)
      %dma_start3A_285 = arith.constant 0 : i32
      %dma_start3A_286 = tpu.memref_slice %arg7[%add3A_278, %dma_start3A_285] : memref<2304x8000xf32, #tpu.memory_space<hbm>> -> memref<1x8000xf32, #tpu.memory_space<hbm>>
      %dma_start3A_287 = tpu.memref_squeeze %dma_start3A_286 : memref<1x8000xf32, #tpu.memory_space<hbm>> -> memref<8000xf32, #tpu.memory_space<hbm>>
      %dma_start3A_288 = arith.constant 0 : i32
      %dma_start3A_289 = tpu.memref_slice %arg7[%add3A_278, %dma_start3A_288] : memref<2304x8000xf32, #tpu.memory_space<hbm>> -> memref<1x8000xf32, #tpu.memory_space<hbm>>
      %dma_start3A_290 = tpu.memref_squeeze %dma_start3A_289 : memref<1x8000xf32, #tpu.memory_space<hbm>> -> memref<8000xf32, #tpu.memory_space<hbm>>
      tpu.enqueue_dma source(%arg18 : memref<8000xf32, #tpu.memory_space<vmem>>) target(%dma_start3A_290 : memref<8000xf32, #tpu.memory_space<hbm>>) target_semaphore(%arg23 : memref<!tpu.dma_semaphore, #tpu.memory_space<semaphore_mem>>)
      %dma_start3A_291 = arith.constant 0 : i32
      %dma_start3A_292 = tpu.memref_slice %arg9[%add3A_278, %dma_start3A_291] : memref<2304x2000xi32, #tpu.memory_space<hbm>> -> memref<1x2000xi32, #tpu.memory_space<hbm>>
      %dma_start3A_293 = tpu.memref_squeeze %dma_start3A_292 : memref<1x2000xi32, #tpu.memory_space<hbm>> -> memref<2000xi32, #tpu.memory_space<hbm>>
      %dma_start3A_294 = arith.constant 0 : i32
      %dma_start3A_295 = tpu.memref_slice %arg9[%add3A_278, %dma_start3A_294] : memref<2304x2000xi32, #tpu.memory_space<hbm>> -> memref<1x2000xi32, #tpu.memory_space<hbm>>
      %dma_start3A_296 = tpu.memref_squeeze %dma_start3A_295 : memref<1x2000xi32, #tpu.memory_space<hbm>> -> memref<2000xi32, #tpu.memory_space<hbm>>
      tpu.enqueue_dma source(%arg20 : memref<2000xi32, #tpu.memory_space<vmem>>) target(%dma_start3A_296 : memref<2000xi32, #tpu.memory_space<hbm>>) target_semaphore(%arg23 : memref<!tpu.dma_semaphore, #tpu.memory_space<semaphore_mem>>)
      scf.yield %add3A_182, %add3A_270 : i32, i32
    }
    %scan3A_80 = arith.constant 36 : i32
    %dma_wait3A = arith.constant 0 : i32
    %dma_wait3A_81 = arith.constant 0 : i32
    %dma_wait3A_82 = tpu.memref_slice %arg6[%dma_wait3A, %dma_wait3A_81] : memref<2304x4000xf32, #tpu.memory_space<hbm>> -> memref<1x4000xf32, #tpu.memory_space<hbm>>
    %dma_wait3A_83 = tpu.memref_squeeze %dma_wait3A_82 : memref<1x4000xf32, #tpu.memory_space<hbm>> -> memref<4000xf32, #tpu.memory_space<hbm>>
    %dma_wait3A_84 = arith.constant 0 : i32
    %dma_wait3A_85 = tpu.memref_slice %arg6[%dma_wait3A, %dma_wait3A_84] : memref<2304x4000xf32, #tpu.memory_space<hbm>> -> memref<1x4000xf32, #tpu.memory_space<hbm>>
    %dma_wait3A_86 = tpu.memref_squeeze %dma_wait3A_85 : memref<1x4000xf32, #tpu.memory_space<hbm>> -> memref<4000xf32, #tpu.memory_space<hbm>>
    tpu.wait_dma2 semaphore(%arg22 : memref<!tpu.dma_semaphore, #tpu.memory_space<semaphore_mem>>) src(%arg15 : memref<4000xf32, #tpu.memory_space<vmem>>) dst(%dma_wait3A_86 : memref<4000xf32, #tpu.memory_space<hbm>>)
    %dma_wait3A_87 = arith.constant 0 : i32
    %dma_wait3A_88 = arith.constant 0 : i32
    %dma_wait3A_89 = tpu.memref_slice %arg7[%dma_wait3A_87, %dma_wait3A_88] : memref<2304x8000xf32, #tpu.memory_space<hbm>> -> memref<1x8000xf32, #tpu.memory_space<hbm>>
    %dma_wait3A_90 = tpu.memref_squeeze %dma_wait3A_89 : memref<1x8000xf32, #tpu.memory_space<hbm>> -> memref<8000xf32, #tpu.memory_space<hbm>>
    %dma_wait3A_91 = arith.constant 0 : i32
    %dma_wait3A_92 = tpu.memref_slice %arg7[%dma_wait3A_87, %dma_wait3A_91] : memref<2304x8000xf32, #tpu.memory_space<hbm>> -> memref<1x8000xf32, #tpu.memory_space<hbm>>
    %dma_wait3A_93 = tpu.memref_squeeze %dma_wait3A_92 : memref<1x8000xf32, #tpu.memory_space<hbm>> -> memref<8000xf32, #tpu.memory_space<hbm>>
    tpu.wait_dma2 semaphore(%arg22 : memref<!tpu.dma_semaphore, #tpu.memory_space<semaphore_mem>>) src(%arg17 : memref<8000xf32, #tpu.memory_space<vmem>>) dst(%dma_wait3A_93 : memref<8000xf32, #tpu.memory_space<hbm>>)
    %dma_wait3A_94 = arith.constant 0 : i32
    %dma_wait3A_95 = arith.constant 0 : i32
    %dma_wait3A_96 = tpu.memref_slice %arg9[%dma_wait3A_94, %dma_wait3A_95] : memref<2304x2000xi32, #tpu.memory_space<hbm>> -> memref<1x2000xi32, #tpu.memory_space<hbm>>
    %dma_wait3A_97 = tpu.memref_squeeze %dma_wait3A_96 : memref<1x2000xi32, #tpu.memory_space<hbm>> -> memref<2000xi32, #tpu.memory_space<hbm>>
    %dma_wait3A_98 = arith.constant 0 : i32
    %dma_wait3A_99 = tpu.memref_slice %arg9[%dma_wait3A_94, %dma_wait3A_98] : memref<2304x2000xi32, #tpu.memory_space<hbm>> -> memref<1x2000xi32, #tpu.memory_space<hbm>>
    %dma_wait3A_100 = tpu.memref_squeeze %dma_wait3A_99 : memref<1x2000xi32, #tpu.memory_space<hbm>> -> memref<2000xi32, #tpu.memory_space<hbm>>
    tpu.wait_dma2 semaphore(%arg22 : memref<!tpu.dma_semaphore, #tpu.memory_space<semaphore_mem>>) src(%arg19 : memref<2000xi32, #tpu.memory_space<vmem>>) dst(%dma_wait3A_100 : memref<2000xi32, #tpu.memory_space<hbm>>)
    %dma_wait3A_101 = arith.constant 0 : i32
    %dma_wait3A_102 = arith.constant 0 : i32
    %dma_wait3A_103 = tpu.memref_slice %arg6[%dma_wait3A_101, %dma_wait3A_102] : memref<2304x4000xf32, #tpu.memory_space<hbm>> -> memref<1x4000xf32, #tpu.memory_space<hbm>>
    %dma_wait3A_104 = tpu.memref_squeeze %dma_wait3A_103 : memref<1x4000xf32, #tpu.memory_space<hbm>> -> memref<4000xf32, #tpu.memory_space<hbm>>
    %dma_wait3A_105 = arith.constant 0 : i32
    %dma_wait3A_106 = tpu.memref_slice %arg6[%dma_wait3A_101, %dma_wait3A_105] : memref<2304x4000xf32, #tpu.memory_space<hbm>> -> memref<1x4000xf32, #tpu.memory_space<hbm>>
    %dma_wait3A_107 = tpu.memref_squeeze %dma_wait3A_106 : memref<1x4000xf32, #tpu.memory_space<hbm>> -> memref<4000xf32, #tpu.memory_space<hbm>>
    tpu.wait_dma2 semaphore(%arg23 : memref<!tpu.dma_semaphore, #tpu.memory_space<semaphore_mem>>) src(%arg16 : memref<4000xf32, #tpu.memory_space<vmem>>) dst(%dma_wait3A_107 : memref<4000xf32, #tpu.memory_space<hbm>>)
    %dma_wait3A_108 = arith.constant 0 : i32
    %dma_wait3A_109 = arith.constant 0 : i32
    %dma_wait3A_110 = tpu.memref_slice %arg7[%dma_wait3A_108, %dma_wait3A_109] : memref<2304x8000xf32, #tpu.memory_space<hbm>> -> memref<1x8000xf32, #tpu.memory_space<hbm>>
    %dma_wait3A_111 = tpu.memref_squeeze %dma_wait3A_110 : memref<1x8000xf32, #tpu.memory_space<hbm>> -> memref<8000xf32, #tpu.memory_space<hbm>>
    %dma_wait3A_112 = arith.constant 0 : i32
    %dma_wait3A_113 = tpu.memref_slice %arg7[%dma_wait3A_108, %dma_wait3A_112] : memref<2304x8000xf32, #tpu.memory_space<hbm>> -> memref<1x8000xf32, #tpu.memory_space<hbm>>
    %dma_wait3A_114 = tpu.memref_squeeze %dma_wait3A_113 : memref<1x8000xf32, #tpu.memory_space<hbm>> -> memref<8000xf32, #tpu.memory_space<hbm>>
    tpu.wait_dma2 semaphore(%arg23 : memref<!tpu.dma_semaphore, #tpu.memory_space<semaphore_mem>>) src(%arg18 : memref<8000xf32, #tpu.memory_space<vmem>>) dst(%dma_wait3A_114 : memref<8000xf32, #tpu.memory_space<hbm>>)
    %dma_wait3A_115 = arith.constant 0 : i32
    %dma_wait3A_116 = arith.constant 0 : i32
    %dma_wait3A_117 = tpu.memref_slice %arg9[%dma_wait3A_115, %dma_wait3A_116] : memref<2304x2000xi32, #tpu.memory_space<hbm>> -> memref<1x2000xi32, #tpu.memory_space<hbm>>
    %dma_wait3A_118 = tpu.memref_squeeze %dma_wait3A_117 : memref<1x2000xi32, #tpu.memory_space<hbm>> -> memref<2000xi32, #tpu.memory_space<hbm>>
    %dma_wait3A_119 = arith.constant 0 : i32
    %dma_wait3A_120 = tpu.memref_slice %arg9[%dma_wait3A_115, %dma_wait3A_119] : memref<2304x2000xi32, #tpu.memory_space<hbm>> -> memref<1x2000xi32, #tpu.memory_space<hbm>>
    %dma_wait3A_121 = tpu.memref_squeeze %dma_wait3A_120 : memref<1x2000xi32, #tpu.memory_space<hbm>> -> memref<2000xi32, #tpu.memory_space<hbm>>
    tpu.wait_dma2 semaphore(%arg23 : memref<!tpu.dma_semaphore, #tpu.memory_space<semaphore_mem>>) src(%arg20 : memref<2000xi32, #tpu.memory_space<vmem>>) dst(%dma_wait3A_121 : memref<2000xi32, #tpu.memory_space<hbm>>)
    "tpu.region"() ({
      %run_scoped3A_122 = tpu.sem_alloc : memref<!tpu.dma_semaphore, #tpu.memory_space<semaphore_mem>>
      %dma_start3A = tpu.memref_slice %arg8[%mul3A_2] : memref<2304xi32, #tpu.memory_space<hbm>> -> memref<72xi32, #tpu.memory_space<hbm>>
      %dma_start3A_123 = tpu.memref_slice %arg8[%mul3A_2] : memref<2304xi32, #tpu.memory_space<hbm>> -> memref<72xi32, #tpu.memory_space<hbm>>
      tpu.enqueue_dma source(%arg21 : memref<72xi32, #tpu.memory_space<vmem>>) target(%dma_start3A_123 : memref<72xi32, #tpu.memory_space<hbm>>) target_semaphore(%run_scoped3A_122 : memref<!tpu.dma_semaphore, #tpu.memory_space<semaphore_mem>>)
      %dma_wait3A_124 = tpu.memref_slice %arg8[%mul3A_2] : memref<2304xi32, #tpu.memory_space<hbm>> -> memref<72xi32, #tpu.memory_space<hbm>>
      %dma_wait3A_125 = tpu.memref_slice %arg8[%mul3A_2] : memref<2304xi32, #tpu.memory_space<hbm>> -> memref<72xi32, #tpu.memory_space<hbm>>
      tpu.wait_dma2 semaphore(%run_scoped3A_122 : memref<!tpu.dma_semaphore, #tpu.memory_space<semaphore_mem>>) src(%arg21 : memref<72xi32, #tpu.memory_space<vmem>>) dst(%dma_wait3A_125 : memref<72xi32, #tpu.memory_space<hbm>>)
      tpu.yield
    }) : () -> ()
    return
  }
}

</mosaic_0001>

<sc_bundles>
// kernel: kernel.3.cloned.1.call-start
scs
__scs_entry_jumppad:
0x0: {  	(pc) =	sbr.rel $0x88, $3  }
0x1: {  	(tag) =	ssettag $0x0;
	lr =	simm.s32 $0x1  }
0x2: {  	[smem:$0x3F9B] =	sst lr;
	_ =	strace $0xD0000000  }
0x3: {  	_ = 	snop  }
0x4: {  	_ = 	snop  }
0x5: {  	_ = 	snop  }
0x6: {  	_ = 	snop  }
0x7: {  	_ = 	snop  }
__scs_overlays_trampoline_lowered:
0x8: {  	[smem:$0x3FAA] =	sst s0  }
0x9: {  	[smem:$0x3FAB] =	sst s1  }
0xa: {  	[smem:$0x3FAC] =	sst s2  }
0xb: {  	[smem:$0x3FAD] =	sst s3  }
0xc: {  	[smem:$0x3FAE] =	sst s4  }
0xd: {  	[smem:$0x3FAF] =	sst s5  }
0xe: {  	[smem:$0x3FB0] =	sst s6  }
0xf: {  	[smem:$0x3FB1] =	sst s7  }
0x10: {  	[smem:$0x3FB2] =	sst s8  }
0x11: {  	[smem:$0x3FB3] =	sst s9;
	s0 =	simm.s32 @!p0 $0x0  }
0x12: {  	s1 =	sld [smem:$0x3F99];
	s0 =	simm.s32 @p0 $0x1  }
0x13: {  	[smem:$0x3FB4] =	sst s0;
	s0 =	simm.s32 @!p1 $0x0  }
0x14: {  	s2 =	sld [smem:$0x3F98];
	s0 =	simm.s32 @p1 $0x1  }
0x15: {  	[smem:$0x3FB5] =	sst s0;
	s0 =	simm.s32 @!p2 $0x0  }
0x16: {  	s3 =	sld [smem:$0x3FDB];
	s0 =	simm.s32 @p2 $0x1  }
0x17: {  	s4 =	simm.s32 $0x1BF5;
	[smem:$0x3FB7] =	sst s0  }
0x18: {  	s0 =	sld [smem:$0x3F9A];
	_ =	swait.ge [sflag:s4], $0x0  }
0x19: {  	s7 =	sld [smem:$0x3F9B]  }
0x1a: {  	s8 =	sadd.s32 $0xFFFFE003, lr  }
0x1b: {  	s9 =	sadd.s32 $0xFFFFFEF7, lr;
	s5 =	simm.s32 $0xFFFFFFFF;
	p2 =	slt.u32 s8, $0xFFFFF086  }
0x1c: {  	p1 =	slt.u32 s9, $0xF7A;
	s5 =	simm.s32 @!p2 $0x0  }
0x1d: {  	s5 =	simm.s32 @p1 $0x1;
	p0 =	seq.s32 s7, s2  }
0x1e: {  	s7 =	smul.u32 @!p0 $0xF7A, s2;
	p2 =	seq.s32 @!p0 s5, $0x0  }
0x1f: {  	s9 =	smul.u32 $0xF7A, s1;
	s8 =	simm.s32 @!p0 $0x1BF5;
	p2 =	por !p2, p0  }
0x20: {  	[sflag:s8] =	ssyncset.s32 @!p0 $0xFFFFF086;
	s6 =	sadd.s32 @!p0 s3, s7;
	s7 =	simm.s32 @!p0 $0x108  }
0x21: {  	s3 =	sadd.s32 s3, s9;
	s6 =	sadd.s32 @!p0 $0x88, s6;
	s7 =	simm.s32 @p2 $0x1082  }
0x22: {  	[simem:s7], [sflag:s8] =	dma.local @!p0 [hbm:s6], $0xF7A  }
0x23: {  	s9 =	sor.u32 $0xD0000000, s2;
	s6 =	simm.s32 $0x108;
	_ =	swait.ge @!p0 [sflag:s8], $0x0  }
0x24: {  	s3 =	sadd.s32 $0x88, s3;
	s6 =	simm.s32 @!p1 $0x1082;
	[sflag:s4] =	ssyncset.s32 $0xFFFFF086  }
0x25: {  	[simem:s6], [sflag:s4] =	dma.local [hbm:s3], $0xF7A  }
0x26: {  	[smem:$0x3F9B] =	sst s1;
	(tag) =	ssettag s2;
	_ =	strace s9  }
0x27: {  	s1 =	sld [smem:$0x3FAB]  }
0x28: {  	s2 =	sld [smem:$0x3FAC]  }
0x29: {  	s4 =	sld [smem:$0x3FAE]  }
0x2a: {  	p0 =	seq.s32 s5, $0x0;
	s5 =	sld [smem:$0x3FAF]  }
0x2b: {  	s6 =	sld [smem:$0x3FB0]  }
0x2c: {  	s7 =	sld [smem:$0x3FB1]  }
0x2d: {  	s3 =	simm.s32 $0x108;
	s8 =	sld [smem:$0x3FB2]  }
0x2e: {  	s3 =	simm.s32 @!p0 $0x1082;
	s9 =	sld [smem:$0x3FB3]  }
0x2f: {  	lr =	sadd.s32 s0, s3;
	s0 =	sld [smem:$0x3FAA]  }
0x30: {  	s3 =	sld [smem:$0x3FAD]  }
0x31: {  	[smem:$0x3FB6] =	sst s10  }
0x32: {  	s10 =	sld [smem:$0x3FB4];
	_ =	sdelay $0x3  }
0x33: {  	p0 =	seq.s32 s10, $0x1;
	s10 =	sld [smem:$0x3FB6];
	_ =	sdelay $0x3  }
0x34: {  	[smem:$0x3FB6] =	sst s10  }
0x35: {  	s10 =	sld [smem:$0x3FB5];
	_ =	sdelay $0x3  }
0x36: {  	p1 =	seq.s32 s10, $0x1;
	s10 =	sld [smem:$0x3FB6];
	_ =	sdelay $0x3  }
0x37: {  	[smem:$0x3FB6] =	sst s10  }
0x38: {  	s10 =	sld [smem:$0x3FB7]  }
0x39: {  	_ = 	snop;
	(pc) =	sbr.ind lr, $3  }
0x3a: {  	_ = 	snop  }
0x3b: {  	_ = 	snop  }
0x3c: {  	p2 =	seq.s32 s10, $0x1;
	s10 =	sld [smem:$0x3FB6]  }
0x3d: {  	_ =	shalt  }
0x3e: {  	_ =	shalt  }
0x3f: {  	_ =	shalt  }
0x40: {  	_ =	shalt  }
0x41: {  	_ =	shalt  }
0x42: {  	_ =	shalt  }
0x43: {  	_ =	shalt  }
0x44: {  	_ =	shalt  }
0x45: {  	_ =	shalt  }
0x46: {  	_ =	shalt  }
0x47: {  	_ =	shalt  }
0x48: {  	_ =	shalt  }
0x49: {  	_ =	shalt  }
0x4a: {  	_ =	shalt  }
0x4b: {  	_ =	shalt  }
0x4c: {  	_ =	shalt  }
0x4d: {  	_ =	shalt  }
0x4e: {  	_ =	shalt  }
0x4f: {  	_ =	shalt  }
0x50: {  	_ =	shalt  }
0x51: {  	_ =	shalt  }
0x52: {  	_ =	shalt  }
0x53: {  	_ =	shalt  }
0x54: {  	_ =	shalt  }
0x55: {  	_ =	shalt  }
0x56: {  	_ =	shalt  }
0x57: {  	_ =	shalt  }
0x58: {  	_ =	shalt  }
0x59: {  	_ =	shalt  }
0x5a: {  	_ =	shalt  }
0x5b: {  	_ =	shalt  }
0x5c: {  	_ =	shalt  }
0x5d: {  	_ =	shalt  }
0x5e: {  	_ =	shalt  }
0x5f: {  	_ =	shalt  }
0x60: {  	_ =	shalt  }
0x61: {  	_ =	shalt  }
0x62: {  	_ =	shalt  }
0x63: {  	_ =	shalt  }
0x64: {  	_ =	shalt  }
0x65: {  	_ =	shalt  }
0x66: {  	_ =	shalt  }
0x67: {  	_ =	shalt  }
0x68: {  	_ =	shalt  }
0x69: {  	_ =	shalt  }
0x6a: {  	_ =	shalt  }
0x6b: {  	_ =	shalt  }
0x6c: {  	_ =	shalt  }
0x6d: {  	_ =	shalt  }
0x6e: {  	_ =	shalt  }
0x6f: {  	_ =	shalt  }
0x70: {  	_ =	shalt  }
0x71: {  	_ =	shalt  }
0x72: {  	_ =	shalt  }
0x73: {  	_ =	shalt  }
0x74: {  	_ =	shalt  }
0x75: {  	_ =	shalt  }
0x76: {  	_ =	shalt  }
0x77: {  	_ =	shalt  }
0x78: {  	_ =	shalt  }
0x79: {  	_ =	shalt  }
0x7a: {  	_ =	shalt  }
0x7b: {  	_ =	shalt  }
0x7c: {  	_ =	shalt  }
0x7d: {  	_ =	shalt  }
0x7e: {  	_ =	shalt  }
0x7f: {  	_ =	shalt  }
0x80: {  	_ =	shalt  }
0x81: {  	_ =	shalt  }
0x82: {  	_ =	shalt  }
0x83: {  	_ =	shalt  }
0x84: {  	_ =	shalt  }
0x85: {  	_ =	shalt  }
0x86: {  	_ =	shalt  }
0x87: {  	_ =	shalt  }
.Lfunc_end0:
.L_simem_size_0:
called_computation_lowered:
.L_overlay_start_0:
0x88: {  	s2 =	sld [smem:$0x3FD9]  }
0x89: {  	s3 =	sld [smem:$0x3FFE];
	_ =	sdelay $0x1  }
0x8a: {  	s1 =	srdreg.scid  }
0x8b: {  	s0 =	sand.u32 $0x1, s1  }
0x8c: {  	s14 =	sshll.u32 s0, $0xA;
	s2 =	sadd.s32 s3, s2  }
0x8d: {  	s2 =	sadd.s32 s2, s14  }
0x8e: {  	[smem:$0x3FC2] =	sst s2  }
0x8f: {  	_ = 	snop  }
0x90: {  	s2 =	sld [smem:$0x3FD0];
	_ =	sdelay $0x1  }
0x91: {  	s15 =	sld [smem:$0x3FC8]  }
0x92: {  	s5 =	simm.s32 $0xA;
	s6 =	simm.s32 $0x10;
	s4 =	sld [smem:$0x3FC7]  }
0x93: {  	[smem:s6], [sflag:s5] =	dma.local [hbm:s2], $0x1  }
0x94: {  	_ =	swait.eq [sflag:s5], $0x1  }
0x95: {  	s16 =	sld [smem:$0x10]  }
0x96: {  	s17 =	sld [smem:$0x11];
	[sflag:s5] =	ssyncset.done $0x0  }
0x97: {  	s7 =	sld [smem:$0x12];
	[sflag:s5] =	ssyncadd.s32 $0xFFFFFFFF  }
0x98: {  	s18 =	sld [smem:$0x13];
	(tm) =	ssettm $0x1  }
0x99: {  	s8 =	sld [smem:$0x3FFB];
	_ =	sdelay $0x3  }
0x9a: {  	_ =	strace s8  }
0x9b: {  	s8 =	sld [smem:$0x3FFC];
	_ =	sdelay $0x3  }
0x9c: {  	_ =	strace s8  }
0x9d: {  	s8 =	sld [smem:$0x3FFD];
	_ =	sdelay $0x3  }
0x9e: {  	_ =	strace s8  }
0x9f: {  	_ =	strace $0x8FFFFFFF  }
0xa0: {  	s19 =	sld [smem:$0x3FDB];
	_ =	sdelay $0x1  }
0xa1: {  	s9 =	simm.s32 $_scs_section_size  }
0xa2: {  	s10 =	simm.s32 $_size__tile_overlayer_lowered;
	s11 =	simm.s32 $_tile_overlayer_lowered  }
0xa3: {  	s22 =	simm.s32 $0x1BFF;
	s21 =	sshll.u32 s11, $0x1;
	s8 =	sadd.s32 s9, s19  }
0xa4: {  	s12 =	simm.s32 $0x0;
	s20 =	sshll.u32 s10, $0x1;
	s10 =	sadd.s32 s21, s8  }
0xa5: {  	[timem:s12], [sflag:s22] =	dma.local [hbm:s10], s20  }
0xa6: {  	_ =	swait.ge [sflag:s22], s20  }
0xa7: {  	s9 =	ssub.s32 $0x0, s20;
	[sflag:s22] =	ssyncset.done $0x0  }
0xa8: {  	[sflag:s22] =	ssyncadd.s32 s9;
	_ =	sdelay $0x1  }
0xa9: {  	s23 =	simm.s32 $0x1B8B  }
0xaa: {  	_ =	swait.ge [sflag:s23], $0x1  }
0xab: {  	[sflag:s23] =	ssyncset.done $0x0  }
0xac: {  	s25 =	simm.s32 $0x1B8E;
	s24 =	sld [smem:$0x3FFE];
	[sflag:s23] =	ssyncadd.s32 $0xFFFFFFFF  }
0xad: {  	s26 =	simm.s32 $execute0_lowered;
	[smem:$0x3FD2] =	sst s25  }
0xae: {  	s10 =	sshll.u32 s26, $0x1;
	_ =	strace $0x80000046;
	[dreg:$0x1] =	wrdreg $0xFFFFFFFF  }
0xaf: {  	s28 =	simm.s32 $_size_execute0_lowered;
	s8 =	sadd.s32 s8, s10;
	[dreg:$0x0] =	wrdreg $0x0  }
0xb0: {  	s10 =	sshll.u32 s28, $0x1;
	[dreg:$0x2] =	wrdreg s8  }
0xb1: {  	[dreg:$0x3] =	wrdreg s10  }
0xb2: {  	[dreg:$0x4] =	wrdreg $0xC0  }
0xb3: {  	_ =	task [dreg:s12], $0x5FFFF  }
0xb4: {  	[dreg:$0x1] =	wrdreg $0xFFFFFFFF  }
0xb5: {  	[dreg:$0x0] =	wrdreg $0x60  }
0xb6: {  	[dreg:$0x2] =	wrdreg s15  }
0xb7: {  	[dreg:$0x3] =	wrdreg s4  }
0xb8: {  	[dreg:$0x4] =	wrdreg s18  }
0xb9: {  	[dreg:$0x5] =	wrdreg s16  }
0xba: {  	[dreg:$0x6] =	wrdreg s17  }
0xbb: {  	[dreg:$0x7] =	wrdreg s24  }
0xbc: {  	[dreg:$0x8] =	wrdreg s7  }
0xbd: {  	[dreg:$0x9] =	wrdreg $0x9  }
0xbe: {  	_ =	task.clear_ibuf [dreg:s12], $0xAFFFF;
	_ =	strace $0x90000046  }
0xbf: {  	s29 =	simm.s32 $0x9;
	_ =	strace $0x80000048  }
0xc0: {  	_ =	swait.ge [sflag:s29], $0x1  }
0xc1: {  	[sflag:s29] =	ssyncadd.s32 $0xFFFFFFFF  }
0xc2: {  	_ =	strace $0x90000048  }
0xc3: {  	_ =	sfence  }
0xc4: {  	s30 =	sld [smem:$0x0];
	_ =	sdelay $0x2  }
0xc5: {  	s31 =	sshll.u32 s1, $0xD;
	s1 =	sshrl.u32 s1, $0x2  }
0xc6: {  	s3 =	sand.u32 $0x4000, s31;
	s1 =	sadd.s32 s1, s30  }
0xc7: {  	s0 =	sor.u32 s3, s0;
	s1 =	sshll.u32 s1, $0x11  }
0xc8: {  	s0 =	sor.u32 s1, s0  }
0xc9: {  	s0 =	sadd.s32 $0x8F2B, s0  }
0xca: {  	[sflag:s0] =	ssyncadd.remote.s32 $0x1  }
0xcb: {  	_ =	sfence.sel $0xFFFF  }
0xcc: {  	[dreg:$0x0] =	wrdreg $0xFFFFFFFF;
	(pc) =	sbr.abs _section_cstart, $3  }
0xcd: {  	[dreg:$0x1] =	wrdreg $0xFFFFFFFF  }
0xce: {  	_ =	task.clear_ibuf [dreg:s12], $0x2FFFF;
	_ =	strace $0x9FFFFFFF  }
0xcf: {  	(tm) =	ssettm $0x7FFFFFFF  }
tec
execute0_lowered:
.L_overlay_start_1:
0x0: {  	(tag) =	ssettag $0x1  }
0x1: {  	s0 =	rddreg [dreg:$0x0]  }
0x2: {  	s1 =	rddreg [dreg:$0x1]  }
0x3: {  	s3 =	rddreg [dreg:$0x2]  }
0x4: {  	s2 =	rddreg [dreg:$0x4]  }
0x5: {  	s4 =	rddreg [dreg:$0x5];
	s5 =	srdreg.scid  }
0x6: {  	s11 =	stileid.u32;
	s8 =	rddreg [dreg:$0x6];
	s13 =	simm.s32 $0x0  }
0x7: {  	s14 =	simm.s32 $0x80;
	s28 =	simm.s32 $0x4200;
	s29 =	simm.s32 $0x7180  }
0x8: {  	s30 =	simm.s32 $0x9900;
	s31 =	simm.s32 $0x2;
	s7 =	sand.u32 $0x1, s5  }
0x9: {  	s18 =	sshll.u32 s11, $0x1;
	[smem:$0x7FF] =	sst s13;
	s5 =	sadd.s32 $0x92000, s4  }
0xa: {  	s11 =	sshrl.u32 s11, $0x2;
	s6 =	sor.u32 s7, s18;
	_ =	strace $0x80000047  }
0xb: {  	s10 =	ssub.s32 $0x2, s7;
	s7 =	sadd.s32 $0x2000, s4;
	s9 =	smul.u32 $0x40008, s6  }
0xc: {  	s12 =	sshll.u32 s11, $0x9;
	s23 =	sshll.u32 s11, $0xA;
	s6 =	smul.u32 $0x48, s6  }
0xd: {  	s19 =	sshrl.u32 s10, $0x1;
	s20 =	sadd.s32 s0, s12;
	s1 =	sadd.s32 s1, s23  }
0xe: {  	s23 =	simm.s32 $0x400;
	[dreg:$0x8] =	wrdreg s20;
	s9 =	sshrl.u32 s9, $0x15  }
0xf: {  	s22 =	sadd.s32 $0x10, s20;
	[dreg:$0xa] =	wrdreg s1;
	s9 =	smul.u32 $0x240, s9  }
0x10: {  	s4 =	ssub.s32 s10, s19;
	s1 =	simm.s32 $0x0;
	[dreg:$0x9] =	wrdreg s22  }
0x11: {  	s24 =	sshrl.u32 s6, $0x3;
	s26 =	smax.u32 s4, $0x1;
	s9 =	ssub.s32 s6, s9  }
0x12: {  	s22 =	simm.s32 $0xA100;
	s25 =	sadd.s32 s8, s24;
	s21 =	sand.u32 $0xFFF8, s9  }
0x13: {  	[dreg:$0xd] =	wrdreg s26;
	s26 =	simm.s32 $0x9100;
	s0 =	sshrl.u32 s21, $0x1  }
0x14: {  	[dreg:$0xc] =	wrdreg s25;
	s25 =	simm.s32 $0x5200;
	s0 =	sadd.s32 s0, s3  }
0x15: {  	v0 =	vimm.f32 $0.0e+00;
	v1 =	vimm.s32 $0x0;
	s21 =	simm.s32 $0x1;
	s3 =	simm.s32 $0x3;
	[dreg:$0xb] =	wrdreg s0  }
.LBB2_1:
0x16: {  	[dreg:$0xe] =	wrdreg s1  }
0x17: {  	s0 =	rddreg [dreg:$0x8];
	s12 =	simm.s32 $0x100  }
0x18: {  	[tilespmem:s13], [sflag:$0x3] =	stream.strided.gather [hbm4b:s0+s14], $0x800, s12, s14, $0x38;
	[tilespmem:$0xA180] =	vst v63  }
0x19: {  	_ =	swait.ge [sflag:s3], $0x800  }
0x1a: {  	[sflag:s3] =	ssyncset.done $0x0  }
0x1b: {  	s4 =	simm.s32 $0x800;
	s15 =	rddreg [dreg:$0x9];
	[sflag:s3] =	ssyncadd.s32 $0xFFFFF800  }
0x1c: {  	[tilespmem:s4], [sflag:$0x3] =	stream.strided.gather [hbm4b:s15+s14], $0x800, s12, s14, $0x38;
	[tilespmem:$0xA180] =	vst v63  }
0x1d: {  	_ =	swait.ge [sflag:s3], $0x800  }
0x1e: {  	[sflag:s3] =	ssyncset.done $0x0  }
0x1f: {  	s17 =	simm.s32 $0x1000;
	s16 =	rddreg [dreg:$0xa];
	[sflag:s3] =	ssyncadd.s32 $0xFFFFF800  }
0x20: {  	[tilespmem:s17], [sflag:$0x3] =	stream.linear.gather [hbm4b:s16+s13], $0x2000, $0x38;
	[tilespmem:$0xA180] =	vst v63  }
0x21: {  	_ =	swait.ge [sflag:s3], $0x2000  }
0x22: {  	[sflag:s3] =	ssyncset.done $0x0  }
0x23: {  	s19 =	simm.s32 $0x3000;
	s18 =	rddreg [dreg:$0xb];
	[sflag:s3] =	ssyncadd.s32 $0xFFFFE000  }
0x24: {  	[tilespmem:s19], [sflag:$0x3] =	stream.linear.gather [hbm4b:s18+s13], $0x120, $0x38;
	[tilespmem:$0xA180] =	vst v63  }
0x25: {  	_ =	swait.ge [sflag:s3], $0x120  }
0x26: {  	[sflag:s3] =	ssyncset.done $0x0  }
0x27: {  	[sflag:s3] =	ssyncadd.s32 $0xFFFFFEE0  }
0x28: {  	s24 =	simm.s32 $0x3180;
	s20 =	rddreg [dreg:$0x3]  }
0x29: {  	[tilespmem:s24], [sflag:$0x3] =	stream.linear.gather [hbm4b:s20+s13], $0x80, $0x38;
	[tilespmem:$0xA180] =	vst v63  }
0x2a: {  	_ =	swait.ge [sflag:s3], $0x80  }
0x2b: {  	[sflag:s3] =	ssyncset.done $0x0  }
0x2c: {  	[sflag:s3] =	ssyncadd.s32 $0xFFFFFF80  }
0x2d: {  	v2 =	vld [tilespmem:$0x3180];
	_ =	sdelay $0x3  }
0x2e: {  	s0 =	simm.s32 $0x0  }
0x2f: {  	s1 =	simm.s32 $0x40;
	v4 =	vld [tilespmem:s0+$0x0];
	v3 =	vbroadcast v2, $0x0  }
.LBB2_2:
0x30: {  	p0 =	sne.s32 s1, $0x1F00;
	v5 =	vld [tilespmem:s0+$0x800];
	_ =	sdelay $0x2  }
.Ltmp0:
0x31: {  	(pc) =	sbr.rel @p0 .LBB2_2-.Ltmp0, $4  }
0x32: {  	v4 =	vmul.f32 v4, v3  }
0x33: {  	v5 =	vmul.f32 v5, v3  }
0x34: {  	s3 =	sshra.s32 s1, $0x2;
	[tilespmem:s0+$0x0] =	vst v4  }
0x35: {  	s1 =	sadd.s32 $0x40, s1;
	v4 =	vld [tilespmem:s3+$0x0];
	[tilespmem:s0+$0x800] =	vst v5;
	s0 =	smov.u32 s3  }
0x36: {  	v5 =	vld [tilespmem:s0+$0x800];
	_ =	sdelay $0x3  }
0x37: {  	v4 =	vmul.f32 v4, v3  }
0x38: {  	v3 =	vmul.f32 v5, v3  }
0x39: {  	[tilespmem:s0+$0x0] =	vst v4  }
0x3a: {  	s1 =	simm.s32 $0x0;
	[tilespmem:s0+$0x800] =	vst v3;
	s0 =	simm.s32 $0x40  }
.LBB2_4:
0x3b: {  	p0 =	sne.s32 s0, $0x7CC0;
	[tilespmem:s1+$0x5200] =	vst v0;
	s1 =	smov.u32 s0;
	s0 =	sadd.s32 $0x40, s0  }
.Ltmp1:
0x3c: {  	(pc) =	sbr.rel @p0 .LBB2_4-.Ltmp1, $2  }
0x3d: {  	_ =	sdelay $0x2  }
0x3e: {  	s1 =	sshra.s32 s1, $0x2  }
0x3f: {  	[tilespmem:s1+$0x5200] =	vst v0;
	s0 =	simm.s32 $0x40;
	s1 =	simm.s32 $0x0  }
.LBB2_6:
0x40: {  	p0 =	sne.s32 s0, $0x3E40;
	[tilespmem:s1+$0x3200] =	vst v0;
	s1 =	smov.u32 s0;
	s0 =	sadd.s32 $0x40, s0  }
.Ltmp2:
0x41: {  	(pc) =	sbr.rel @p0 .LBB2_6-.Ltmp2, $2  }
0x42: {  	_ =	sdelay $0x2  }
0x43: {  	s1 =	sshra.s32 s1, $0x2  }
0x44: {  	[tilespmem:s1+$0x3200] =	vst v0;
	s0 =	simm.s32 $0x40;
	s1 =	simm.s32 $0x0  }
.LBB2_8:
0x45: {  	p0 =	sne.s32 s0, $0x1F00;
	[tilespmem:s1+$0x9100] =	vst v1;
	s1 =	smov.u32 s0;
	s0 =	sadd.s32 $0x40, s0  }
.Ltmp3:
0x46: {  	(pc) =	sbr.rel @p0 .LBB2_8-.Ltmp3, $2  }
0x47: {  	_ =	sdelay $0x2  }
0x48: {  	s1 =	sshra.s32 s1, $0x2  }
0x49: {  	[tilespmem:s1+$0x9100] =	vst v1;
	s0 =	simm.s32 $0x40;
	s1 =	simm.s32 $0x0  }
.LBB2_10:
0x4a: {  	p0 =	sne.s32 s0, $0x7CC0;
	[tilespmem:s1+$0x7180] =	vst v0;
	s1 =	smov.u32 s0;
	s0 =	sadd.s32 $0x40, s0  }
.Ltmp4:
0x4b: {  	(pc) =	sbr.rel @p0 .LBB2_10-.Ltmp4, $2  }
0x4c: {  	_ =	sdelay $0x2  }
0x4d: {  	s1 =	sshra.s32 s1, $0x2  }
0x4e: {  	[tilespmem:s1+$0x7180] =	vst v0;
	s0 =	simm.s32 $0x40;
	s1 =	simm.s32 $0x0  }
.LBB2_12:
0x4f: {  	p0 =	seq.s32 s0, $0x3E40;
	[tilespmem:s1+$0x4200] =	vst v0;
	s1 =	smov.u32 s0;
	s0 =	sadd.s32 $0x40, s0  }
.Ltmp5:
0x50: {  	(pc) =	sbr.rel @!p0 .LBB2_12-.Ltmp5, $2  }
0x51: {  	_ =	sdelay $0x2  }
0x52: {  	s1 =	sshra.s32 s1, $0x2  }
0x53: {  	[tilespmem:s1+$0x4200] =	vst v0;
	s0 =	simm.s32 $0x40;
	s1 =	simm.s32 $0x0  }
.LBB2_14:
0x54: {  	p0 =	seq.s32 s0, $0x1F00;
	[tilespmem:s1+$0x9900] =	vst v1;
	s1 =	smov.u32 s0;
	s0 =	sadd.s32 $0x40, s0  }
.Ltmp6:
0x55: {  	(pc) =	sbr.rel @!p0 .LBB2_14-.Ltmp6, $2  }
0x56: {  	_ =	sdelay $0x2  }
0x57: {  	s1 =	sshra.s32 s1, $0x2  }
0x58: {  	v2 =	vbroadcast v2, $0x1;
	_ =	sdelay $0x1  }
0x59: {  	(erf) = vrcp.f32 v2;
	_ =	sdelay $0x8  }
0x5a: {  	[tilespmem:s1+$0x9900] =	vst v1;
	s1 =	simm.s32 $0x0;
	s17 =	simm.s32 $0x0;
	s0 =	simm.s32 $0x0;
	v2 =	vpop (erf)  }
.LBB2_16:
0x5b: {  	p0 =	seq.s32 s0, $0x0  }
.Ltmp7:
0x5c: {  	_ = 	snop;
	(pc) =	sbr.rel @p0 .LBB2_26-.Ltmp7, $1  }
0x5d: {  	_ =	sdelay $0x3  }
0x5e: {  	s3 =	sshll.u32 s17, $0x1  }
0x5f: {  	s3 =	sadd.s32 $0xF, s3  }
0x60: {  	s4 =	sshra.s32 s3, $0x1F  }
0x61: {  	s8 =	sshrl.u32 s4, $0x1C  }
0x62: {  	_ =	swait.ge [sflag:s21], $0x1000;
	s3 =	sadd.s32 s8, s3  }
0x63: {  	[sflag:s21] =	ssyncset.done $0x0;
	s3 =	sshra.s32 s3, $0x4  }
0x64: {  	[sflag:s21] =	ssyncadd.s32 $0xFFFFF000;
	s4 =	sadd.s32 s4, s3  }
0x65: {  	_ =	swait.ge [sflag:s21], $0x1F80;
	p1 =	slt.s32 s4, $0x1  }
.Ltmp8:
0x66: {  	[sflag:s21] =	ssyncset.done $0x0;
	(pc) =	sbr.rel @p1 .LBB2_20-.Ltmp8, $4  }
0x67: {  	[sflag:s21] =	ssyncadd.s32 $0xFFFFE080  }
0x68: {  	_ =	swait.ge [sflag:s21], $0x800  }
0x69: {  	[sflag:s21] =	ssyncset.done $0x0  }
0x6a: {  	s3 =	simm.s32 $0x3200;
	[sflag:s21] =	ssyncadd.s32 $0xFFFFF800  }
0x6b: {  	p1 =	sne.s32 s4, $0x1  }
.Ltmp9:
0x6c: {  	_ = 	snop;
	(pc) =	sbr.rel @!p1 .LBB2_20-.Ltmp9, $2  }
0x6d: {  	_ =	sdelay $0x2  }
0x6e: {  	s4 =	sadd.s32 $0xFFFFFFFF, s4;
	[tilespmem:s3+$0x0] =	vst v0  }
.LBB2_19:
0x6f: {  	p1 =	sne.s32 s4, $0x1  }
.Ltmp10:
0x70: {  	_ = 	snop;
	(pc) =	sbr.rel @p1 .LBB2_19-.Ltmp10, $3  }
0x71: {  	_ =	sdelay $0x1  }
0x72: {  	s4 =	sadd.s32 $0xFFFFFFFF, s4;
	s3 =	sadd.s32 $0x10, s3  }
0x73: {  	[tilespmem:s3+$0x0] =	vst v0  }
.LBB2_20:
0x74: {  	s3 =	sshll.u32 s17, $0x2  }
0x75: {  	s3 =	sadd.s32 $0xF, s3  }
0x76: {  	s4 =	sshra.s32 s3, $0x1F  }
0x77: {  	s8 =	sshrl.u32 s4, $0x1C  }
0x78: {  	s3 =	sadd.s32 s8, s3  }
0x79: {  	s3 =	sshra.s32 s3, $0x4  }
0x7a: {  	s4 =	sadd.s32 s4, s3  }
0x7b: {  	p1 =	slt.s32 s4, $0x1  }
.Ltmp11:
0x7c: {  	_ = 	snop;
	(pc) =	sbr.rel @p1 .LBB2_23-.Ltmp11, $2  }
0x7d: {  	_ =	sdelay $0x2  }
0x7e: {  	s3 =	simm.s32 $0x5200  }
0x7f: {  	p1 =	sne.s32 s4, $0x1  }
.Ltmp12:
0x80: {  	_ = 	snop;
	(pc) =	sbr.rel @!p1 .LBB2_23-.Ltmp12, $2  }
0x81: {  	_ =	sdelay $0x2  }
0x82: {  	s4 =	sadd.s32 $0xFFFFFFFF, s4;
	[tilespmem:s3+$0x0] =	vst v0  }
.LBB2_22:
0x83: {  	p1 =	sne.s32 s4, $0x1  }
.Ltmp13:
0x84: {  	_ = 	snop;
	(pc) =	sbr.rel @p1 .LBB2_22-.Ltmp13, $3  }
0x85: {  	_ =	sdelay $0x1  }
0x86: {  	s4 =	sadd.s32 $0xFFFFFFFF, s4;
	s3 =	sadd.s32 $0x10, s3  }
0x87: {  	[tilespmem:s3+$0x0] =	vst v0  }
.LBB2_23:
0x88: {  	s3 =	sadd.s32 $0xF, s17  }
0x89: {  	s4 =	sand.u32 $0xF, s3  }
0x8a: {  	s8 =	sshra.s32 s3, $0x1F;
	p1 =	slt.s32 s3, $0x1;
	p2 =	sne.s32 s4, $0x0  }
0x8b: {  	s24 =	sshrl.u32 s8, $0x1C;
	p1 =	por !p1, !p2  }
0x8c: {  	s4 =	simm.s32 $0x1;
	s3 =	sadd.s32 s24, s3;
	p1 =	por !p1, !p1  }
0x8d: {  	s3 =	sshra.s32 s3, $0x4;
	s4 =	simm.s32 @!p1 $0x0  }
0x8e: {  	s4 =	ssub.s32 s3, s4  }
0x8f: {  	p1 =	slt.s32 s4, $0x1  }
.Ltmp14:
0x90: {  	_ = 	snop;
	(pc) =	sbr.rel @p1 .LBB2_26-.Ltmp14, $2  }
0x91: {  	_ =	sdelay $0x2  }
0x92: {  	s3 =	simm.s32 $0x9100  }
0x93: {  	p1 =	sne.s32 s4, $0x1  }
.Ltmp15:
0x94: {  	_ = 	snop;
	(pc) =	sbr.rel @!p1 .LBB2_26-.Ltmp15, $2  }
0x95: {  	_ =	sdelay $0x2  }
0x96: {  	s4 =	sadd.s32 $0xFFFFFFFF, s4;
	[tilespmem:s3+$0x0] =	vst v1  }
.LBB2_25:
0x97: {  	p1 =	sne.s32 s4, $0x1  }
.Ltmp16:
0x98: {  	_ = 	snop;
	(pc) =	sbr.rel @p1 .LBB2_25-.Ltmp16, $3  }
0x99: {  	_ =	sdelay $0x1  }
0x9a: {  	s4 =	sadd.s32 $0xFFFFFFFF, s4;
	s3 =	sadd.s32 $0x10, s3  }
0x9b: {  	[tilespmem:s3+$0x0] =	vst v1  }
.LBB2_26:
0x9c: {  	s3 =	sshll.u32 s0, $0x3  }
0x9d: {  	s3 =	sand.u32 $0x3FFFFFF8, s3  }
0x9e: {  	v5 =	vld [tilespmem:s3+$0x3000];
	_ =	sdelay $0x4  }
0x9f: {  	s19 =	sshll.u32 s0, $0x1;
	s15 =	simm.s32 $0xFFFFFFFC;
	p1 =	por $0x0, $0x0;
	v3 =	vbroadcast v5, $0x0;
	v6 =	vbroadcast v5, $0x1  }
0xa0: {  	s17 =	simm.s32 $0x0;
	s9 =	simm.s32 $0x0;
	s11 =	simm.s32 $0x0;
	v4 =	vbroadcast v5, $0x2;
	v5 =	vbroadcast v5, $0x3  }
.LBB2_27:
0xa1: {  	s3 =	sshra.s32 s9, $0x2  }
0xa2: {  	v7 =	vld [tilespmem:s3+$0x0];
	_ =	sdelay $0x2  }
0xa3: {  	v8 =	vld [tilespmem:s3+$0x800];
	_ =	sdelay $0x1  }
0xa4: {  	vm0 =	vgt.f32 v7, v3  }
0xa5: {  	vm1 =	vlt.f32 v7, v6;
	vm2 =	vlt.f32 v7, $0.0e+00;
	vm3 =	vgt.f32 v7, $0.0e+00  }
0xa6: {  	vm0 =	vmand vm0, vm1;
	vm11 =	vmor vm3, vm2  }
0xa7: {  	vm12 =	vgt.f32 v8, v4;
	vm13 =	vlt.f32 v8, v5;
	vm0 =	vmand vm11, vm0  }
0xa8: {  	vm14 =	vlt.f32 v8, $0.0e+00;
	vm15 =	vgt.f32 v8, $0.0e+00;
	vm0 =	vmand vm12, vm0  }
0xa9: {  	vm6 =	vmor vm15, vm14;
	vm0 =	vmand vm13, vm0  }
0xaa: {  	vm0 =	vmand vm6, vm0  }
0xab: {  	v9 =	vmpcnt.ones.xlane vm0;
	_ =	sdelay $0x1  }
0xac: {  	(v2sf) =	vpush v9, $0x0;
	_ =	sdelay $0xe  }
0xad: {  	s8 =	spop (v2sf)  }
0xae: {  	p2 =	slt.s32 s8, $0x1  }
0xaf: {  	v9 =	vimm.s32 @!p2 $0x0  }
0xb0: {  	v9 =	vsel @!p2 vm0, $0x1, v9  }
0xb1: {  	(xrf0) =	vadd.scan.msk.s32 @!p2 $0xffff, v9;
	_ =	sdelay $0x2  }
0xb2: {  	v9 =	vmov @!p2 s11  }
0xb3: {  	v9 =	vadd.s32 @!p2 $0xFFFFFFFF, v9  }
0xb4: {  	v9 =	vbroadcast @!p2 v9, $0x0  }
0xb5: {  	v10, _, _ =	vpop @!p2 (xrf0)  }
0xb6: {  	v9 =	vadd.s32 @!p2 v10, v9  }
0xb7: {  	v10 =	vshll.u32 @!p2 v9, $0x1  }
0xb8: {  	v7 =	vsub.f32 @!p2 v7, v3;
	v11 =	vor.u32 @!p2 $0x1, v10  }
0xb9: {  	v8 =	vsub.f32 @!p2 v8, v4  }
0xba: {  	v7 =	vmul.f32 @!p2 v7, v2  }
0xbb: {  	s3 =	simm.s32 @!p2 $0x3200;
	v8 =	vmul.f32 @!p2 v8, v2  }
0xbc: {  	s12 =	sand.u32 $0x40, s17;
	s4 =	sand.u32 @!p2 $0x1E00, s9;
	[tilespmem:v10+s3+$0x0] =	vst.idx.msk @!p2 vm0, v7  }
0xbd: {  	[tilespmem:v11+s3+$0x0] =	vst.idx.msk @!p2 vm0, v8;
	s3 =	sor.u32 @!p2 s12, s4  }
0xbe: {  	v8 =	vshll.u32 @!p2 v9, $0x2;
	v7 =	vld @!p2 [tilespmem:s3+$0x1000];
	_ =	sdelay $0x3  }
0xbf: {  	s4 =	simm.s32 @!p2 $0x5200  }
0xc0: {  	[tilespmem:v8+s4+$0x0] =	vst.idx.msk @!p2 vm0, v7  }
0xc1: {  	v10 =	vor.u32 @!p2 $0x1, v8;
	v7 =	vld @!p2 [tilespmem:s3+$0x1080]  }
0xc2: {  	s3 =	simm.s32 $0x1  }
0xc3: {  	s3 =	simm.s32 @!p1 $0x0  }
0xc4: {  	s3 =	sshll.u32 s3, $0x6  }
0xc5: {  	s10 =	sadd.s32 s3, s9  }
0xc6: {  	s3 =	sor.u32 @!p2 $0x100, s10;
	[tilespmem:v10+s4+$0x0] =	vst.idx.msk @!p2 vm0, v7  }
0xc7: {  	v10 =	vor.u32 @!p2 $0x2, v8;
	v7 =	vld @!p2 [tilespmem:s3+$0x1000];
	_ =	sdelay $0x4  }
0xc8: {  	s3 =	sor.u32 @!p2 $0x180, s10;
	[tilespmem:v10+s4+$0x0] =	vst.idx.msk @!p2 vm0, v7  }
0xc9: {  	v8 =	vor.u32 @!p2 $0x3, v8;
	v7 =	vld @!p2 [tilespmem:s3+$0x1000];
	_ =	sdelay $0x4  }
0xca: {  	s13 =	sand.u32 $0x780, s17;
	s18 =	sor.u32 $0x10, s12;
	v10 =	vimm.s32 @!p2 $0x1;
	s3 =	simm.s32 @!p2 $0x9100;
	[tilespmem:v8+s4+$0x0] =	vst.idx.msk @!p2 vm0, v7  }
0xcb: {  	s16 =	sor.u32 s13, s18;
	[tilespmem:v9+s3+$0x0] =	vst.idx.msk @!p2 vm0, v10  }
0xcc: {  	v7 =	vld [tilespmem:s16+$0x0];
	_ =	sdelay $0x2  }
0xcd: {  	v8 =	vld [tilespmem:s16+$0x800];
	_ =	sdelay $0x1  }
0xce: {  	vm7 =	vgt.f32 v7, v3  }
0xcf: {  	vm8 =	vlt.f32 v7, v6;
	vm9 =	vlt.f32 v7, $0.0e+00;
	vm10 =	vgt.f32 v7, $0.0e+00  }
0xd0: {  	vm0 =	vmand vm7, vm8;
	vm11 =	vmor vm10, vm9  }
0xd1: {  	vm12 =	vgt.f32 v8, v4;
	vm13 =	vlt.f32 v8, v5;
	vm0 =	vmand vm11, vm0  }
0xd2: {  	vm14 =	vlt.f32 v8, $0.0e+00;
	vm15 =	vgt.f32 v8, $0.0e+00;
	vm0 =	vmand vm12, vm0  }
0xd3: {  	vm6 =	vmor vm15, vm14;
	vm0 =	vmand vm13, vm0  }
0xd4: {  	vm0 =	vmand vm6, vm0  }
0xd5: {  	v61 =	vmpcnt.ones.xlane vm0;
	_ =	sdelay $0x1  }
0xd6: {  	(v2sf) =	vpush v61, $0x0;
	_ =	sdelay $0xe  }
0xd7: {  	s20 =	spop (v2sf)  }
0xd8: {  	p2 =	slt.s32 s20, $0x1  }
0xd9: {  	v9 =	vimm.s32 @!p2 $0x0  }
0xda: {  	v9 =	vsel @!p2 vm0, $0x1, v9  }
0xdb: {  	(xrf0) =	vadd.scan.msk.s32 @!p2 $0xffff, v9;
	_ =	sdelay $0x1  }
0xdc: {  	s3 =	sadd.s32 s11, s8  }
0xdd: {  	v9 =	vmov @!p2 s3  }
0xde: {  	v9 =	vadd.s32 @!p2 $0xFFFFFFFF, v9  }
0xdf: {  	v9 =	vbroadcast @!p2 v9, $0x0  }
0xe0: {  	v10, _, _ =	vpop @!p2 (xrf0)  }
0xe1: {  	v9 =	vadd.s32 @!p2 v10, v9  }
0xe2: {  	v10 =	vshll.u32 @!p2 v9, $0x1  }
0xe3: {  	v7 =	vsub.f32 @!p2 v7, v3;
	v11 =	vor.u32 @!p2 $0x1, v10  }
0xe4: {  	v8 =	vsub.f32 @!p2 v8, v4  }
0xe5: {  	v7 =	vmul.f32 @!p2 v7, v2  }
0xe6: {  	s8 =	simm.s32 @!p2 $0x3200;
	v8 =	vmul.f32 @!p2 v8, v2  }
0xe7: {  	s11 =	sand.u32 @!p2 $0x1E00, s9;
	[tilespmem:v10+s8+$0x0] =	vst.idx.msk @!p2 vm0, v7  }
0xe8: {  	[tilespmem:v11+s8+$0x0] =	vst.idx.msk @!p2 vm0, v8;
	s8 =	sor.u32 @!p2 s18, s11  }
0xe9: {  	v8 =	vshll.u32 @!p2 v9, $0x2;
	v7 =	vld @!p2 [tilespmem:s8+$0x1000];
	_ =	sdelay $0x3  }
0xea: {  	s11 =	simm.s32 @!p2 $0x5200  }
0xeb: {  	[tilespmem:v8+s11+$0x0] =	vst.idx.msk @!p2 vm0, v7  }
0xec: {  	v10 =	vor.u32 @!p2 $0x1, v8;
	v7 =	vld @!p2 [tilespmem:s8+$0x1080];
	_ =	sdelay $0x3  }
0xed: {  	s8 =	sadd.s32 @!p2 $0x10, s10  }
0xee: {  	s18 =	sor.u32 @!p2 $0x100, s8;
	[tilespmem:v10+s11+$0x0] =	vst.idx.msk @!p2 vm0, v7  }
0xef: {  	v10 =	vor.u32 @!p2 $0x2, v8;
	v7 =	vld @!p2 [tilespmem:s18+$0x1000];
	_ =	sdelay $0x4  }
0xf0: {  	s8 =	sor.u32 @!p2 $0x180, s8;
	[tilespmem:v10+s11+$0x0] =	vst.idx.msk @!p2 vm0, v7  }
0xf1: {  	v8 =	vor.u32 @!p2 $0x3, v8;
	v7 =	vld @!p2 [tilespmem:s8+$0x1000];
	_ =	sdelay $0x4  }
0xf2: {  	v10 =	vimm.s32 @!p2 $0x1;
	s8 =	simm.s32 @!p2 $0x9100;
	[tilespmem:v8+s11+$0x0] =	vst.idx.msk @!p2 vm0, v7;
	s11 =	sor.u32 $0x20, s12  }
0xf3: {  	[tilespmem:v9+s8+$0x0] =	vst.idx.msk @!p2 vm0, v10;
	s24 =	sor.u32 s13, s11  }
0xf4: {  	v7 =	vld [tilespmem:s24+$0x0];
	_ =	sdelay $0x2  }
0xf5: {  	v8 =	vld [tilespmem:s24+$0x800];
	_ =	sdelay $0x1  }
0xf6: {  	vm7 =	vgt.f32 v7, v3  }
0xf7: {  	vm8 =	vlt.f32 v7, v6;
	vm9 =	vlt.f32 v7, $0.0e+00;
	vm10 =	vgt.f32 v7, $0.0e+00  }
0xf8: {  	vm0 =	vmand vm7, vm8;
	vm11 =	vmor vm10, vm9  }
0xf9: {  	vm12 =	vgt.f32 v8, v4;
	vm13 =	vlt.f32 v8, v5;
	vm0 =	vmand vm11, vm0  }
0xfa: {  	vm14 =	vlt.f32 v8, $0.0e+00;
	vm15 =	vgt.f32 v8, $0.0e+00;
	vm0 =	vmand vm12, vm0  }
0xfb: {  	vm5 =	vmor vm15, vm14;
	vm0 =	vmand vm13, vm0  }
0xfc: {  	vm0 =	vmand vm5, vm0  }
0xfd: {  	v62 =	vmpcnt.ones.xlane vm0;
	_ =	sdelay $0x1  }
0xfe: {  	(v2sf) =	vpush v62, $0x0;
	_ =	sdelay $0xe  }
0xff: {  	s16 =	spop (v2sf)  }
0x100: {  	p2 =	slt.s32 s16, $0x1  }
0x101: {  	v9 =	vimm.s32 @!p2 $0x0  }
0x102: {  	v9 =	vsel @!p2 vm0, $0x1, v9  }
0x103: {  	(xrf0) =	vadd.scan.msk.s32 @!p2 $0xffff, v9;
	_ =	sdelay $0x1  }
0x104: {  	s3 =	sadd.s32 s3, s20  }
0x105: {  	v9 =	vmov @!p2 s3  }
0x106: {  	v9 =	vadd.s32 @!p2 $0xFFFFFFFF, v9  }
0x107: {  	v9 =	vbroadcast @!p2 v9, $0x0  }
0x108: {  	v10, _, _ =	vpop @!p2 (xrf0)  }
0x109: {  	v9 =	vadd.s32 @!p2 v10, v9  }
0x10a: {  	v10 =	vshll.u32 @!p2 v9, $0x1  }
0x10b: {  	v7 =	vsub.f32 @!p2 v7, v3;
	v11 =	vor.u32 @!p2 $0x1, v10  }
0x10c: {  	v8 =	vsub.f32 @!p2 v8, v4  }
0x10d: {  	v7 =	vmul.f32 @!p2 v7, v2  }
0x10e: {  	s4 =	simm.s32 @!p2 $0x3200;
	v8 =	vmul.f32 @!p2 v8, v2  }
0x10f: {  	s18 =	sand.u32 @!p2 $0x1E00, s9;
	[tilespmem:v10+s4+$0x0] =	vst.idx.msk @!p2 vm0, v7  }
0x110: {  	[tilespmem:v11+s4+$0x0] =	vst.idx.msk @!p2 vm0, v8;
	s4 =	sor.u32 @!p2 s11, s18  }
0x111: {  	v8 =	vshll.u32 @!p2 v9, $0x2;
	v7 =	vld @!p2 [tilespmem:s4+$0x1000];
	_ =	sdelay $0x3  }
0x112: {  	s11 =	simm.s32 @!p2 $0x5200  }
0x113: {  	[tilespmem:v8+s11+$0x0] =	vst.idx.msk @!p2 vm0, v7  }
0x114: {  	v10 =	vor.u32 @!p2 $0x1, v8;
	v7 =	vld @!p2 [tilespmem:s4+$0x1080];
	_ =	sdelay $0x3  }
0x115: {  	s4 =	sadd.s32 @!p2 $0x20, s10  }
0x116: {  	s18 =	sor.u32 @!p2 $0x100, s4;
	[tilespmem:v10+s11+$0x0] =	vst.idx.msk @!p2 vm0, v7  }
0x117: {  	v10 =	vor.u32 @!p2 $0x2, v8;
	v7 =	vld @!p2 [tilespmem:s18+$0x1000];
	_ =	sdelay $0x4  }
0x118: {  	s4 =	sor.u32 @!p2 $0x180, s4;
	[tilespmem:v10+s11+$0x0] =	vst.idx.msk @!p2 vm0, v7  }
0x119: {  	v8 =	vor.u32 @!p2 $0x3, v8;
	v7 =	vld @!p2 [tilespmem:s4+$0x1000];
	_ =	sdelay $0x4  }
0x11a: {  	v10 =	vimm.s32 @!p2 $0x1;
	s4 =	simm.s32 @!p2 $0x9100;
	[tilespmem:v8+s11+$0x0] =	vst.idx.msk @!p2 vm0, v7;
	s11 =	sor.u32 $0x30, s12  }
0x11b: {  	[tilespmem:v9+s4+$0x0] =	vst.idx.msk @!p2 vm0, v10;
	s20 =	sor.u32 s13, s11  }
0x11c: {  	v7 =	vld [tilespmem:s20+$0x0];
	_ =	sdelay $0x2  }
0x11d: {  	v8 =	vld [tilespmem:s20+$0x800];
	_ =	sdelay $0x1  }
0x11e: {  	vm6 =	vgt.f32 v7, v3  }
0x11f: {  	vm7 =	vlt.f32 v7, v6;
	vm8 =	vlt.f32 v7, $0.0e+00;
	vm9 =	vgt.f32 v7, $0.0e+00  }
0x120: {  	vm0 =	vmand vm6, vm7;
	vm10 =	vmor vm9, vm8  }
0x121: {  	vm11 =	vgt.f32 v8, v4;
	vm12 =	vlt.f32 v8, v5;
	vm0 =	vmand vm10, vm0  }
0x122: {  	vm13 =	vlt.f32 v8, $0.0e+00;
	vm14 =	vgt.f32 v8, $0.0e+00;
	vm0 =	vmand vm11, vm0  }
0x123: {  	vm15 =	vmor vm14, vm13;
	vm0 =	vmand vm12, vm0  }
0x124: {  	vm0 =	vmand vm15, vm0  }
0x125: {  	v63 =	vmpcnt.ones.xlane vm0;
	_ =	sdelay $0x1  }
0x126: {  	(v2sf) =	vpush v63, $0x0;
	_ =	sdelay $0xe  }
0x127: {  	s24 =	spop (v2sf)  }
0x128: {  	p2 =	slt.s32 s24, $0x1  }
0x129: {  	v9 =	vimm.s32 @!p2 $0x0  }
0x12a: {  	v9 =	vsel @!p2 vm0, $0x1, v9  }
0x12b: {  	(xrf0) =	vadd.scan.msk.s32 @!p2 $0xffff, v9;
	_ =	sdelay $0x1  }
0x12c: {  	s3 =	sadd.s32 s3, s16  }
0x12d: {  	v9 =	vmov @!p2 s3  }
0x12e: {  	v9 =	vadd.s32 @!p2 $0xFFFFFFFF, v9  }
0x12f: {  	v9 =	vbroadcast @!p2 v9, $0x0  }
0x130: {  	v10, _, _ =	vpop @!p2 (xrf0)  }
0x131: {  	v9 =	vadd.s32 @!p2 v10, v9  }
0x132: {  	v10 =	vshll.u32 @!p2 v9, $0x1  }
0x133: {  	v7 =	vsub.f32 @!p2 v7, v3;
	v11 =	vor.u32 @!p2 $0x1, v10  }
0x134: {  	v8 =	vsub.f32 @!p2 v8, v4  }
0x135: {  	v7 =	vmul.f32 @!p2 v7, v2  }
0x136: {  	s8 =	simm.s32 @!p2 $0x3200;
	v8 =	vmul.f32 @!p2 v8, v2  }
0x137: {  	s12 =	sand.u32 @!p2 $0x1E00, s9;
	[tilespmem:v10+s8+$0x0] =	vst.idx.msk @!p2 vm0, v7  }
0x138: {  	[tilespmem:v11+s8+$0x0] =	vst.idx.msk @!p2 vm0, v8;
	s8 =	sor.u32 @!p2 s11, s12  }
0x139: {  	v8 =	vshll.u32 @!p2 v9, $0x2;
	v7 =	vld @!p2 [tilespmem:s8+$0x1000];
	_ =	sdelay $0x3  }
0x13a: {  	s11 =	simm.s32 @!p2 $0x5200  }
0x13b: {  	[tilespmem:v8+s11+$0x0] =	vst.idx.msk @!p2 vm0, v7  }
0x13c: {  	v10 =	vor.u32 @!p2 $0x1, v8;
	v7 =	vld @!p2 [tilespmem:s8+$0x1080];
	_ =	sdelay $0x3  }
0x13d: {  	s8 =	sadd.s32 @!p2 $0x30, s10  }
0x13e: {  	s10 =	sor.u32 @!p2 $0x100, s8;
	[tilespmem:v10+s11+$0x0] =	vst.idx.msk @!p2 vm0, v7  }
0x13f: {  	v10 =	vor.u32 @!p2 $0x2, v8;
	v7 =	vld @!p2 [tilespmem:s10+$0x1000];
	_ =	sdelay $0x4  }
0x140: {  	s8 =	sor.u32 @!p2 $0x180, s8;
	[tilespmem:v10+s11+$0x0] =	vst.idx.msk @!p2 vm0, v7  }
0x141: {  	s15 =	sadd.s32 $0x4, s15;
	v8 =	vor.u32 @!p2 $0x3, v8;
	v7 =	vld @!p2 [tilespmem:s8+$0x1000]  }
0x142: {  	p3 =	slt.u32 s15, $0x78  }
.Ltmp17:
0x143: {  	_ = 	snop;
	(pc) =	sbr.rel @p3 .LBB2_27-.Ltmp17, $3  }
0x144: {  	_ =	sdelay $0x1  }
0x145: {  	s17 =	sadd.s32 $0x40, s17;
	v10 =	vimm.s32 @!p2 $0x1;
	s8 =	simm.s32 @!p2 $0x9100;
	[tilespmem:v8+s11+$0x0] =	vst.idx.msk @!p2 vm0, v7  }
0x146: {  	p1 =	por !p1, !p1;
	s9 =	sadd.s32 $0x100, s9;
	s11 =	sadd.s32 s3, s24;
	[tilespmem:v9+s8+$0x0] =	vst.idx.msk @!p2 vm0, v10  }
0x147: {  	v7 =	vld [tilespmem:$0x7C0];
	_ =	sdelay $0x2  }
0x148: {  	v8 =	vld [tilespmem:$0xFC0];
	_ =	sdelay $0x1  }
0x149: {  	vm0 =	vgt.f32 v7, v3  }
0x14a: {  	vm1 =	vlt.f32 v7, v6;
	vm2 =	vlt.f32 v7, $0.0e+00;
	vm3 =	vgt.f32 v7, $0.0e+00  }
0x14b: {  	vm0 =	vmand vm0, vm1;
	vm10 =	vmor vm3, vm2  }
0x14c: {  	vm11 =	vgt.f32 v8, v4;
	vm12 =	vlt.f32 v8, v5;
	vm0 =	vmand vm10, vm0  }
0x14d: {  	vm13 =	vlt.f32 v8, $0.0e+00;
	vm14 =	vgt.f32 v8, $0.0e+00;
	vm0 =	vmand vm11, vm0  }
0x14e: {  	vm15 =	vmor vm14, vm13;
	vm0 =	vmand vm12, vm0  }
0x14f: {  	vm0 =	vmand vm15, vm0  }
0x150: {  	v62 =	vmpcnt.ones.xlane vm0;
	_ =	sdelay $0x1  }
0x151: {  	(v2sf) =	vpush v62, $0x0;
	_ =	sdelay $0xe  }
0x152: {  	s3 =	spop (v2sf)  }
0x153: {  	p1 =	slt.s32 s3, $0x1  }
0x154: {  	v5 =	vimm.s32 @!p1 $0x0  }
0x155: {  	v5 =	vsel @!p1 vm0, $0x1, v5  }
0x156: {  	(xrf0) =	vadd.scan.msk.s32 @!p1 $0xffff, v5;
	_ =	sdelay $0x2  }
0x157: {  	v5 =	vmov @!p1 s11  }
0x158: {  	v5 =	vadd.s32 @!p1 $0xFFFFFFFF, v5  }
0x159: {  	v5 =	vbroadcast @!p1 v5, $0x0  }
0x15a: {  	v6, _, _ =	vpop @!p1 (xrf0)  }
0x15b: {  	v5 =	vadd.s32 @!p1 v6, v5  }
0x15c: {  	v6 =	vshll.u32 @!p1 v5, $0x1  }
0x15d: {  	v3 =	vsub.f32 @!p1 v7, v3;
	v7 =	vor.u32 @!p1 $0x1, v6  }
0x15e: {  	v4 =	vsub.f32 @!p1 v8, v4  }
0x15f: {  	v3 =	vmul.f32 @!p1 v3, v2  }
0x160: {  	s4 =	simm.s32 @!p1 $0x3200;
	v4 =	vmul.f32 @!p1 v4, v2  }
0x161: {  	[tilespmem:v6+s4+$0x0] =	vst.idx.msk @!p1 vm0, v3  }
0x162: {  	[tilespmem:v7+s4+$0x0] =	vst.idx.msk @!p1 vm0, v4  }
0x163: {  	v4 =	vshll.u32 @!p1 v5, $0x2;
	v3 =	vld @!p1 [tilespmem:$0x2E40];
	_ =	sdelay $0x3  }
0x164: {  	s4 =	simm.s32 @!p1 $0x5200  }
0x165: {  	[tilespmem:v4+s4+$0x0] =	vst.idx.msk @!p1 vm0, v3  }
0x166: {  	v6 =	vor.u32 @!p1 $0x1, v4;
	v3 =	vld @!p1 [tilespmem:$0x2EC0];
	_ =	sdelay $0x4  }
0x167: {  	[tilespmem:v6+s4+$0x0] =	vst.idx.msk @!p1 vm0, v3  }
0x168: {  	v6 =	vor.u32 @!p1 $0x2, v4;
	v3 =	vld @!p1 [tilespmem:$0x2F40];
	_ =	sdelay $0x4  }
0x169: {  	[tilespmem:v6+s4+$0x0] =	vst.idx.msk @!p1 vm0, v3;
	v3 =	vmov s19  }
0x16a: {  	v4 =	vor.u32 @!p1 $0x3, v4;
	v6 =	vld @!p1 [tilespmem:$0x2FC0];
	v3 =	vand.u32 $0xFFFFFFFE, v3  }
0x16b: {  	v3 =	vbroadcast v3, $0x0  }
0x16c: {  	s8 =	sadd.s32 s6, s19  }
0x16d: {  	s9 =	sshll.u32 s0, $0x8;
	s8 =	sshrl.u32 s8, $0x3  }
0x16e: {  	s9 =	sand.u32 $0x300, s9;
	s18 =	sshll.u32 s8, $0xF;
	s20 =	smul.u32 $0xFC00, s8  }
0x16f: {  	s13 =	sor.u32 s9, s18;
	s17 =	sadd.s32 s11, s3;
	v7 =	vimm.s32 @!p1 $0x1;
	[tilespmem:v4+s4+$0x0] =	vst.idx.msk @!p1 vm0, v6;
	s4 =	simm.s32 @!p1 $0x9100  }
0x170: {  	s3 =	sshrl.u32 s13, $0x3;
	v63 =	vmov s17;
	[tilespmem:v5+s4+$0x0] =	vst.idx.msk @!p1 vm0, v7  }
0x171: {  	s15 =	simm.s32 $0x3200;
	s16 =	sor.u32 s9, s20;
	s3 =	sadd.s32 s2, s3;
	[tilespmem:v3+s22+$0x0] =	vst.idx.msk $0x1, v63  }
0x172: {  	[hbm4b:s3+s14] =	stream.strided.scatter [tilespmem:s15], [sflag:$0x1], $0x1000, s23, s14, $0x38;
	[tilespmem:$0xA180] =	vst v63  }
0x173: {  	s3 =	sshrl.u32 s16, $0x3;
	s15 =	sshll.u32 s8, $0xE  }
.Ltmp18:
0x174: {  	s3 =	sadd.s32 s5, s3;
	s24 =	sor.u32 s9, s15;
	(pc) =	sbr.rel @p0 .LBB2_38-.Ltmp18, $4  }
0x175: {  	[hbm4b:s3+s14] =	stream.strided.scatter [tilespmem:s25], [sflag:$0x1], $0x1F80, s23, s14, $0x38;
	[tilespmem:$0xA180] =	vst v63  }
0x176: {  	s3 =	sshrl.u32 s24, $0x3  }
0x177: {  	s3 =	sadd.s32 s7, s3  }
0x178: {  	[hbm4b:s3+s14] =	stream.strided.scatter [tilespmem:s26], [sflag:$0x1], $0x800, s23, s14, $0x38;
	[tilespmem:$0xA180] =	vst v63  }
0x179: {  	s3 =	sshll.u32 s1, $0x1  }
0x17a: {  	s3 =	sadd.s32 $0xF, s3  }
0x17b: {  	s4 =	sshra.s32 s3, $0x1F  }
0x17c: {  	s8 =	sshrl.u32 s4, $0x1C  }
0x17d: {  	_ =	swait.ge [sflag:s31], $0x1000;
	s3 =	sadd.s32 s8, s3  }
0x17e: {  	[sflag:s31] =	ssyncset.done $0x0;
	s3 =	sshra.s32 s3, $0x4  }
0x17f: {  	[sflag:s31] =	ssyncadd.s32 $0xFFFFF000;
	s4 =	sadd.s32 s4, s3  }
0x180: {  	_ =	swait.ge [sflag:s31], $0x1F80;
	p0 =	slt.s32 s4, $0x1  }
.Ltmp19:
0x181: {  	[sflag:s31] =	ssyncset.done $0x0;
	(pc) =	sbr.rel @p0 .LBB2_32-.Ltmp19, $4  }
0x182: {  	[sflag:s31] =	ssyncadd.s32 $0xFFFFE080  }
0x183: {  	_ =	swait.ge [sflag:s31], $0x800  }
0x184: {  	[sflag:s31] =	ssyncset.done $0x0  }
0x185: {  	s3 =	simm.s32 $0x4200;
	[sflag:s31] =	ssyncadd.s32 $0xFFFFF800  }
0x186: {  	p0 =	sne.s32 s4, $0x1  }
.Ltmp20:
0x187: {  	_ = 	snop;
	(pc) =	sbr.rel @!p0 .LBB2_32-.Ltmp20, $2  }
0x188: {  	_ =	sdelay $0x2  }
0x189: {  	s4 =	sadd.s32 $0xFFFFFFFF, s4;
	[tilespmem:s3+$0x0] =	vst v0  }
.LBB2_31:
0x18a: {  	p0 =	sne.s32 s4, $0x1  }
.Ltmp21:
0x18b: {  	_ = 	snop;
	(pc) =	sbr.rel @p0 .LBB2_31-.Ltmp21, $3  }
0x18c: {  	_ =	sdelay $0x1  }
0x18d: {  	s4 =	sadd.s32 $0xFFFFFFFF, s4;
	s3 =	sadd.s32 $0x10, s3  }
0x18e: {  	[tilespmem:s3+$0x0] =	vst v0  }
.LBB2_32:
0x18f: {  	s3 =	sshll.u32 s1, $0x2  }
0x190: {  	s3 =	sadd.s32 $0xF, s3  }
0x191: {  	s4 =	sshra.s32 s3, $0x1F  }
0x192: {  	s8 =	sshrl.u32 s4, $0x1C  }
0x193: {  	s3 =	sadd.s32 s8, s3  }
0x194: {  	s3 =	sshra.s32 s3, $0x4  }
0x195: {  	s4 =	sadd.s32 s4, s3  }
0x196: {  	p0 =	slt.s32 s4, $0x1  }
.Ltmp22:
0x197: {  	_ = 	snop;
	(pc) =	sbr.rel @p0 .LBB2_35-.Ltmp22, $2  }
0x198: {  	_ =	sdelay $0x2  }
0x199: {  	s3 =	simm.s32 $0x7180  }
0x19a: {  	p0 =	sne.s32 s4, $0x1  }
.Ltmp23:
0x19b: {  	_ = 	snop;
	(pc) =	sbr.rel @!p0 .LBB2_35-.Ltmp23, $2  }
0x19c: {  	_ =	sdelay $0x2  }
0x19d: {  	s4 =	sadd.s32 $0xFFFFFFFF, s4;
	[tilespmem:s3+$0x0] =	vst v0  }
.LBB2_34:
0x19e: {  	p0 =	sne.s32 s4, $0x1  }
.Ltmp24:
0x19f: {  	_ = 	snop;
	(pc) =	sbr.rel @p0 .LBB2_34-.Ltmp24, $3  }
0x1a0: {  	_ =	sdelay $0x1  }
0x1a1: {  	s4 =	sadd.s32 $0xFFFFFFFF, s4;
	s3 =	sadd.s32 $0x10, s3  }
0x1a2: {  	[tilespmem:s3+$0x0] =	vst v0  }
.LBB2_35:
0x1a3: {  	s1 =	sadd.s32 $0xF, s1  }
0x1a4: {  	s3 =	sand.u32 $0xF, s1  }
0x1a5: {  	s4 =	sshra.s32 s1, $0x1F;
	p0 =	slt.s32 s1, $0x1;
	p1 =	sne.s32 s3, $0x0  }
0x1a6: {  	s24 =	sshrl.u32 s4, $0x1C;
	p0 =	por !p0, !p1  }
0x1a7: {  	s3 =	simm.s32 $0x1;
	s1 =	sadd.s32 s24, s1;
	p0 =	por !p0, !p0  }
0x1a8: {  	s1 =	sshra.s32 s1, $0x4;
	s3 =	simm.s32 @!p0 $0x0  }
0x1a9: {  	s3 =	ssub.s32 s1, s3  }
0x1aa: {  	p0 =	slt.s32 s3, $0x1  }
.Ltmp25:
0x1ab: {  	_ = 	snop;
	(pc) =	sbr.rel @p0 .LBB2_38-.Ltmp25, $2  }
0x1ac: {  	_ =	sdelay $0x2  }
0x1ad: {  	s1 =	simm.s32 $0x9900  }
0x1ae: {  	p0 =	sne.s32 s3, $0x1  }
.Ltmp26:
0x1af: {  	_ = 	snop;
	(pc) =	sbr.rel @!p0 .LBB2_38-.Ltmp26, $2  }
0x1b0: {  	_ =	sdelay $0x2  }
0x1b1: {  	s3 =	sadd.s32 $0xFFFFFFFF, s3;
	[tilespmem:s1+$0x0] =	vst v1  }
.LBB2_37:
0x1b2: {  	p0 =	sne.s32 s3, $0x1  }
.Ltmp27:
0x1b3: {  	_ = 	snop;
	(pc) =	sbr.rel @p0 .LBB2_37-.Ltmp27, $3  }
0x1b4: {  	_ =	sdelay $0x1  }
0x1b5: {  	s3 =	sadd.s32 $0xFFFFFFFF, s3;
	s1 =	sadd.s32 $0x10, s1  }
0x1b6: {  	[tilespmem:s1+$0x0] =	vst v1  }
.LBB2_38:
0x1b7: {  	s1 =	sor.u32 $0x1, s19  }
0x1b8: {  	s3 =	sshll.u32 s1, $0x2  }
0x1b9: {  	s3 =	sand.u32 $0x3FFFFFFC, s3  }
0x1ba: {  	v5 =	vld [tilespmem:s3+$0x3000];
	_ =	sdelay $0x4  }
0x1bb: {  	s19 =	simm.s32 $0xFFFFFFFC;
	p0 =	por $0x0, $0x0;
	v3 =	vbroadcast v5, $0x0;
	v6 =	vbroadcast v5, $0x1  }
0x1bc: {  	s9 =	simm.s32 $0x0;
	s10 =	simm.s32 $0x0;
	s12 =	simm.s32 $0x0;
	v4 =	vbroadcast v5, $0x2;
	v5 =	vbroadcast v5, $0x3  }
.LBB2_39:
0x1bd: {  	s3 =	sshra.s32 s10, $0x2  }
0x1be: {  	v7 =	vld [tilespmem:s3+$0x0];
	_ =	sdelay $0x2  }
0x1bf: {  	v8 =	vld [tilespmem:s3+$0x800];
	_ =	sdelay $0x1  }
0x1c0: {  	vm0 =	vgt.f32 v7, v3  }
0x1c1: {  	vm1 =	vlt.f32 v7, v6;
	vm2 =	vlt.f32 v7, $0.0e+00;
	vm3 =	vgt.f32 v7, $0.0e+00  }
0x1c2: {  	vm0 =	vmand vm0, vm1;
	vm11 =	vmor vm3, vm2  }
0x1c3: {  	vm12 =	vgt.f32 v8, v4;
	vm13 =	vlt.f32 v8, v5;
	vm0 =	vmand vm11, vm0  }
0x1c4: {  	vm14 =	vlt.f32 v8, $0.0e+00;
	vm15 =	vgt.f32 v8, $0.0e+00;
	vm0 =	vmand vm12, vm0  }
0x1c5: {  	vm6 =	vmor vm15, vm14;
	vm0 =	vmand vm13, vm0  }
0x1c6: {  	vm0 =	vmand vm6, vm0  }
0x1c7: {  	v9 =	vmpcnt.ones.xlane vm0;
	_ =	sdelay $0x1  }
0x1c8: {  	(v2sf) =	vpush v9, $0x0;
	_ =	sdelay $0xe  }
0x1c9: {  	s4 =	spop (v2sf)  }
0x1ca: {  	p1 =	slt.s32 s4, $0x1  }
0x1cb: {  	v9 =	vimm.s32 @!p1 $0x0  }
0x1cc: {  	v9 =	vsel @!p1 vm0, $0x1, v9  }
0x1cd: {  	(xrf0) =	vadd.scan.msk.s32 @!p1 $0xffff, v9;
	_ =	sdelay $0x2  }
0x1ce: {  	v9 =	vmov @!p1 s12  }
0x1cf: {  	v9 =	vadd.s32 @!p1 $0xFFFFFFFF, v9  }
0x1d0: {  	v9 =	vbroadcast @!p1 v9, $0x0  }
0x1d1: {  	v10, _, _ =	vpop @!p1 (xrf0)  }
0x1d2: {  	v9 =	vadd.s32 @!p1 v10, v9  }
0x1d3: {  	v10 =	vshll.u32 @!p1 v9, $0x1  }
0x1d4: {  	v7 =	vsub.f32 @!p1 v7, v3;
	v11 =	vor.u32 @!p1 $0x1, v10  }
0x1d5: {  	v8 =	vsub.f32 @!p1 v8, v4  }
0x1d6: {  	v7 =	vmul.f32 @!p1 v7, v2  }
0x1d7: {  	s3 =	simm.s32 @!p1 $0x4200;
	v8 =	vmul.f32 @!p1 v8, v2  }
0x1d8: {  	s13 =	sand.u32 $0x40, s9;
	s8 =	sand.u32 @!p1 $0x1E00, s10;
	[tilespmem:v10+s3+$0x0] =	vst.idx.msk @!p1 vm0, v7  }
0x1d9: {  	[tilespmem:v11+s3+$0x0] =	vst.idx.msk @!p1 vm0, v8;
	s3 =	sor.u32 @!p1 s13, s8  }
0x1da: {  	v8 =	vshll.u32 @!p1 v9, $0x2;
	v7 =	vld @!p1 [tilespmem:s3+$0x1000];
	_ =	sdelay $0x3  }
0x1db: {  	s8 =	simm.s32 @!p1 $0x7180  }
0x1dc: {  	[tilespmem:v8+s8+$0x0] =	vst.idx.msk @!p1 vm0, v7  }
0x1dd: {  	v10 =	vor.u32 @!p1 $0x1, v8;
	v7 =	vld @!p1 [tilespmem:s3+$0x1080]  }
0x1de: {  	s3 =	simm.s32 $0x1  }
0x1df: {  	s3 =	simm.s32 @!p0 $0x0  }
0x1e0: {  	s3 =	sshll.u32 s3, $0x6  }
0x1e1: {  	s11 =	sadd.s32 s3, s10  }
0x1e2: {  	s3 =	sor.u32 @!p1 $0x100, s11;
	[tilespmem:v10+s8+$0x0] =	vst.idx.msk @!p1 vm0, v7  }
0x1e3: {  	v10 =	vor.u32 @!p1 $0x2, v8;
	v7 =	vld @!p1 [tilespmem:s3+$0x1000];
	_ =	sdelay $0x4  }
0x1e4: {  	s3 =	sor.u32 @!p1 $0x180, s11;
	[tilespmem:v10+s8+$0x0] =	vst.idx.msk @!p1 vm0, v7  }
0x1e5: {  	v8 =	vor.u32 @!p1 $0x3, v8;
	v7 =	vld @!p1 [tilespmem:s3+$0x1000];
	_ =	sdelay $0x4  }
0x1e6: {  	s16 =	sor.u32 $0x10, s13;
	v10 =	vimm.s32 @!p1 $0x1;
	s3 =	simm.s32 @!p1 $0x9900;
	[tilespmem:v8+s8+$0x0] =	vst.idx.msk @!p1 vm0, v7;
	s8 =	sand.u32 $0x780, s9  }
0x1e7: {  	[tilespmem:v9+s3+$0x0] =	vst.idx.msk @!p1 vm0, v10;
	s24 =	sor.u32 s8, s16  }
0x1e8: {  	v7 =	vld [tilespmem:s24+$0x0];
	_ =	sdelay $0x2  }
0x1e9: {  	v8 =	vld [tilespmem:s24+$0x800];
	_ =	sdelay $0x1  }
0x1ea: {  	vm7 =	vgt.f32 v7, v3  }
0x1eb: {  	vm8 =	vlt.f32 v7, v6;
	vm9 =	vlt.f32 v7, $0.0e+00;
	vm10 =	vgt.f32 v7, $0.0e+00  }
0x1ec: {  	vm0 =	vmand vm7, vm8;
	vm11 =	vmor vm10, vm9  }
0x1ed: {  	vm12 =	vgt.f32 v8, v4;
	vm13 =	vlt.f32 v8, v5;
	vm0 =	vmand vm11, vm0  }
0x1ee: {  	vm14 =	vlt.f32 v8, $0.0e+00;
	vm15 =	vgt.f32 v8, $0.0e+00;
	vm0 =	vmand vm12, vm0  }
0x1ef: {  	vm6 =	vmor vm15, vm14;
	vm0 =	vmand vm13, vm0  }
0x1f0: {  	vm0 =	vmand vm6, vm0  }
0x1f1: {  	v61 =	vmpcnt.ones.xlane vm0;
	_ =	sdelay $0x1  }
0x1f2: {  	(v2sf) =	vpush v61, $0x0;
	_ =	sdelay $0xe  }
0x1f3: {  	s3 =	spop (v2sf)  }
0x1f4: {  	p1 =	slt.s32 s3, $0x1  }
0x1f5: {  	v9 =	vimm.s32 @!p1 $0x0  }
0x1f6: {  	v9 =	vsel @!p1 vm0, $0x1, v9  }
0x1f7: {  	(xrf0) =	vadd.scan.msk.s32 @!p1 $0xffff, v9;
	_ =	sdelay $0x1  }
0x1f8: {  	s12 =	sadd.s32 s12, s4  }
0x1f9: {  	v9 =	vmov @!p1 s12  }
0x1fa: {  	v9 =	vadd.s32 @!p1 $0xFFFFFFFF, v9  }
0x1fb: {  	v9 =	vbroadcast @!p1 v9, $0x0  }
0x1fc: {  	v10, _, _ =	vpop @!p1 (xrf0)  }
0x1fd: {  	v9 =	vadd.s32 @!p1 v10, v9  }
0x1fe: {  	v10 =	vshll.u32 @!p1 v9, $0x1  }
0x1ff: {  	v7 =	vsub.f32 @!p1 v7, v3;
	v11 =	vor.u32 @!p1 $0x1, v10  }
0x200: {  	v8 =	vsub.f32 @!p1 v8, v4  }
0x201: {  	v7 =	vmul.f32 @!p1 v7, v2  }
0x202: {  	s4 =	simm.s32 @!p1 $0x4200;
	v8 =	vmul.f32 @!p1 v8, v2  }
0x203: {  	s24 =	sand.u32 @!p1 $0x1E00, s10;
	[tilespmem:v10+s4+$0x0] =	vst.idx.msk @!p1 vm0, v7  }
0x204: {  	[tilespmem:v11+s4+$0x0] =	vst.idx.msk @!p1 vm0, v8;
	s4 =	sor.u32 @!p1 s16, s24  }
0x205: {  	v8 =	vshll.u32 @!p1 v9, $0x2;
	v7 =	vld @!p1 [tilespmem:s4+$0x1000];
	_ =	sdelay $0x3  }
0x206: {  	s16 =	simm.s32 @!p1 $0x7180  }
0x207: {  	[tilespmem:v8+s16+$0x0] =	vst.idx.msk @!p1 vm0, v7  }
0x208: {  	v10 =	vor.u32 @!p1 $0x1, v8;
	v7 =	vld @!p1 [tilespmem:s4+$0x1080];
	_ =	sdelay $0x3  }
0x209: {  	s4 =	sadd.s32 @!p1 $0x10, s11  }
0x20a: {  	s24 =	sor.u32 @!p1 $0x100, s4;
	[tilespmem:v10+s16+$0x0] =	vst.idx.msk @!p1 vm0, v7  }
0x20b: {  	v10 =	vor.u32 @!p1 $0x2, v8;
	v7 =	vld @!p1 [tilespmem:s24+$0x1000];
	_ =	sdelay $0x4  }
0x20c: {  	s4 =	sor.u32 @!p1 $0x180, s4;
	[tilespmem:v10+s16+$0x0] =	vst.idx.msk @!p1 vm0, v7  }
0x20d: {  	v8 =	vor.u32 @!p1 $0x3, v8;
	v7 =	vld @!p1 [tilespmem:s4+$0x1000];
	_ =	sdelay $0x4  }
0x20e: {  	v10 =	vimm.s32 @!p1 $0x1;
	s4 =	simm.s32 @!p1 $0x9900;
	[tilespmem:v8+s16+$0x0] =	vst.idx.msk @!p1 vm0, v7;
	s16 =	sor.u32 $0x20, s13  }
0x20f: {  	[tilespmem:v9+s4+$0x0] =	vst.idx.msk @!p1 vm0, v10;
	s24 =	sor.u32 s8, s16  }
0x210: {  	v7 =	vld [tilespmem:s24+$0x0];
	_ =	sdelay $0x2  }
0x211: {  	v8 =	vld [tilespmem:s24+$0x800];
	_ =	sdelay $0x1  }
0x212: {  	vm7 =	vgt.f32 v7, v3  }
0x213: {  	vm8 =	vlt.f32 v7, v6;
	vm9 =	vlt.f32 v7, $0.0e+00;
	vm10 =	vgt.f32 v7, $0.0e+00  }
0x214: {  	vm0 =	vmand vm7, vm8;
	vm11 =	vmor vm10, vm9  }
0x215: {  	vm12 =	vgt.f32 v8, v4;
	vm13 =	vlt.f32 v8, v5;
	vm0 =	vmand vm11, vm0  }
0x216: {  	vm14 =	vlt.f32 v8, $0.0e+00;
	vm15 =	vgt.f32 v8, $0.0e+00;
	vm0 =	vmand vm12, vm0  }
0x217: {  	vm5 =	vmor vm15, vm14;
	vm0 =	vmand vm13, vm0  }
0x218: {  	vm0 =	vmand vm5, vm0  }
0x219: {  	v62 =	vmpcnt.ones.xlane vm0;
	_ =	sdelay $0x1  }
0x21a: {  	(v2sf) =	vpush v62, $0x0;
	_ =	sdelay $0xe  }
0x21b: {  	s4 =	spop (v2sf)  }
0x21c: {  	p1 =	slt.s32 s4, $0x1  }
0x21d: {  	v9 =	vimm.s32 @!p1 $0x0  }
0x21e: {  	v9 =	vsel @!p1 vm0, $0x1, v9  }
0x21f: {  	(xrf0) =	vadd.scan.msk.s32 @!p1 $0xffff, v9;
	_ =	sdelay $0x1  }
0x220: {  	s3 =	sadd.s32 s12, s3  }
0x221: {  	v9 =	vmov @!p1 s3  }
0x222: {  	v9 =	vadd.s32 @!p1 $0xFFFFFFFF, v9  }
0x223: {  	v9 =	vbroadcast @!p1 v9, $0x0  }
0x224: {  	v10, _, _ =	vpop @!p1 (xrf0)  }
0x225: {  	v9 =	vadd.s32 @!p1 v10, v9  }
0x226: {  	v10 =	vshll.u32 @!p1 v9, $0x1  }
0x227: {  	v7 =	vsub.f32 @!p1 v7, v3;
	v11 =	vor.u32 @!p1 $0x1, v10  }
0x228: {  	v8 =	vsub.f32 @!p1 v8, v4  }
0x229: {  	v7 =	vmul.f32 @!p1 v7, v2  }
0x22a: {  	s12 =	simm.s32 @!p1 $0x4200;
	v8 =	vmul.f32 @!p1 v8, v2  }
0x22b: {  	s24 =	sand.u32 @!p1 $0x1E00, s10;
	[tilespmem:v10+s12+$0x0] =	vst.idx.msk @!p1 vm0, v7  }
0x22c: {  	[tilespmem:v11+s12+$0x0] =	vst.idx.msk @!p1 vm0, v8;
	s12 =	sor.u32 @!p1 s16, s24  }
0x22d: {  	v8 =	vshll.u32 @!p1 v9, $0x2;
	v7 =	vld @!p1 [tilespmem:s12+$0x1000];
	_ =	sdelay $0x3  }
0x22e: {  	s16 =	simm.s32 @!p1 $0x7180  }
0x22f: {  	[tilespmem:v8+s16+$0x0] =	vst.idx.msk @!p1 vm0, v7  }
0x230: {  	v10 =	vor.u32 @!p1 $0x1, v8;
	v7 =	vld @!p1 [tilespmem:s12+$0x1080];
	_ =	sdelay $0x3  }
0x231: {  	s12 =	sadd.s32 @!p1 $0x20, s11  }
0x232: {  	s24 =	sor.u32 @!p1 $0x100, s12;
	[tilespmem:v10+s16+$0x0] =	vst.idx.msk @!p1 vm0, v7  }
0x233: {  	v10 =	vor.u32 @!p1 $0x2, v8;
	v7 =	vld @!p1 [tilespmem:s24+$0x1000];
	_ =	sdelay $0x4  }
0x234: {  	s12 =	sor.u32 @!p1 $0x180, s12;
	[tilespmem:v10+s16+$0x0] =	vst.idx.msk @!p1 vm0, v7  }
0x235: {  	v8 =	vor.u32 @!p1 $0x3, v8;
	v7 =	vld @!p1 [tilespmem:s12+$0x1000];
	_ =	sdelay $0x4  }
0x236: {  	s13 =	sor.u32 $0x30, s13;
	v10 =	vimm.s32 @!p1 $0x1;
	s12 =	simm.s32 @!p1 $0x9900;
	[tilespmem:v8+s16+$0x0] =	vst.idx.msk @!p1 vm0, v7  }
0x237: {  	s8 =	sor.u32 s8, s13;
	[tilespmem:v9+s12+$0x0] =	vst.idx.msk @!p1 vm0, v10  }
0x238: {  	v7 =	vld [tilespmem:s8+$0x0];
	_ =	sdelay $0x2  }
0x239: {  	v8 =	vld [tilespmem:s8+$0x800];
	_ =	sdelay $0x1  }
0x23a: {  	vm6 =	vgt.f32 v7, v3  }
0x23b: {  	vm7 =	vlt.f32 v7, v6;
	vm8 =	vlt.f32 v7, $0.0e+00;
	vm9 =	vgt.f32 v7, $0.0e+00  }
0x23c: {  	vm0 =	vmand vm6, vm7;
	vm10 =	vmor vm9, vm8  }
0x23d: {  	vm11 =	vgt.f32 v8, v4;
	vm12 =	vlt.f32 v8, v5;
	vm0 =	vmand vm10, vm0  }
0x23e: {  	vm13 =	vlt.f32 v8, $0.0e+00;
	vm14 =	vgt.f32 v8, $0.0e+00;
	vm0 =	vmand vm11, vm0  }
0x23f: {  	vm15 =	vmor vm14, vm13;
	vm0 =	vmand vm12, vm0  }
0x240: {  	vm0 =	vmand vm15, vm0  }
0x241: {  	v63 =	vmpcnt.ones.xlane vm0;
	_ =	sdelay $0x1  }
0x242: {  	(v2sf) =	vpush v63, $0x0;
	_ =	sdelay $0xe  }
0x243: {  	s24 =	spop (v2sf)  }
0x244: {  	p1 =	slt.s32 s24, $0x1  }
0x245: {  	v9 =	vimm.s32 @!p1 $0x0  }
0x246: {  	v9 =	vsel @!p1 vm0, $0x1, v9  }
0x247: {  	(xrf0) =	vadd.scan.msk.s32 @!p1 $0xffff, v9;
	_ =	sdelay $0x1  }
0x248: {  	s3 =	sadd.s32 s3, s4  }
0x249: {  	v9 =	vmov @!p1 s3  }
0x24a: {  	v9 =	vadd.s32 @!p1 $0xFFFFFFFF, v9  }
0x24b: {  	v9 =	vbroadcast @!p1 v9, $0x0  }
0x24c: {  	v10, _, _ =	vpop @!p1 (xrf0)  }
0x24d: {  	v9 =	vadd.s32 @!p1 v10, v9  }
0x24e: {  	v10 =	vshll.u32 @!p1 v9, $0x1  }
0x24f: {  	v7 =	vsub.f32 @!p1 v7, v3;
	v11 =	vor.u32 @!p1 $0x1, v10  }
0x250: {  	v8 =	vsub.f32 @!p1 v8, v4  }
0x251: {  	v7 =	vmul.f32 @!p1 v7, v2  }
0x252: {  	s4 =	simm.s32 @!p1 $0x4200;
	v8 =	vmul.f32 @!p1 v8, v2  }
0x253: {  	s12 =	sand.u32 @!p1 $0x1E00, s10;
	[tilespmem:v10+s4+$0x0] =	vst.idx.msk @!p1 vm0, v7  }
0x254: {  	[tilespmem:v11+s4+$0x0] =	vst.idx.msk @!p1 vm0, v8;
	s4 =	sor.u32 @!p1 s13, s12  }
0x255: {  	v8 =	vshll.u32 @!p1 v9, $0x2;
	v7 =	vld @!p1 [tilespmem:s4+$0x1000];
	_ =	sdelay $0x3  }
0x256: {  	s12 =	simm.s32 @!p1 $0x7180  }
0x257: {  	[tilespmem:v8+s12+$0x0] =	vst.idx.msk @!p1 vm0, v7  }
0x258: {  	v10 =	vor.u32 @!p1 $0x1, v8;
	v7 =	vld @!p1 [tilespmem:s4+$0x1080];
	_ =	sdelay $0x3  }
0x259: {  	s4 =	sadd.s32 @!p1 $0x30, s11  }
0x25a: {  	s11 =	sor.u32 @!p1 $0x100, s4;
	[tilespmem:v10+s12+$0x0] =	vst.idx.msk @!p1 vm0, v7  }
0x25b: {  	v10 =	vor.u32 @!p1 $0x2, v8;
	v7 =	vld @!p1 [tilespmem:s11+$0x1000];
	_ =	sdelay $0x4  }
0x25c: {  	s4 =	sor.u32 @!p1 $0x180, s4;
	[tilespmem:v10+s12+$0x0] =	vst.idx.msk @!p1 vm0, v7  }
0x25d: {  	s19 =	sadd.s32 $0x4, s19;
	v8 =	vor.u32 @!p1 $0x3, v8;
	v7 =	vld @!p1 [tilespmem:s4+$0x1000]  }
0x25e: {  	p2 =	slt.u32 s19, $0x78  }
.Ltmp28:
0x25f: {  	_ = 	snop;
	(pc) =	sbr.rel @p2 .LBB2_39-.Ltmp28, $3  }
0x260: {  	_ =	sdelay $0x1  }
0x261: {  	p0 =	por !p0, !p0;
	v10 =	vimm.s32 @!p1 $0x1;
	s4 =	simm.s32 @!p1 $0x9900;
	[tilespmem:v8+s12+$0x0] =	vst.idx.msk @!p1 vm0, v7  }
0x262: {  	s9 =	sadd.s32 $0x40, s9;
	s10 =	sadd.s32 $0x100, s10;
	s12 =	sadd.s32 s3, s24;
	[tilespmem:v9+s4+$0x0] =	vst.idx.msk @!p1 vm0, v10  }
0x263: {  	v7 =	vld [tilespmem:$0x7C0];
	_ =	sdelay $0x2  }
0x264: {  	v8 =	vld [tilespmem:$0xFC0];
	_ =	sdelay $0x1  }
0x265: {  	vm0 =	vgt.f32 v7, v3  }
0x266: {  	vm1 =	vlt.f32 v7, v6;
	vm2 =	vlt.f32 v7, $0.0e+00;
	vm3 =	vgt.f32 v7, $0.0e+00  }
0x267: {  	vm0 =	vmand vm0, vm1;
	vm10 =	vmor vm3, vm2  }
0x268: {  	vm11 =	vgt.f32 v8, v4;
	vm12 =	vlt.f32 v8, v5;
	vm0 =	vmand vm10, vm0  }
0x269: {  	vm13 =	vlt.f32 v8, $0.0e+00;
	vm14 =	vgt.f32 v8, $0.0e+00;
	vm0 =	vmand vm11, vm0  }
0x26a: {  	vm15 =	vmor vm14, vm13;
	vm0 =	vmand vm12, vm0  }
0x26b: {  	vm0 =	vmand vm15, vm0  }
0x26c: {  	v62 =	vmpcnt.ones.xlane vm0;
	_ =	sdelay $0x1  }
0x26d: {  	(v2sf) =	vpush v62, $0x0;
	_ =	sdelay $0xe  }
0x26e: {  	s3 =	spop (v2sf)  }
0x26f: {  	p0 =	slt.s32 s3, $0x1  }
0x270: {  	v5 =	vimm.s32 @!p0 $0x0  }
0x271: {  	v5 =	vsel @!p0 vm0, $0x1, v5  }
0x272: {  	(xrf0) =	vadd.scan.msk.s32 @!p0 $0xffff, v5;
	_ =	sdelay $0x2  }
0x273: {  	v5 =	vmov @!p0 s12  }
0x274: {  	v5 =	vadd.s32 @!p0 $0xFFFFFFFF, v5  }
0x275: {  	v5 =	vbroadcast @!p0 v5, $0x0  }
0x276: {  	v6, _, _ =	vpop @!p0 (xrf0)  }
0x277: {  	v5 =	vadd.s32 @!p0 v6, v5  }
0x278: {  	v6 =	vshll.u32 @!p0 v5, $0x1  }
0x279: {  	v3 =	vsub.f32 @!p0 v7, v3;
	v7 =	vor.u32 @!p0 $0x1, v6  }
0x27a: {  	v4 =	vsub.f32 @!p0 v8, v4  }
0x27b: {  	v3 =	vmul.f32 @!p0 v3, v2  }
0x27c: {  	s4 =	simm.s32 @!p0 $0x4200;
	v4 =	vmul.f32 @!p0 v4, v2  }
0x27d: {  	[tilespmem:v6+s4+$0x0] =	vst.idx.msk @!p0 vm0, v3  }
0x27e: {  	[tilespmem:v7+s4+$0x0] =	vst.idx.msk @!p0 vm0, v4  }
0x27f: {  	v4 =	vshll.u32 @!p0 v5, $0x2;
	v3 =	vld @!p0 [tilespmem:$0x2E40];
	_ =	sdelay $0x3  }
0x280: {  	s4 =	simm.s32 @!p0 $0x7180  }
0x281: {  	[tilespmem:v4+s4+$0x0] =	vst.idx.msk @!p0 vm0, v3  }
0x282: {  	v6 =	vor.u32 @!p0 $0x1, v4;
	v3 =	vld @!p0 [tilespmem:$0x2EC0];
	_ =	sdelay $0x4  }
0x283: {  	[tilespmem:v6+s4+$0x0] =	vst.idx.msk @!p0 vm0, v3  }
0x284: {  	v6 =	vor.u32 @!p0 $0x2, v4;
	v3 =	vld @!p0 [tilespmem:$0x2F40];
	_ =	sdelay $0x4  }
0x285: {  	[tilespmem:v6+s4+$0x0] =	vst.idx.msk @!p0 vm0, v3  }
0x286: {  	v4 =	vor.u32 @!p0 $0x3, v4;
	v3 =	vld @!p0 [tilespmem:$0x2FC0];
	_ =	sdelay $0x1  }
0x287: {  	v63 =	vmov s1  }
0x288: {  	s16 =	sshll.u32 s1, $0x7  }
0x289: {  	s8 =	sand.u32 $0x380, s16  }
0x28a: {  	s19 =	sor.u32 s8, s18;
	s1 =	sadd.s32 s12, s3;
	v7 =	vimm.s32 @!p0 $0x1;
	[tilespmem:v4+s4+$0x0] =	vst.idx.msk @!p0 vm0, v3;
	s4 =	simm.s32 @!p0 $0x9900  }
0x28b: {  	s3 =	sshrl.u32 s19, $0x3;
	v3 =	vmov s1;
	[tilespmem:v5+s4+$0x0] =	vst.idx.msk @!p0 vm0, v7  }
0x28c: {  	s0 =	sadd.s32 $0x1, s0;
	s20 =	sor.u32 s8, s20;
	s3 =	sadd.s32 s2, s3;
	[tilespmem:v63+s22+$0x0] =	vst.idx.msk $0x1, v3  }
0x28d: {  	[hbm4b:s3+s14] =	stream.strided.scatter [tilespmem:s28], [sflag:$0x2], $0x1000, s23, s14, $0x38;
	[tilespmem:$0xA180] =	vst v63  }
0x28e: {  	p0 =	sne.s32 s0, $0x24;
	s3 =	sshrl.u32 s20, $0x3  }
.Ltmp29:
0x28f: {  	s24 =	sor.u32 s8, s15;
	s3 =	sadd.s32 s5, s3;
	(pc) =	sbr.rel @p0 .LBB2_16-.Ltmp29, $4  }
0x290: {  	[hbm4b:s3+s14] =	stream.strided.scatter [tilespmem:s29], [sflag:$0x2], $0x1F80, s23, s14, $0x38;
	[tilespmem:$0xA180] =	vst v63  }
0x291: {  	s3 =	sshrl.u32 s24, $0x3  }
0x292: {  	s3 =	sadd.s32 s7, s3  }
0x293: {  	[hbm4b:s3+s14] =	stream.strided.scatter [tilespmem:s30], [sflag:$0x2], $0x800, s23, s14, $0x38;
	[tilespmem:$0xA180] =	vst v63  }
0x294: {  	_ =	swait.ge [sflag:s21], $0x1000  }
0x295: {  	[sflag:s21] =	ssyncset.done $0x0  }
0x296: {  	[sflag:s21] =	ssyncadd.s32 $0xFFFFF000  }
0x297: {  	_ =	swait.ge [sflag:s21], $0x1F80  }
0x298: {  	[sflag:s21] =	ssyncset.done $0x0  }
0x299: {  	[sflag:s21] =	ssyncadd.s32 $0xFFFFE080  }
0x29a: {  	_ =	swait.ge [sflag:s21], $0x800  }
0x29b: {  	[sflag:s21] =	ssyncset.done $0x0  }
0x29c: {  	[sflag:s21] =	ssyncadd.s32 $0xFFFFF800  }
0x29d: {  	_ =	swait.ge [sflag:s31], $0x1000  }
0x29e: {  	[sflag:s31] =	ssyncset.done $0x0  }
0x29f: {  	[sflag:s31] =	ssyncadd.s32 $0xFFFFF000  }
0x2a0: {  	_ =	swait.ge [sflag:s31], $0x1F80  }
0x2a1: {  	[sflag:s31] =	ssyncset.done $0x0  }
0x2a2: {  	[sflag:s31] =	ssyncadd.s32 $0xFFFFE080  }
0x2a3: {  	_ =	swait.ge [sflag:s31], $0x800  }
0x2a4: {  	s13 =	simm.s32 $0x0;
	[sflag:s31] =	ssyncset.done $0x0  }
0x2a5: {  	s3 =	simm.s32 $0x3;
	s0 =	rddreg [dreg:$0xc];
	[sflag:s31] =	ssyncadd.s32 $0xFFFFF800  }
0x2a6: {  	[hbm4b:s0+s13] =	stream.linear.scatter [tilespmem:s22], [sflag:$0x3], $0x48, $0x38;
	[tilespmem:$0xA180] =	vst v63  }
0x2a7: {  	_ =	swait.ge [sflag:s3], $0x48  }
0x2a8: {  	s1 =	rddreg [dreg:$0xe]  }
0x2a9: {  	s24 =	rddreg [dreg:$0xd];
	s1 =	sadd.s32 $0x1, s1  }
0x2aa: {  	p0 =	sne.s32 s1, s24  }
.Ltmp30:
0x2ab: {  	_ = 	snop;
	(pc) =	sbr.rel @p0 .LBB2_1-.Ltmp30, $3  }
0x2ac: {  	_ =	sdelay $0x1  }
0x2ad: {  	[sflag:s3] =	ssyncset.done $0x0  }
0x2ae: {  	[sflag:s3] =	ssyncadd.s32 $0xFFFFFFB8  }
0x2af: {  	_ =	sfence.sel $0x180000  }
0x2b0: {  	[bflag:$0x0] =	sbarrier.arrive $0xFFFF  }
0x2b1: {  	_ =	strace $0x90000047  }
0x2b2: {  	s0 =	stileid.u32;
	[bflag:$0x2] =	sbarrier.arrive $0xFFFF  }
0x2b3: {  	p0 =	sne.s32 s0, $0x0;
	s0 =	rddreg [dreg:$0x7]  }
0x2b4: {  	s0 =	sadd.s32 @!p0 $0x100000, s0  }
0x2b5: {  	[sflag:s0] =	ssyncadd.tile.s32 @!p0 $0x1;
	_ =	shalt  }
.Lfunc_end2:
_tile_overlayer_lowered:
.L_overlay_start_2:
0x2b6: {  	(tag) =	ssettag $0x2  }
0x2b7: {  	s0 =	rddreg [dreg:$0x0];
	s2 =	stileid.u32  }
0x2b8: {  	s1 =	rddreg [dreg:$0x1];
	p0 =	sne.s32 s2, $0x0  }
0x2b9: {  	s3 =	rddreg [dreg:$0x2];
	[bflag:$0x3] =	sbarrier.arrive $0xFFFF;
	s2 =	simm.s32 @!p0 $0x1C03  }
0x2ba: {  	[timem:s3], [sflag:s2] =	dma.local @!p0 [hbm:s0], s1  }
0x2bb: {  	s0 =	simm.s32 @!p0 $0x3  }
0x2bc: {  	_ =	swait.ge @!p0 [sflag:s0], s1  }
0x2bd: {  	s1 =	ssub.s32 @!p0 $0x0, s1;
	[sflag:s0] =	ssyncset.done @!p0 $0x0  }
0x2be: {  	[sflag:s0] =	ssyncadd.s32 @!p0 s1  }
0x2bf: {  	[bflag:$0x3] =	sbarrier.arrive $0xFFFF  }
0x2c0: {  	_ =	shalt  }

</sc_bundles>
